<compile_context>
chip_gen: v7x
topology: tpu7x:2x2x1
jax: 0.10.2.dev20260603
libtpu: 0.0.44.dev20260713+nightly
codegen_flags: <defaults>
</compile_context>

<pallas_src>
import functools

import jax
import jax.numpy as jnp
from jax import lax
from jax.experimental import pallas as pl
from jax.experimental.pallas import tpu as pltpu
from jax.experimental.pallas import tpu_sc as plsc

BATCH = 16384
DIM = 64
NUM_WORKERS = 32
B_PER_W = BATCH // NUM_WORKERS


def _body(user_table, video_table, user_idx, video_idx, out_hbm,
          shidx, sidx_u, sidx_v, rows_u, rows_v, out_v,
          su0, su1, su2, su3, sv0, sv1, sv2, sv3):
    wid = lax.axis_index("s") * 2 + lax.axis_index("c")
    base = wid * B_PER_W

    sid = lax.axis_index("s") * 2 + lax.axis_index("c")
    pltpu.sync_copy(user_idx.at[pl.ds(base, B_PER_W)], shidx.at[sid, 0])
    pltpu.sync_copy(video_idx.at[pl.ds(base, B_PER_W)], shidx.at[sid, 1])
    pltpu.sync_copy(shidx.at[sid, 0], sidx_u)
    pltpu.sync_copy(shidx.at[sid, 1], sidx_v)

    sems_u = (su0, su1, su2, su3)
    sems_v = (sv0, sv1, sv2, sv3)
    NSEM = 4
    lane = lax.iota(jnp.int32, 16)
    HALF = B_PER_W // 2

    for c in range(2):
        def fire(i, carry, c=c):
            for k in range(NSEM):
                r = i * NSEM + k
                su = sidx_u[c * HALF + r]
                sv = sidx_v[c * HALF + r]
                pltpu.async_copy(
                    user_table.at[pl.ds(su, 1)],
                    rows_u.at[pl.ds(r, 1)], sems_u[k])
                pltpu.async_copy(
                    video_table.at[pl.ds(sv, 1)],
                    rows_v.at[pl.ds(r, 1)], sems_v[k])
            return carry

        lax.fori_loop(0, HALF // NSEM, fire, 0)

        part = HALF // NSEM
        for k in range(NSEM):
            pltpu.make_async_copy(
                user_table.at[pl.ds(0, part)],
                rows_u.at[pl.ds(k * part, part)], sems_u[k]).wait()
            pltpu.make_async_copy(
                video_table.at[pl.ds(0, part)],
                rows_v.at[pl.ds(k * part, part)], sems_v[k]).wait()

        def group(g, carry, c=c):
            row_idx = g * 16 + lane
            acc = jnp.zeros((16,), jnp.float32)
            for j in range(DIM):
                col_idx = jnp.full((16,), j, jnp.int32)
                u = plsc.load_gather(rows_u, [row_idx, col_idx])
                v = plsc.load_gather(rows_v, [row_idx, col_idx])
                acc = acc + u * v
            out_v[pl.ds(c * HALF + g * 16, 16)] = acc
            return carry

        lax.fori_loop(0, HALF // 16, group, 0)

    pltpu.sync_copy(out_v, out_hbm.at[pl.ds(base, B_PER_W)])


@jax.jit
def kernel(user_idx, video_idx, user_table, video_table):
    mesh = plsc.VectorSubcoreMesh(core_axis_name="c", subcore_axis_name="s")
    k = functools.partial(
        pl.kernel,
        mesh=mesh,
        out_type=jax.ShapeDtypeStruct((BATCH,), jnp.float32),
        scratch_types=[
            pltpu.VMEM_SHARED((32, 2, B_PER_W), jnp.int32),
            pltpu.SMEM((B_PER_W,), jnp.int32),
            pltpu.SMEM((B_PER_W,), jnp.int32),
            pltpu.VMEM((B_PER_W // 2, DIM), jnp.float32),
            pltpu.VMEM((B_PER_W // 2, DIM), jnp.float32),
            pltpu.VMEM((B_PER_W,), jnp.float32),
            pltpu.SemaphoreType.DMA,
            pltpu.SemaphoreType.DMA,
            pltpu.SemaphoreType.DMA,
            pltpu.SemaphoreType.DMA,
            pltpu.SemaphoreType.DMA,
            pltpu.SemaphoreType.DMA,
            pltpu.SemaphoreType.DMA,
            pltpu.SemaphoreType.DMA,
        ],
        compiler_params=pltpu.CompilerParams(needs_layout_passes=False),
    )(_body)
    return k(user_table, video_table,
             user_idx.astype(jnp.int32), video_idx.astype(jnp.int32))

# --- scband reference (transcript-rebuilt; emitter-appended) ---
"""Pipeline reference for scband-recommender-35124242547315 (READ-ONLY COPY).

The authoritative reference and input builder live on the scoring server;
editing this copy changes nothing except your own understanding.
"""

import jax, jax.numpy as jnp
import numpy as np

N_USERS = 1000000
N_VIDEOS = 1000000
DIM = 64
BATCH = 16384


def setup_inputs(seed: int = 0) -> dict:
    key = jax.random.key(seed)
    k1, k2, k3, k4 = jax.random.split(key, 4)
    user_idx = jax.random.randint(k1, (BATCH,), 0, N_USERS, dtype=jnp.int64 if jax.config.jax_enable_x64 else jnp.int32)
    video_idx = jax.random.randint(k2, (BATCH,), 0, N_VIDEOS, dtype=jnp.int64 if jax.config.jax_enable_x64 else jnp.int32)
    user_table = jax.random.normal(k3, (N_USERS, DIM), dtype=jnp.float32)
    video_table = jax.random.normal(k4, (N_VIDEOS, DIM), dtype=jnp.float32)
    return {"user_idx": user_idx, "video_idx": video_idx, "user_table": user_table, "video_table": video_table}


def reference(user_idx, video_idx, user_table, video_table):
    u = jnp.take(user_table, user_idx, axis=0)
    v = jnp.take(video_table, video_idx, axis=0)
    return (u * v).sum(axis=1)

if __name__ == "__main__":
    import jax
    _d = setup_inputs()
    print(jax.jit(kernel)(*tuple(_d.values())))

</pallas_src>

<mosaic_0001>
#map = affine_map<(d0, d1) -> (0, 0)>
#map1 = affine_map<(d0, d1) -> (0)>
module attributes {stable_mosaic.version = 14 : i64} {
  func.func @_body(%arg0: i32, %arg1: i32, %arg2: memref<1000000x64xf32, #tpu.memory_space<hbm>>, %arg3: memref<1000000x64xf32, #tpu.memory_space<hbm>>, %arg4: memref<16384xi32, #tpu.memory_space<hbm>>, %arg5: memref<16384xi32, #tpu.memory_space<hbm>>, %arg6: memref<16384xf32, #tpu.memory_space<hbm>>, %arg7: memref<32x2x512xi32, #tpu.memory_space<vmem_shared>>, %arg8: memref<512xi32, #tpu.memory_space<smem>>, %arg9: memref<512xi32, #tpu.memory_space<smem>>, %arg10: memref<256x64xf32, #tpu.memory_space<vmem>>, %arg11: memref<256x64xf32, #tpu.memory_space<vmem>>, %arg12: memref<512xf32, #tpu.memory_space<vmem>>, %arg13: memref<!tpu.dma_semaphore, #tpu.memory_space<semaphore_mem>>, %arg14: memref<!tpu.dma_semaphore, #tpu.memory_space<semaphore_mem>>, %arg15: memref<!tpu.dma_semaphore, #tpu.memory_space<semaphore_mem>>, %arg16: memref<!tpu.dma_semaphore, #tpu.memory_space<semaphore_mem>>, %arg17: memref<!tpu.dma_semaphore, #tpu.memory_space<semaphore_mem>>, %arg18: memref<!tpu.dma_semaphore, #tpu.memory_space<semaphore_mem>>, %arg19: memref<!tpu.dma_semaphore, #tpu.memory_space<semaphore_mem>>, %arg20: memref<!tpu.dma_semaphore, #tpu.memory_space<semaphore_mem>>) attributes {dimension_semantics = [#tpu.dimension_semantics<core_parallel>, #tpu.dimension_semantics<subcore_parallel>], iteration_bounds = array<i64: 2, 16>, scalar_prefetch = 0 : i64, scratch_operands = 14 : i64, tpu.core_type = #tpu.core_type<sc_vector_subcore>, window_params = [{transform_indices = #map}, {transform_indices = #map}, {transform_indices = #map1}, {transform_indices = #map1}, {transform_indices = #map1}]} {
    %mul3A = arith.constant 2 : i32
    %mul3A_0 = arith.muli %arg1, %mul3A : i32
    %add3A = arith.addi %mul3A_0, %arg0 : i32
    %mul3A_1 = arith.constant 512 : i32
    %mul3A_2 = arith.muli %add3A, %mul3A_1 : i32
    %mul3A_3 = arith.constant 2 : i32
    %mul3A_4 = arith.muli %arg1, %mul3A_3 : i32
    %add3A_5 = arith.addi %mul3A_4, %arg0 : i32
    %run_scoped3A = arith.constant 0 : i32
    "tpu.region"() ({
      %run_scoped3A_223 = tpu.sem_alloc : memref<!tpu.dma_semaphore, #tpu.memory_space<semaphore_mem>>
      %dma_start3A = arith.constant 0 : i32
      %dma_start3A_224 = tpu.memref_slice %arg7[%add3A_5, %run_scoped3A, %dma_start3A] : memref<32x2x512xi32, #tpu.memory_space<vmem_shared>> -> memref<1x1x512xi32, #tpu.memory_space<vmem_shared>>
      %dma_start3A_225 = tpu.memref_squeeze %dma_start3A_224 : memref<1x1x512xi32, #tpu.memory_space<vmem_shared>> -> memref<512xi32, #tpu.memory_space<vmem_shared>>
      %dma_start3A_226 = tpu.memref_slice %arg4[%mul3A_2] : memref<16384xi32, #tpu.memory_space<hbm>> -> memref<512xi32, #tpu.memory_space<hbm>>
      tpu.enqueue_dma source(%dma_start3A_226 : memref<512xi32, #tpu.memory_space<hbm>>) target(%dma_start3A_225 : memref<512xi32, #tpu.memory_space<vmem_shared>>) target_semaphore(%run_scoped3A_223 : memref<!tpu.dma_semaphore, #tpu.memory_space<semaphore_mem>>)
      %dma_wait3A_227 = arith.constant 0 : i32
      %dma_wait3A_228 = tpu.memref_slice %arg7[%add3A_5, %run_scoped3A, %dma_wait3A_227] : memref<32x2x512xi32, #tpu.memory_space<vmem_shared>> -> memref<1x1x512xi32, #tpu.memory_space<vmem_shared>>
      %dma_wait3A_229 = tpu.memref_squeeze %dma_wait3A_228 : memref<1x1x512xi32, #tpu.memory_space<vmem_shared>> -> memref<512xi32, #tpu.memory_space<vmem_shared>>
      %dma_wait3A_230 = tpu.memref_slice %arg4[%mul3A_2] : memref<16384xi32, #tpu.memory_space<hbm>> -> memref<512xi32, #tpu.memory_space<hbm>>
      tpu.wait_dma2 semaphore(%run_scoped3A_223 : memref<!tpu.dma_semaphore, #tpu.memory_space<semaphore_mem>>) src(%dma_wait3A_230 : memref<512xi32, #tpu.memory_space<hbm>>) dst(%dma_wait3A_229 : memref<512xi32, #tpu.memory_space<vmem_shared>>)
      tpu.yield
    }) : () -> ()
    %run_scoped3A_6 = arith.constant 1 : i32
    "tpu.region"() ({
      %run_scoped3A_223 = tpu.sem_alloc : memref<!tpu.dma_semaphore, #tpu.memory_space<semaphore_mem>>
      %dma_start3A = arith.constant 0 : i32
      %dma_start3A_224 = tpu.memref_slice %arg7[%add3A_5, %run_scoped3A_6, %dma_start3A] : memref<32x2x512xi32, #tpu.memory_space<vmem_shared>> -> memref<1x1x512xi32, #tpu.memory_space<vmem_shared>>
      %dma_start3A_225 = tpu.memref_squeeze %dma_start3A_224 : memref<1x1x512xi32, #tpu.memory_space<vmem_shared>> -> memref<512xi32, #tpu.memory_space<vmem_shared>>
      %dma_start3A_226 = tpu.memref_slice %arg5[%mul3A_2] : memref<16384xi32, #tpu.memory_space<hbm>> -> memref<512xi32, #tpu.memory_space<hbm>>
      tpu.enqueue_dma source(%dma_start3A_226 : memref<512xi32, #tpu.memory_space<hbm>>) target(%dma_start3A_225 : memref<512xi32, #tpu.memory_space<vmem_shared>>) target_semaphore(%run_scoped3A_223 : memref<!tpu.dma_semaphore, #tpu.memory_space<semaphore_mem>>)
      %dma_wait3A_227 = arith.constant 0 : i32
      %dma_wait3A_228 = tpu.memref_slice %arg7[%add3A_5, %run_scoped3A_6, %dma_wait3A_227] : memref<32x2x512xi32, #tpu.memory_space<vmem_shared>> -> memref<1x1x512xi32, #tpu.memory_space<vmem_shared>>
      %dma_wait3A_229 = tpu.memref_squeeze %dma_wait3A_228 : memref<1x1x512xi32, #tpu.memory_space<vmem_shared>> -> memref<512xi32, #tpu.memory_space<vmem_shared>>
      %dma_wait3A_230 = tpu.memref_slice %arg5[%mul3A_2] : memref<16384xi32, #tpu.memory_space<hbm>> -> memref<512xi32, #tpu.memory_space<hbm>>
      tpu.wait_dma2 semaphore(%run_scoped3A_223 : memref<!tpu.dma_semaphore, #tpu.memory_space<semaphore_mem>>) src(%dma_wait3A_230 : memref<512xi32, #tpu.memory_space<hbm>>) dst(%dma_wait3A_229 : memref<512xi32, #tpu.memory_space<vmem_shared>>)
      tpu.yield
    }) : () -> ()
    %run_scoped3A_7 = arith.constant 0 : i32
    "tpu.region"() ({
      %run_scoped3A_223 = tpu.sem_alloc : memref<!tpu.dma_semaphore, #tpu.memory_space<semaphore_mem>>
      %dma_start3A = arith.constant 0 : i32
      %dma_start3A_224 = tpu.memref_slice %arg7[%add3A_5, %run_scoped3A_7, %dma_start3A] : memref<32x2x512xi32, #tpu.memory_space<vmem_shared>> -> memref<1x1x512xi32, #tpu.memory_space<vmem_shared>>
      %dma_start3A_225 = tpu.memref_squeeze %dma_start3A_224 : memref<1x1x512xi32, #tpu.memory_space<vmem_shared>> -> memref<512xi32, #tpu.memory_space<vmem_shared>>
      tpu.enqueue_dma source(%dma_start3A_225 : memref<512xi32, #tpu.memory_space<vmem_shared>>) target(%arg8 : memref<512xi32, #tpu.memory_space<smem>>) target_semaphore(%run_scoped3A_223 : memref<!tpu.dma_semaphore, #tpu.memory_space<semaphore_mem>>)
      %dma_wait3A_226 = arith.constant 0 : i32
      %dma_wait3A_227 = tpu.memref_slice %arg7[%add3A_5, %run_scoped3A_7, %dma_wait3A_226] : memref<32x2x512xi32, #tpu.memory_space<vmem_shared>> -> memref<1x1x512xi32, #tpu.memory_space<vmem_shared>>
      %dma_wait3A_228 = tpu.memref_squeeze %dma_wait3A_227 : memref<1x1x512xi32, #tpu.memory_space<vmem_shared>> -> memref<512xi32, #tpu.memory_space<vmem_shared>>
      tpu.wait_dma2 semaphore(%run_scoped3A_223 : memref<!tpu.dma_semaphore, #tpu.memory_space<semaphore_mem>>) src(%dma_wait3A_228 : memref<512xi32, #tpu.memory_space<vmem_shared>>) dst(%arg8 : memref<512xi32, #tpu.memory_space<smem>>)
      tpu.yield
    }) : () -> ()
    %run_scoped3A_8 = arith.constant 1 : i32
    "tpu.region"() ({
      %run_scoped3A_223 = tpu.sem_alloc : memref<!tpu.dma_semaphore, #tpu.memory_space<semaphore_mem>>
      %dma_start3A = arith.constant 0 : i32
      %dma_start3A_224 = tpu.memref_slice %arg7[%add3A_5, %run_scoped3A_8, %dma_start3A] : memref<32x2x512xi32, #tpu.memory_space<vmem_shared>> -> memref<1x1x512xi32, #tpu.memory_space<vmem_shared>>
      %dma_start3A_225 = tpu.memref_squeeze %dma_start3A_224 : memref<1x1x512xi32, #tpu.memory_space<vmem_shared>> -> memref<512xi32, #tpu.memory_space<vmem_shared>>
      tpu.enqueue_dma source(%dma_start3A_225 : memref<512xi32, #tpu.memory_space<vmem_shared>>) target(%arg9 : memref<512xi32, #tpu.memory_space<smem>>) target_semaphore(%run_scoped3A_223 : memref<!tpu.dma_semaphore, #tpu.memory_space<semaphore_mem>>)
      %dma_wait3A_226 = arith.constant 0 : i32
      %dma_wait3A_227 = tpu.memref_slice %arg7[%add3A_5, %run_scoped3A_8, %dma_wait3A_226] : memref<32x2x512xi32, #tpu.memory_space<vmem_shared>> -> memref<1x1x512xi32, #tpu.memory_space<vmem_shared>>
      %dma_wait3A_228 = tpu.memref_squeeze %dma_wait3A_227 : memref<1x1x512xi32, #tpu.memory_space<vmem_shared>> -> memref<512xi32, #tpu.memory_space<vmem_shared>>
      tpu.wait_dma2 semaphore(%run_scoped3A_223 : memref<!tpu.dma_semaphore, #tpu.memory_space<semaphore_mem>>) src(%dma_wait3A_228 : memref<512xi32, #tpu.memory_space<vmem_shared>>) dst(%arg9 : memref<512xi32, #tpu.memory_space<smem>>)
      tpu.yield
    }) : () -> ()
    %iota3A = tpu.iota {dimensions = array<i32: 0>} : vector<16xi32>
    %scan3A = arith.constant 0 : i32
    %scan3A_9 = arith.constant 0 : i32
    %scan3A_10 = arith.constant 64 : i32
    %scan3A_11 = arith.addi %scan3A_9, %scan3A_10 : i32
    %scan3A_12 = arith.constant 1 : i32
    scf.for %scan3A_223 = %scan3A_9 to %scan3A_11 step %scan3A_12  : i32 {
      %mul3A_224 = arith.constant 4 : i32
      %mul3A_225 = arith.muli %scan3A_223, %mul3A_224 : i32
      %add3A_226 = arith.constant 0 : i32
      %add3A_227 = arith.addi %mul3A_225, %add3A_226 : i32
      %add3A_228 = arith.constant 0 : i32
      %add3A_229 = arith.addi %add3A_228, %add3A_227 : i32
      %get3A = arith.index_cast %add3A_229 : i32 to index
      %get3A_230 = memref.load %arg8[%get3A] : memref<512xi32, #tpu.memory_space<smem>>
      %add3A_231 = arith.constant 0 : i32
      %add3A_232 = arith.addi %add3A_231, %add3A_227 : i32
      %get3A_233 = arith.index_cast %add3A_232 : i32 to index
      %get3A_234 = memref.load %arg9[%get3A_233] : memref<512xi32, #tpu.memory_space<smem>>
      %dma_start3A = arith.constant 0 : i32
      %dma_start3A_235 = tpu.memref_slice %arg10[%add3A_227, %dma_start3A] : memref<256x64xf32, #tpu.memory_space<vmem>> -> memref<1x64xf32, #tpu.memory_space<vmem>>
      %dma_start3A_236 = arith.constant 0 : i32
      %dma_start3A_237 = tpu.memref_slice %arg2[%get3A_230, %dma_start3A_236] : memref<1000000x64xf32, #tpu.memory_space<hbm>> -> memref<1x64xf32, #tpu.memory_space<hbm>>
      %dma_start3A_238 = arith.constant 0 : i32
      %dma_start3A_239 = tpu.memref_slice %arg10[%add3A_227, %dma_start3A_238] : memref<256x64xf32, #tpu.memory_space<vmem>> -> memref<1x64xf32, #tpu.memory_space<vmem>>
      %dma_start3A_240 = arith.constant 0 : i32
      %dma_start3A_241 = tpu.memref_slice %arg2[%get3A_230, %dma_start3A_240] : memref<1000000x64xf32, #tpu.memory_space<hbm>> -> memref<1x64xf32, #tpu.memory_space<hbm>>
      tpu.enqueue_dma source(%dma_start3A_241 : memref<1x64xf32, #tpu.memory_space<hbm>>) target(%dma_start3A_239 : memref<1x64xf32, #tpu.memory_space<vmem>>) target_semaphore(%arg13 : memref<!tpu.dma_semaphore, #tpu.memory_space<semaphore_mem>>)
      %dma_start3A_242 = arith.constant 0 : i32
      %dma_start3A_243 = tpu.memref_slice %arg11[%add3A_227, %dma_start3A_242] : memref<256x64xf32, #tpu.memory_space<vmem>> -> memref<1x64xf32, #tpu.memory_space<vmem>>
      %dma_start3A_244 = arith.constant 0 : i32
      %dma_start3A_245 = tpu.memref_slice %arg3[%get3A_234, %dma_start3A_244] : memref<1000000x64xf32, #tpu.memory_space<hbm>> -> memref<1x64xf32, #tpu.memory_space<hbm>>
      %dma_start3A_246 = arith.constant 0 : i32
      %dma_start3A_247 = tpu.memref_slice %arg11[%add3A_227, %dma_start3A_246] : memref<256x64xf32, #tpu.memory_space<vmem>> -> memref<1x64xf32, #tpu.memory_space<vmem>>
      %dma_start3A_248 = arith.constant 0 : i32
      %dma_start3A_249 = tpu.memref_slice %arg3[%get3A_234, %dma_start3A_248] : memref<1000000x64xf32, #tpu.memory_space<hbm>> -> memref<1x64xf32, #tpu.memory_space<hbm>>
      tpu.enqueue_dma source(%dma_start3A_249 : memref<1x64xf32, #tpu.memory_space<hbm>>) target(%dma_start3A_247 : memref<1x64xf32, #tpu.memory_space<vmem>>) target_semaphore(%arg17 : memref<!tpu.dma_semaphore, #tpu.memory_space<semaphore_mem>>)
      %mul3A_250 = arith.constant 4 : i32
      %mul3A_251 = arith.muli %scan3A_223, %mul3A_250 : i32
      %add3A_252 = arith.constant 1 : i32
      %add3A_253 = arith.addi %mul3A_251, %add3A_252 : i32
      %add3A_254 = arith.constant 0 : i32
      %add3A_255 = arith.addi %add3A_254, %add3A_253 : i32
      %get3A_256 = arith.index_cast %add3A_255 : i32 to index
      %get3A_257 = memref.load %arg8[%get3A_256] : memref<512xi32, #tpu.memory_space<smem>>
      %add3A_258 = arith.constant 0 : i32
      %add3A_259 = arith.addi %add3A_258, %add3A_253 : i32
      %get3A_260 = arith.index_cast %add3A_259 : i32 to index
      %get3A_261 = memref.load %arg9[%get3A_260] : memref<512xi32, #tpu.memory_space<smem>>
      %dma_start3A_262 = arith.constant 0 : i32
      %dma_start3A_263 = tpu.memref_slice %arg10[%add3A_253, %dma_start3A_262] : memref<256x64xf32, #tpu.memory_space<vmem>> -> memref<1x64xf32, #tpu.memory_space<vmem>>
      %dma_start3A_264 = arith.constant 0 : i32
      %dma_start3A_265 = tpu.memref_slice %arg2[%get3A_257, %dma_start3A_264] : memref<1000000x64xf32, #tpu.memory_space<hbm>> -> memref<1x64xf32, #tpu.memory_space<hbm>>
      %dma_start3A_266 = arith.constant 0 : i32
      %dma_start3A_267 = tpu.memref_slice %arg10[%add3A_253, %dma_start3A_266] : memref<256x64xf32, #tpu.memory_space<vmem>> -> memref<1x64xf32, #tpu.memory_space<vmem>>
      %dma_start3A_268 = arith.constant 0 : i32
      %dma_start3A_269 = tpu.memref_slice %arg2[%get3A_257, %dma_start3A_268] : memref<1000000x64xf32, #tpu.memory_space<hbm>> -> memref<1x64xf32, #tpu.memory_space<hbm>>
      tpu.enqueue_dma source(%dma_start3A_269 : memref<1x64xf32, #tpu.memory_space<hbm>>) target(%dma_start3A_267 : memref<1x64xf32, #tpu.memory_space<vmem>>) target_semaphore(%arg14 : memref<!tpu.dma_semaphore, #tpu.memory_space<semaphore_mem>>)
      %dma_start3A_270 = arith.constant 0 : i32
      %dma_start3A_271 = tpu.memref_slice %arg11[%add3A_253, %dma_start3A_270] : memref<256x64xf32, #tpu.memory_space<vmem>> -> memref<1x64xf32, #tpu.memory_space<vmem>>
      %dma_start3A_272 = arith.constant 0 : i32
      %dma_start3A_273 = tpu.memref_slice %arg3[%get3A_261, %dma_start3A_272] : memref<1000000x64xf32, #tpu.memory_space<hbm>> -> memref<1x64xf32, #tpu.memory_space<hbm>>
      %dma_start3A_274 = arith.constant 0 : i32
      %dma_start3A_275 = tpu.memref_slice %arg11[%add3A_253, %dma_start3A_274] : memref<256x64xf32, #tpu.memory_space<vmem>> -> memref<1x64xf32, #tpu.memory_space<vmem>>
      %dma_start3A_276 = arith.constant 0 : i32
      %dma_start3A_277 = tpu.memref_slice %arg3[%get3A_261, %dma_start3A_276] : memref<1000000x64xf32, #tpu.memory_space<hbm>> -> memref<1x64xf32, #tpu.memory_space<hbm>>
      tpu.enqueue_dma source(%dma_start3A_277 : memref<1x64xf32, #tpu.memory_space<hbm>>) target(%dma_start3A_275 : memref<1x64xf32, #tpu.memory_space<vmem>>) target_semaphore(%arg18 : memref<!tpu.dma_semaphore, #tpu.memory_space<semaphore_mem>>)
      %mul3A_278 = arith.constant 4 : i32
      %mul3A_279 = arith.muli %scan3A_223, %mul3A_278 : i32
      %add3A_280 = arith.constant 2 : i32
      %add3A_281 = arith.addi %mul3A_279, %add3A_280 : i32
      %add3A_282 = arith.constant 0 : i32
      %add3A_283 = arith.addi %add3A_282, %add3A_281 : i32
      %get3A_284 = arith.index_cast %add3A_283 : i32 to index
      %get3A_285 = memref.load %arg8[%get3A_284] : memref<512xi32, #tpu.memory_space<smem>>
      %add3A_286 = arith.constant 0 : i32
      %add3A_287 = arith.addi %add3A_286, %add3A_281 : i32
      %get3A_288 = arith.index_cast %add3A_287 : i32 to index
      %get3A_289 = memref.load %arg9[%get3A_288] : memref<512xi32, #tpu.memory_space<smem>>
      %dma_start3A_290 = arith.constant 0 : i32
      %dma_start3A_291 = tpu.memref_slice %arg10[%add3A_281, %dma_start3A_290] : memref<256x64xf32, #tpu.memory_space<vmem>> -> memref<1x64xf32, #tpu.memory_space<vmem>>
      %dma_start3A_292 = arith.constant 0 : i32
      %dma_start3A_293 = tpu.memref_slice %arg2[%get3A_285, %dma_start3A_292] : memref<1000000x64xf32, #tpu.memory_space<hbm>> -> memref<1x64xf32, #tpu.memory_space<hbm>>
      %dma_start3A_294 = arith.constant 0 : i32
      %dma_start3A_295 = tpu.memref_slice %arg10[%add3A_281, %dma_start3A_294] : memref<256x64xf32, #tpu.memory_space<vmem>> -> memref<1x64xf32, #tpu.memory_space<vmem>>
      %dma_start3A_296 = arith.constant 0 : i32
      %dma_start3A_297 = tpu.memref_slice %arg2[%get3A_285, %dma_start3A_296] : memref<1000000x64xf32, #tpu.memory_space<hbm>> -> memref<1x64xf32, #tpu.memory_space<hbm>>
      tpu.enqueue_dma source(%dma_start3A_297 : memref<1x64xf32, #tpu.memory_space<hbm>>) target(%dma_start3A_295 : memref<1x64xf32, #tpu.memory_space<vmem>>) target_semaphore(%arg15 : memref<!tpu.dma_semaphore, #tpu.memory_space<semaphore_mem>>)
      %dma_start3A_298 = arith.constant 0 : i32
      %dma_start3A_299 = tpu.memref_slice %arg11[%add3A_281, %dma_start3A_298] : memref<256x64xf32, #tpu.memory_space<vmem>> -> memref<1x64xf32, #tpu.memory_space<vmem>>
      %dma_start3A_300 = arith.constant 0 : i32
      %dma_start3A_301 = tpu.memref_slice %arg3[%get3A_289, %dma_start3A_300] : memref<1000000x64xf32, #tpu.memory_space<hbm>> -> memref<1x64xf32, #tpu.memory_space<hbm>>
      %dma_start3A_302 = arith.constant 0 : i32
      %dma_start3A_303 = tpu.memref_slice %arg11[%add3A_281, %dma_start3A_302] : memref<256x64xf32, #tpu.memory_space<vmem>> -> memref<1x64xf32, #tpu.memory_space<vmem>>
      %dma_start3A_304 = arith.constant 0 : i32
      %dma_start3A_305 = tpu.memref_slice %arg3[%get3A_289, %dma_start3A_304] : memref<1000000x64xf32, #tpu.memory_space<hbm>> -> memref<1x64xf32, #tpu.memory_space<hbm>>
      tpu.enqueue_dma source(%dma_start3A_305 : memref<1x64xf32, #tpu.memory_space<hbm>>) target(%dma_start3A_303 : memref<1x64xf32, #tpu.memory_space<vmem>>) target_semaphore(%arg19 : memref<!tpu.dma_semaphore, #tpu.memory_space<semaphore_mem>>)
      %mul3A_306 = arith.constant 4 : i32
      %mul3A_307 = arith.muli %scan3A_223, %mul3A_306 : i32
      %add3A_308 = arith.constant 3 : i32
      %add3A_309 = arith.addi %mul3A_307, %add3A_308 : i32
      %add3A_310 = arith.constant 0 : i32
      %add3A_311 = arith.addi %add3A_310, %add3A_309 : i32
      %get3A_312 = arith.index_cast %add3A_311 : i32 to index
      %get3A_313 = memref.load %arg8[%get3A_312] : memref<512xi32, #tpu.memory_space<smem>>
      %add3A_314 = arith.constant 0 : i32
      %add3A_315 = arith.addi %add3A_314, %add3A_309 : i32
      %get3A_316 = arith.index_cast %add3A_315 : i32 to index
      %get3A_317 = memref.load %arg9[%get3A_316] : memref<512xi32, #tpu.memory_space<smem>>
      %dma_start3A_318 = arith.constant 0 : i32
      %dma_start3A_319 = tpu.memref_slice %arg10[%add3A_309, %dma_start3A_318] : memref<256x64xf32, #tpu.memory_space<vmem>> -> memref<1x64xf32, #tpu.memory_space<vmem>>
      %dma_start3A_320 = arith.constant 0 : i32
      %dma_start3A_321 = tpu.memref_slice %arg2[%get3A_313, %dma_start3A_320] : memref<1000000x64xf32, #tpu.memory_space<hbm>> -> memref<1x64xf32, #tpu.memory_space<hbm>>
      %dma_start3A_322 = arith.constant 0 : i32
      %dma_start3A_323 = tpu.memref_slice %arg10[%add3A_309, %dma_start3A_322] : memref<256x64xf32, #tpu.memory_space<vmem>> -> memref<1x64xf32, #tpu.memory_space<vmem>>
      %dma_start3A_324 = arith.constant 0 : i32
      %dma_start3A_325 = tpu.memref_slice %arg2[%get3A_313, %dma_start3A_324] : memref<1000000x64xf32, #tpu.memory_space<hbm>> -> memref<1x64xf32, #tpu.memory_space<hbm>>
      tpu.enqueue_dma source(%dma_start3A_325 : memref<1x64xf32, #tpu.memory_space<hbm>>) target(%dma_start3A_323 : memref<1x64xf32, #tpu.memory_space<vmem>>) target_semaphore(%arg16 : memref<!tpu.dma_semaphore, #tpu.memory_space<semaphore_mem>>)
      %dma_start3A_326 = arith.constant 0 : i32
      %dma_start3A_327 = tpu.memref_slice %arg11[%add3A_309, %dma_start3A_326] : memref<256x64xf32, #tpu.memory_space<vmem>> -> memref<1x64xf32, #tpu.memory_space<vmem>>
      %dma_start3A_328 = arith.constant 0 : i32
      %dma_start3A_329 = tpu.memref_slice %arg3[%get3A_317, %dma_start3A_328] : memref<1000000x64xf32, #tpu.memory_space<hbm>> -> memref<1x64xf32, #tpu.memory_space<hbm>>
      %dma_start3A_330 = arith.constant 0 : i32
      %dma_start3A_331 = tpu.memref_slice %arg11[%add3A_309, %dma_start3A_330] : memref<256x64xf32, #tpu.memory_space<vmem>> -> memref<1x64xf32, #tpu.memory_space<vmem>>
      %dma_start3A_332 = arith.constant 0 : i32
      %dma_start3A_333 = tpu.memref_slice %arg3[%get3A_317, %dma_start3A_332] : memref<1000000x64xf32, #tpu.memory_space<hbm>> -> memref<1x64xf32, #tpu.memory_space<hbm>>
      tpu.enqueue_dma source(%dma_start3A_333 : memref<1x64xf32, #tpu.memory_space<hbm>>) target(%dma_start3A_331 : memref<1x64xf32, #tpu.memory_space<vmem>>) target_semaphore(%arg20 : memref<!tpu.dma_semaphore, #tpu.memory_space<semaphore_mem>>)
    }
    %scan3A_13 = arith.constant 64 : i32
    %dma_wait3A = arith.constant 0 : i32
    %dma_wait3A_14 = arith.constant 0 : i32
    %dma_wait3A_15 = tpu.memref_slice %arg10[%dma_wait3A, %dma_wait3A_14] : memref<256x64xf32, #tpu.memory_space<vmem>> -> memref<64x64xf32, #tpu.memory_space<vmem>>
    %dma_wait3A_16 = arith.constant 0 : i32
    %dma_wait3A_17 = arith.constant 0 : i32
    %dma_wait3A_18 = tpu.memref_slice %arg2[%dma_wait3A_16, %dma_wait3A_17] : memref<1000000x64xf32, #tpu.memory_space<hbm>> -> memref<64x64xf32, #tpu.memory_space<hbm>>
    %dma_wait3A_19 = arith.constant 0 : i32
    %dma_wait3A_20 = arith.constant 0 : i32
    %dma_wait3A_21 = tpu.memref_slice %arg10[%dma_wait3A_19, %dma_wait3A_20] : memref<256x64xf32, #tpu.memory_space<vmem>> -> memref<64x64xf32, #tpu.memory_space<vmem>>
    %dma_wait3A_22 = arith.constant 0 : i32
    %dma_wait3A_23 = arith.constant 0 : i32
    %dma_wait3A_24 = tpu.memref_slice %arg2[%dma_wait3A_22, %dma_wait3A_23] : memref<1000000x64xf32, #tpu.memory_space<hbm>> -> memref<64x64xf32, #tpu.memory_space<hbm>>
    tpu.wait_dma2 semaphore(%arg13 : memref<!tpu.dma_semaphore, #tpu.memory_space<semaphore_mem>>) src(%dma_wait3A_24 : memref<64x64xf32, #tpu.memory_space<hbm>>) dst(%dma_wait3A_21 : memref<64x64xf32, #tpu.memory_space<vmem>>)
    %dma_wait3A_25 = arith.constant 0 : i32
    %dma_wait3A_26 = arith.constant 0 : i32
    %dma_wait3A_27 = tpu.memref_slice %arg11[%dma_wait3A_25, %dma_wait3A_26] : memref<256x64xf32, #tpu.memory_space<vmem>> -> memref<64x64xf32, #tpu.memory_space<vmem>>
    %dma_wait3A_28 = arith.constant 0 : i32
    %dma_wait3A_29 = arith.constant 0 : i32
    %dma_wait3A_30 = tpu.memref_slice %arg3[%dma_wait3A_28, %dma_wait3A_29] : memref<1000000x64xf32, #tpu.memory_space<hbm>> -> memref<64x64xf32, #tpu.memory_space<hbm>>
    %dma_wait3A_31 = arith.constant 0 : i32
    %dma_wait3A_32 = arith.constant 0 : i32
    %dma_wait3A_33 = tpu.memref_slice %arg11[%dma_wait3A_31, %dma_wait3A_32] : memref<256x64xf32, #tpu.memory_space<vmem>> -> memref<64x64xf32, #tpu.memory_space<vmem>>
    %dma_wait3A_34 = arith.constant 0 : i32
    %dma_wait3A_35 = arith.constant 0 : i32
    %dma_wait3A_36 = tpu.memref_slice %arg3[%dma_wait3A_34, %dma_wait3A_35] : memref<1000000x64xf32, #tpu.memory_space<hbm>> -> memref<64x64xf32, #tpu.memory_space<hbm>>
    tpu.wait_dma2 semaphore(%arg17 : memref<!tpu.dma_semaphore, #tpu.memory_space<semaphore_mem>>) src(%dma_wait3A_36 : memref<64x64xf32, #tpu.memory_space<hbm>>) dst(%dma_wait3A_33 : memref<64x64xf32, #tpu.memory_space<vmem>>)
    %dma_wait3A_37 = arith.constant 64 : i32
    %dma_wait3A_38 = arith.constant 0 : i32
    %dma_wait3A_39 = tpu.memref_slice %arg10[%dma_wait3A_37, %dma_wait3A_38] : memref<256x64xf32, #tpu.memory_space<vmem>> -> memref<64x64xf32, #tpu.memory_space<vmem>>
    %dma_wait3A_40 = arith.constant 0 : i32
    %dma_wait3A_41 = arith.constant 0 : i32
    %dma_wait3A_42 = tpu.memref_slice %arg2[%dma_wait3A_40, %dma_wait3A_41] : memref<1000000x64xf32, #tpu.memory_space<hbm>> -> memref<64x64xf32, #tpu.memory_space<hbm>>
    %dma_wait3A_43 = arith.constant 64 : i32
    %dma_wait3A_44 = arith.constant 0 : i32
    %dma_wait3A_45 = tpu.memref_slice %arg10[%dma_wait3A_43, %dma_wait3A_44] : memref<256x64xf32, #tpu.memory_space<vmem>> -> memref<64x64xf32, #tpu.memory_space<vmem>>
    %dma_wait3A_46 = arith.constant 0 : i32
    %dma_wait3A_47 = arith.constant 0 : i32
    %dma_wait3A_48 = tpu.memref_slice %arg2[%dma_wait3A_46, %dma_wait3A_47] : memref<1000000x64xf32, #tpu.memory_space<hbm>> -> memref<64x64xf32, #tpu.memory_space<hbm>>
    tpu.wait_dma2 semaphore(%arg14 : memref<!tpu.dma_semaphore, #tpu.memory_space<semaphore_mem>>) src(%dma_wait3A_48 : memref<64x64xf32, #tpu.memory_space<hbm>>) dst(%dma_wait3A_45 : memref<64x64xf32, #tpu.memory_space<vmem>>)
    %dma_wait3A_49 = arith.constant 64 : i32
    %dma_wait3A_50 = arith.constant 0 : i32
    %dma_wait3A_51 = tpu.memref_slice %arg11[%dma_wait3A_49, %dma_wait3A_50] : memref<256x64xf32, #tpu.memory_space<vmem>> -> memref<64x64xf32, #tpu.memory_space<vmem>>
    %dma_wait3A_52 = arith.constant 0 : i32
    %dma_wait3A_53 = arith.constant 0 : i32
    %dma_wait3A_54 = tpu.memref_slice %arg3[%dma_wait3A_52, %dma_wait3A_53] : memref<1000000x64xf32, #tpu.memory_space<hbm>> -> memref<64x64xf32, #tpu.memory_space<hbm>>
    %dma_wait3A_55 = arith.constant 64 : i32
    %dma_wait3A_56 = arith.constant 0 : i32
    %dma_wait3A_57 = tpu.memref_slice %arg11[%dma_wait3A_55, %dma_wait3A_56] : memref<256x64xf32, #tpu.memory_space<vmem>> -> memref<64x64xf32, #tpu.memory_space<vmem>>
    %dma_wait3A_58 = arith.constant 0 : i32
    %dma_wait3A_59 = arith.constant 0 : i32
    %dma_wait3A_60 = tpu.memref_slice %arg3[%dma_wait3A_58, %dma_wait3A_59] : memref<1000000x64xf32, #tpu.memory_space<hbm>> -> memref<64x64xf32, #tpu.memory_space<hbm>>
    tpu.wait_dma2 semaphore(%arg18 : memref<!tpu.dma_semaphore, #tpu.memory_space<semaphore_mem>>) src(%dma_wait3A_60 : memref<64x64xf32, #tpu.memory_space<hbm>>) dst(%dma_wait3A_57 : memref<64x64xf32, #tpu.memory_space<vmem>>)
    %dma_wait3A_61 = arith.constant 128 : i32
    %dma_wait3A_62 = arith.constant 0 : i32
    %dma_wait3A_63 = tpu.memref_slice %arg10[%dma_wait3A_61, %dma_wait3A_62] : memref<256x64xf32, #tpu.memory_space<vmem>> -> memref<64x64xf32, #tpu.memory_space<vmem>>
    %dma_wait3A_64 = arith.constant 0 : i32
    %dma_wait3A_65 = arith.constant 0 : i32
    %dma_wait3A_66 = tpu.memref_slice %arg2[%dma_wait3A_64, %dma_wait3A_65] : memref<1000000x64xf32, #tpu.memory_space<hbm>> -> memref<64x64xf32, #tpu.memory_space<hbm>>
    %dma_wait3A_67 = arith.constant 128 : i32
    %dma_wait3A_68 = arith.constant 0 : i32
    %dma_wait3A_69 = tpu.memref_slice %arg10[%dma_wait3A_67, %dma_wait3A_68] : memref<256x64xf32, #tpu.memory_space<vmem>> -> memref<64x64xf32, #tpu.memory_space<vmem>>
    %dma_wait3A_70 = arith.constant 0 : i32
    %dma_wait3A_71 = arith.constant 0 : i32
    %dma_wait3A_72 = tpu.memref_slice %arg2[%dma_wait3A_70, %dma_wait3A_71] : memref<1000000x64xf32, #tpu.memory_space<hbm>> -> memref<64x64xf32, #tpu.memory_space<hbm>>
    tpu.wait_dma2 semaphore(%arg15 : memref<!tpu.dma_semaphore, #tpu.memory_space<semaphore_mem>>) src(%dma_wait3A_72 : memref<64x64xf32, #tpu.memory_space<hbm>>) dst(%dma_wait3A_69 : memref<64x64xf32, #tpu.memory_space<vmem>>)
    %dma_wait3A_73 = arith.constant 128 : i32
    %dma_wait3A_74 = arith.constant 0 : i32
    %dma_wait3A_75 = tpu.memref_slice %arg11[%dma_wait3A_73, %dma_wait3A_74] : memref<256x64xf32, #tpu.memory_space<vmem>> -> memref<64x64xf32, #tpu.memory_space<vmem>>
    %dma_wait3A_76 = arith.constant 0 : i32
    %dma_wait3A_77 = arith.constant 0 : i32
    %dma_wait3A_78 = tpu.memref_slice %arg3[%dma_wait3A_76, %dma_wait3A_77] : memref<1000000x64xf32, #tpu.memory_space<hbm>> -> memref<64x64xf32, #tpu.memory_space<hbm>>
    %dma_wait3A_79 = arith.constant 128 : i32
    %dma_wait3A_80 = arith.constant 0 : i32
    %dma_wait3A_81 = tpu.memref_slice %arg11[%dma_wait3A_79, %dma_wait3A_80] : memref<256x64xf32, #tpu.memory_space<vmem>> -> memref<64x64xf32, #tpu.memory_space<vmem>>
    %dma_wait3A_82 = arith.constant 0 : i32
    %dma_wait3A_83 = arith.constant 0 : i32
    %dma_wait3A_84 = tpu.memref_slice %arg3[%dma_wait3A_82, %dma_wait3A_83] : memref<1000000x64xf32, #tpu.memory_space<hbm>> -> memref<64x64xf32, #tpu.memory_space<hbm>>
    tpu.wait_dma2 semaphore(%arg19 : memref<!tpu.dma_semaphore, #tpu.memory_space<semaphore_mem>>) src(%dma_wait3A_84 : memref<64x64xf32, #tpu.memory_space<hbm>>) dst(%dma_wait3A_81 : memref<64x64xf32, #tpu.memory_space<vmem>>)
    %dma_wait3A_85 = arith.constant 192 : i32
    %dma_wait3A_86 = arith.constant 0 : i32
    %dma_wait3A_87 = tpu.memref_slice %arg10[%dma_wait3A_85, %dma_wait3A_86] : memref<256x64xf32, #tpu.memory_space<vmem>> -> memref<64x64xf32, #tpu.memory_space<vmem>>
    %dma_wait3A_88 = arith.constant 0 : i32
    %dma_wait3A_89 = arith.constant 0 : i32
    %dma_wait3A_90 = tpu.memref_slice %arg2[%dma_wait3A_88, %dma_wait3A_89] : memref<1000000x64xf32, #tpu.memory_space<hbm>> -> memref<64x64xf32, #tpu.memory_space<hbm>>
    %dma_wait3A_91 = arith.constant 192 : i32
    %dma_wait3A_92 = arith.constant 0 : i32
    %dma_wait3A_93 = tpu.memref_slice %arg10[%dma_wait3A_91, %dma_wait3A_92] : memref<256x64xf32, #tpu.memory_space<vmem>> -> memref<64x64xf32, #tpu.memory_space<vmem>>
    %dma_wait3A_94 = arith.constant 0 : i32
    %dma_wait3A_95 = arith.constant 0 : i32
    %dma_wait3A_96 = tpu.memref_slice %arg2[%dma_wait3A_94, %dma_wait3A_95] : memref<1000000x64xf32, #tpu.memory_space<hbm>> -> memref<64x64xf32, #tpu.memory_space<hbm>>
    tpu.wait_dma2 semaphore(%arg16 : memref<!tpu.dma_semaphore, #tpu.memory_space<semaphore_mem>>) src(%dma_wait3A_96 : memref<64x64xf32, #tpu.memory_space<hbm>>) dst(%dma_wait3A_93 : memref<64x64xf32, #tpu.memory_space<vmem>>)
    %dma_wait3A_97 = arith.constant 192 : i32
    %dma_wait3A_98 = arith.constant 0 : i32
    %dma_wait3A_99 = tpu.memref_slice %arg11[%dma_wait3A_97, %dma_wait3A_98] : memref<256x64xf32, #tpu.memory_space<vmem>> -> memref<64x64xf32, #tpu.memory_space<vmem>>
    %dma_wait3A_100 = arith.constant 0 : i32
    %dma_wait3A_101 = arith.constant 0 : i32
    %dma_wait3A_102 = tpu.memref_slice %arg3[%dma_wait3A_100, %dma_wait3A_101] : memref<1000000x64xf32, #tpu.memory_space<hbm>> -> memref<64x64xf32, #tpu.memory_space<hbm>>
    %dma_wait3A_103 = arith.constant 192 : i32
    %dma_wait3A_104 = arith.constant 0 : i32
    %dma_wait3A_105 = tpu.memref_slice %arg11[%dma_wait3A_103, %dma_wait3A_104] : memref<256x64xf32, #tpu.memory_space<vmem>> -> memref<64x64xf32, #tpu.memory_space<vmem>>
    %dma_wait3A_106 = arith.constant 0 : i32
    %dma_wait3A_107 = arith.constant 0 : i32
    %dma_wait3A_108 = tpu.memref_slice %arg3[%dma_wait3A_106, %dma_wait3A_107] : memref<1000000x64xf32, #tpu.memory_space<hbm>> -> memref<64x64xf32, #tpu.memory_space<hbm>>
    tpu.wait_dma2 semaphore(%arg20 : memref<!tpu.dma_semaphore, #tpu.memory_space<semaphore_mem>>) src(%dma_wait3A_108 : memref<64x64xf32, #tpu.memory_space<hbm>>) dst(%dma_wait3A_105 : memref<64x64xf32, #tpu.memory_space<vmem>>)
    %scan3A_109 = arith.constant 0 : i32
    %scan3A_110 = arith.constant 0 : i32
    %scan3A_111 = arith.constant 16 : i32
    %scan3A_112 = arith.addi %scan3A_110, %scan3A_111 : i32
    %scan3A_113 = arith.constant 1 : i32
    scf.for %scan3A_223 = %scan3A_110 to %scan3A_112 step %scan3A_113  : i32 {
      %mul3A_224 = arith.constant 16 : i32
      %mul3A_225 = arith.muli %scan3A_223, %mul3A_224 : i32
      %add3A_226 = vector.broadcast %mul3A_225 : i32 to vector<16xi32>
      %add3A_227 = arith.addi %add3A_226, %iota3A : vector<16xi32>
      %broadcast_in_dim3A = arith.constant 0.000000e+00 : f32
      %broadcast_in_dim3A_228 = vector.broadcast %broadcast_in_dim3A : f32 to vector<16xf32>
      %broadcast_in_dim3A_229 = arith.constant 0 : i32
      %broadcast_in_dim3A_230 = vector.broadcast %broadcast_in_dim3A_229 : i32 to vector<16xi32>
      %gather3A = tpu.vector_load_idx %arg10[%add3A_227, %broadcast_in_dim3A_230] : memref<256x64xf32, #tpu.memory_space<vmem>>[vector<16xi32>, vector<16xi32>], vector<16xf32>,
      %gather3A_231 = tpu.vector_load_idx %arg11[%add3A_227, %broadcast_in_dim3A_230] : memref<256x64xf32, #tpu.memory_space<vmem>>[vector<16xi32>, vector<16xi32>], vector<16xf32>,
      %mul3A_232 = arith.mulf %gather3A, %gather3A_231 : vector<16xf32>
      %add3A_233 = arith.addf %broadcast_in_dim3A_228, %mul3A_232 : vector<16xf32>
      %broadcast_in_dim3A_234 = arith.constant 1 : i32
      %broadcast_in_dim3A_235 = vector.broadcast %broadcast_in_dim3A_234 : i32 to vector<16xi32>
      %gather3A_236 = tpu.vector_load_idx %arg10[%add3A_227, %broadcast_in_dim3A_235] : memref<256x64xf32, #tpu.memory_space<vmem>>[vector<16xi32>, vector<16xi32>], vector<16xf32>,
      %gather3A_237 = tpu.vector_load_idx %arg11[%add3A_227, %broadcast_in_dim3A_235] : memref<256x64xf32, #tpu.memory_space<vmem>>[vector<16xi32>, vector<16xi32>], vector<16xf32>,
      %mul3A_238 = arith.mulf %gather3A_236, %gather3A_237 : vector<16xf32>
      %add3A_239 = arith.addf %add3A_233, %mul3A_238 : vector<16xf32>
      %broadcast_in_dim3A_240 = arith.constant 2 : i32
      %broadcast_in_dim3A_241 = vector.broadcast %broadcast_in_dim3A_240 : i32 to vector<16xi32>
      %gather3A_242 = tpu.vector_load_idx %arg10[%add3A_227, %broadcast_in_dim3A_241] : memref<256x64xf32, #tpu.memory_space<vmem>>[vector<16xi32>, vector<16xi32>], vector<16xf32>,
      %gather3A_243 = tpu.vector_load_idx %arg11[%add3A_227, %broadcast_in_dim3A_241] : memref<256x64xf32, #tpu.memory_space<vmem>>[vector<16xi32>, vector<16xi32>], vector<16xf32>,
      %mul3A_244 = arith.mulf %gather3A_242, %gather3A_243 : vector<16xf32>
      %add3A_245 = arith.addf %add3A_239, %mul3A_244 : vector<16xf32>
      %broadcast_in_dim3A_246 = arith.constant 3 : i32
      %broadcast_in_dim3A_247 = vector.broadcast %broadcast_in_dim3A_246 : i32 to vector<16xi32>
      %gather3A_248 = tpu.vector_load_idx %arg10[%add3A_227, %broadcast_in_dim3A_247] : memref<256x64xf32, #tpu.memory_space<vmem>>[vector<16xi32>, vector<16xi32>], vector<16xf32>,
      %gather3A_249 = tpu.vector_load_idx %arg11[%add3A_227, %broadcast_in_dim3A_247] : memref<256x64xf32, #tpu.memory_space<vmem>>[vector<16xi32>, vector<16xi32>], vector<16xf32>,
      %mul3A_250 = arith.mulf %gather3A_248, %gather3A_249 : vector<16xf32>
      %add3A_251 = arith.addf %add3A_245, %mul3A_250 : vector<16xf32>
      %broadcast_in_dim3A_252 = arith.constant 4 : i32
      %broadcast_in_dim3A_253 = vector.broadcast %broadcast_in_dim3A_252 : i32 to vector<16xi32>
      %gather3A_254 = tpu.vector_load_idx %arg10[%add3A_227, %broadcast_in_dim3A_253] : memref<256x64xf32, #tpu.memory_space<vmem>>[vector<16xi32>, vector<16xi32>], vector<16xf32>,
      %gather3A_255 = tpu.vector_load_idx %arg11[%add3A_227, %broadcast_in_dim3A_253] : memref<256x64xf32, #tpu.memory_space<vmem>>[vector<16xi32>, vector<16xi32>], vector<16xf32>,
      %mul3A_256 = arith.mulf %gather3A_254, %gather3A_255 : vector<16xf32>
      %add3A_257 = arith.addf %add3A_251, %mul3A_256 : vector<16xf32>
      %broadcast_in_dim3A_258 = arith.constant 5 : i32
      %broadcast_in_dim3A_259 = vector.broadcast %broadcast_in_dim3A_258 : i32 to vector<16xi32>
      %gather3A_260 = tpu.vector_load_idx %arg10[%add3A_227, %broadcast_in_dim3A_259] : memref<256x64xf32, #tpu.memory_space<vmem>>[vector<16xi32>, vector<16xi32>], vector<16xf32>,
      %gather3A_261 = tpu.vector_load_idx %arg11[%add3A_227, %broadcast_in_dim3A_259] : memref<256x64xf32, #tpu.memory_space<vmem>>[vector<16xi32>, vector<16xi32>], vector<16xf32>,
      %mul3A_262 = arith.mulf %gather3A_260, %gather3A_261 : vector<16xf32>
      %add3A_263 = arith.addf %add3A_257, %mul3A_262 : vector<16xf32>
      %broadcast_in_dim3A_264 = arith.constant 6 : i32
      %broadcast_in_dim3A_265 = vector.broadcast %broadcast_in_dim3A_264 : i32 to vector<16xi32>
      %gather3A_266 = tpu.vector_load_idx %arg10[%add3A_227, %broadcast_in_dim3A_265] : memref<256x64xf32, #tpu.memory_space<vmem>>[vector<16xi32>, vector<16xi32>], vector<16xf32>,
      %gather3A_267 = tpu.vector_load_idx %arg11[%add3A_227, %broadcast_in_dim3A_265] : memref<256x64xf32, #tpu.memory_space<vmem>>[vector<16xi32>, vector<16xi32>], vector<16xf32>,
      %mul3A_268 = arith.mulf %gather3A_266, %gather3A_267 : vector<16xf32>
      %add3A_269 = arith.addf %add3A_263, %mul3A_268 : vector<16xf32>
      %broadcast_in_dim3A_270 = arith.constant 7 : i32
      %broadcast_in_dim3A_271 = vector.broadcast %broadcast_in_dim3A_270 : i32 to vector<16xi32>
      %gather3A_272 = tpu.vector_load_idx %arg10[%add3A_227, %broadcast_in_dim3A_271] : memref<256x64xf32, #tpu.memory_space<vmem>>[vector<16xi32>, vector<16xi32>], vector<16xf32>,
      %gather3A_273 = tpu.vector_load_idx %arg11[%add3A_227, %broadcast_in_dim3A_271] : memref<256x64xf32, #tpu.memory_space<vmem>>[vector<16xi32>, vector<16xi32>], vector<16xf32>,
      %mul3A_274 = arith.mulf %gather3A_272, %gather3A_273 : vector<16xf32>
      %add3A_275 = arith.addf %add3A_269, %mul3A_274 : vector<16xf32>
      %broadcast_in_dim3A_276 = arith.constant 8 : i32
      %broadcast_in_dim3A_277 = vector.broadcast %broadcast_in_dim3A_276 : i32 to vector<16xi32>
      %gather3A_278 = tpu.vector_load_idx %arg10[%add3A_227, %broadcast_in_dim3A_277] : memref<256x64xf32, #tpu.memory_space<vmem>>[vector<16xi32>, vector<16xi32>], vector<16xf32>,
      %gather3A_279 = tpu.vector_load_idx %arg11[%add3A_227, %broadcast_in_dim3A_277] : memref<256x64xf32, #tpu.memory_space<vmem>>[vector<16xi32>, vector<16xi32>], vector<16xf32>,
      %mul3A_280 = arith.mulf %gather3A_278, %gather3A_279 : vector<16xf32>
      %add3A_281 = arith.addf %add3A_275, %mul3A_280 : vector<16xf32>
      %broadcast_in_dim3A_282 = arith.constant 9 : i32
      %broadcast_in_dim3A_283 = vector.broadcast %broadcast_in_dim3A_282 : i32 to vector<16xi32>
      %gather3A_284 = tpu.vector_load_idx %arg10[%add3A_227, %broadcast_in_dim3A_283] : memref<256x64xf32, #tpu.memory_space<vmem>>[vector<16xi32>, vector<16xi32>], vector<16xf32>,
      %gather3A_285 = tpu.vector_load_idx %arg11[%add3A_227, %broadcast_in_dim3A_283] : memref<256x64xf32, #tpu.memory_space<vmem>>[vector<16xi32>, vector<16xi32>], vector<16xf32>,
      %mul3A_286 = arith.mulf %gather3A_284, %gather3A_285 : vector<16xf32>
      %add3A_287 = arith.addf %add3A_281, %mul3A_286 : vector<16xf32>
      %broadcast_in_dim3A_288 = arith.constant 10 : i32
      %broadcast_in_dim3A_289 = vector.broadcast %broadcast_in_dim3A_288 : i32 to vector<16xi32>
      %gather3A_290 = tpu.vector_load_idx %arg10[%add3A_227, %broadcast_in_dim3A_289] : memref<256x64xf32, #tpu.memory_space<vmem>>[vector<16xi32>, vector<16xi32>], vector<16xf32>,
      %gather3A_291 = tpu.vector_load_idx %arg11[%add3A_227, %broadcast_in_dim3A_289] : memref<256x64xf32, #tpu.memory_space<vmem>>[vector<16xi32>, vector<16xi32>], vector<16xf32>,
      %mul3A_292 = arith.mulf %gather3A_290, %gather3A_291 : vector<16xf32>
      %add3A_293 = arith.addf %add3A_287, %mul3A_292 : vector<16xf32>
      %broadcast_in_dim3A_294 = arith.constant 11 : i32
      %broadcast_in_dim3A_295 = vector.broadcast %broadcast_in_dim3A_294 : i32 to vector<16xi32>
      %gather3A_296 = tpu.vector_load_idx %arg10[%add3A_227, %broadcast_in_dim3A_295] : memref<256x64xf32, #tpu.memory_space<vmem>>[vector<16xi32>, vector<16xi32>], vector<16xf32>,
      %gather3A_297 = tpu.vector_load_idx %arg11[%add3A_227, %broadcast_in_dim3A_295] : memref<256x64xf32, #tpu.memory_space<vmem>>[vector<16xi32>, vector<16xi32>], vector<16xf32>,
      %mul3A_298 = arith.mulf %gather3A_296, %gather3A_297 : vector<16xf32>
      %add3A_299 = arith.addf %add3A_293, %mul3A_298 : vector<16xf32>
      %broadcast_in_dim3A_300 = arith.constant 12 : i32
      %broadcast_in_dim3A_301 = vector.broadcast %broadcast_in_dim3A_300 : i32 to vector<16xi32>
      %gather3A_302 = tpu.vector_load_idx %arg10[%add3A_227, %broadcast_in_dim3A_301] : memref<256x64xf32, #tpu.memory_space<vmem>>[vector<16xi32>, vector<16xi32>], vector<16xf32>,
      %gather3A_303 = tpu.vector_load_idx %arg11[%add3A_227, %broadcast_in_dim3A_301] : memref<256x64xf32, #tpu.memory_space<vmem>>[vector<16xi32>, vector<16xi32>], vector<16xf32>,
      %mul3A_304 = arith.mulf %gather3A_302, %gather3A_303 : vector<16xf32>
      %add3A_305 = arith.addf %add3A_299, %mul3A_304 : vector<16xf32>
      %broadcast_in_dim3A_306 = arith.constant 13 : i32
      %broadcast_in_dim3A_307 = vector.broadcast %broadcast_in_dim3A_306 : i32 to vector<16xi32>
      %gather3A_308 = tpu.vector_load_idx %arg10[%add3A_227, %broadcast_in_dim3A_307] : memref<256x64xf32, #tpu.memory_space<vmem>>[vector<16xi32>, vector<16xi32>], vector<16xf32>,
      %gather3A_309 = tpu.vector_load_idx %arg11[%add3A_227, %broadcast_in_dim3A_307] : memref<256x64xf32, #tpu.memory_space<vmem>>[vector<16xi32>, vector<16xi32>], vector<16xf32>,
      %mul3A_310 = arith.mulf %gather3A_308, %gather3A_309 : vector<16xf32>
      %add3A_311 = arith.addf %add3A_305, %mul3A_310 : vector<16xf32>
      %broadcast_in_dim3A_312 = arith.constant 14 : i32
      %broadcast_in_dim3A_313 = vector.broadcast %broadcast_in_dim3A_312 : i32 to vector<16xi32>
      %gather3A_314 = tpu.vector_load_idx %arg10[%add3A_227, %broadcast_in_dim3A_313] : memref<256x64xf32, #tpu.memory_space<vmem>>[vector<16xi32>, vector<16xi32>], vector<16xf32>,
      %gather3A_315 = tpu.vector_load_idx %arg11[%add3A_227, %broadcast_in_dim3A_313] : memref<256x64xf32, #tpu.memory_space<vmem>>[vector<16xi32>, vector<16xi32>], vector<16xf32>,
      %mul3A_316 = arith.mulf %gather3A_314, %gather3A_315 : vector<16xf32>
      %add3A_317 = arith.addf %add3A_311, %mul3A_316 : vector<16xf32>
      %broadcast_in_dim3A_318 = arith.constant 15 : i32
      %broadcast_in_dim3A_319 = vector.broadcast %broadcast_in_dim3A_318 : i32 to vector<16xi32>
      %gather3A_320 = tpu.vector_load_idx %arg10[%add3A_227, %broadcast_in_dim3A_319] : memref<256x64xf32, #tpu.memory_space<vmem>>[vector<16xi32>, vector<16xi32>], vector<16xf32>,
      %gather3A_321 = tpu.vector_load_idx %arg11[%add3A_227, %broadcast_in_dim3A_319] : memref<256x64xf32, #tpu.memory_space<vmem>>[vector<16xi32>, vector<16xi32>], vector<16xf32>,
      %mul3A_322 = arith.mulf %gather3A_320, %gather3A_321 : vector<16xf32>
      %add3A_323 = arith.addf %add3A_317, %mul3A_322 : vector<16xf32>
      %broadcast_in_dim3A_324 = arith.constant 16 : i32
      %broadcast_in_dim3A_325 = vector.broadcast %broadcast_in_dim3A_324 : i32 to vector<16xi32>
      %gather3A_326 = tpu.vector_load_idx %arg10[%add3A_227, %broadcast_in_dim3A_325] : memref<256x64xf32, #tpu.memory_space<vmem>>[vector<16xi32>, vector<16xi32>], vector<16xf32>,
      %gather3A_327 = tpu.vector_load_idx %arg11[%add3A_227, %broadcast_in_dim3A_325] : memref<256x64xf32, #tpu.memory_space<vmem>>[vector<16xi32>, vector<16xi32>], vector<16xf32>,
      %mul3A_328 = arith.mulf %gather3A_326, %gather3A_327 : vector<16xf32>
      %add3A_329 = arith.addf %add3A_323, %mul3A_328 : vector<16xf32>
      %broadcast_in_dim3A_330 = arith.constant 17 : i32
      %broadcast_in_dim3A_331 = vector.broadcast %broadcast_in_dim3A_330 : i32 to vector<16xi32>
      %gather3A_332 = tpu.vector_load_idx %arg10[%add3A_227, %broadcast_in_dim3A_331] : memref<256x64xf32, #tpu.memory_space<vmem>>[vector<16xi32>, vector<16xi32>], vector<16xf32>,
      %gather3A_333 = tpu.vector_load_idx %arg11[%add3A_227, %broadcast_in_dim3A_331] : memref<256x64xf32, #tpu.memory_space<vmem>>[vector<16xi32>, vector<16xi32>], vector<16xf32>,
      %mul3A_334 = arith.mulf %gather3A_332, %gather3A_333 : vector<16xf32>
      %add3A_335 = arith.addf %add3A_329, %mul3A_334 : vector<16xf32>
      %broadcast_in_dim3A_336 = arith.constant 18 : i32
      %broadcast_in_dim3A_337 = vector.broadcast %broadcast_in_dim3A_336 : i32 to vector<16xi32>
      %gather3A_338 = tpu.vector_load_idx %arg10[%add3A_227, %broadcast_in_dim3A_337] : memref<256x64xf32, #tpu.memory_space<vmem>>[vector<16xi32>, vector<16xi32>], vector<16xf32>,
      %gather3A_339 = tpu.vector_load_idx %arg11[%add3A_227, %broadcast_in_dim3A_337] : memref<256x64xf32, #tpu.memory_space<vmem>>[vector<16xi32>, vector<16xi32>], vector<16xf32>,
      %mul3A_340 = arith.mulf %gather3A_338, %gather3A_339 : vector<16xf32>
      %add3A_341 = arith.addf %add3A_335, %mul3A_340 : vector<16xf32>
      %broadcast_in_dim3A_342 = arith.constant 19 : i32
      %broadcast_in_dim3A_343 = vector.broadcast %broadcast_in_dim3A_342 : i32 to vector<16xi32>
      %gather3A_344 = tpu.vector_load_idx %arg10[%add3A_227, %broadcast_in_dim3A_343] : memref<256x64xf32, #tpu.memory_space<vmem>>[vector<16xi32>, vector<16xi32>], vector<16xf32>,
      %gather3A_345 = tpu.vector_load_idx %arg11[%add3A_227, %broadcast_in_dim3A_343] : memref<256x64xf32, #tpu.memory_space<vmem>>[vector<16xi32>, vector<16xi32>], vector<16xf32>,
      %mul3A_346 = arith.mulf %gather3A_344, %gather3A_345 : vector<16xf32>
      %add3A_347 = arith.addf %add3A_341, %mul3A_346 : vector<16xf32>
      %broadcast_in_dim3A_348 = arith.constant 20 : i32
      %broadcast_in_dim3A_349 = vector.broadcast %broadcast_in_dim3A_348 : i32 to vector<16xi32>
      %gather3A_350 = tpu.vector_load_idx %arg10[%add3A_227, %broadcast_in_dim3A_349] : memref<256x64xf32, #tpu.memory_space<vmem>>[vector<16xi32>, vector<16xi32>], vector<16xf32>,
      %gather3A_351 = tpu.vector_load_idx %arg11[%add3A_227, %broadcast_in_dim3A_349] : memref<256x64xf32, #tpu.memory_space<vmem>>[vector<16xi32>, vector<16xi32>], vector<16xf32>,
      %mul3A_352 = arith.mulf %gather3A_350, %gather3A_351 : vector<16xf32>
      %add3A_353 = arith.addf %add3A_347, %mul3A_352 : vector<16xf32>
      %broadcast_in_dim3A_354 = arith.constant 21 : i32
      %broadcast_in_dim3A_355 = vector.broadcast %broadcast_in_dim3A_354 : i32 to vector<16xi32>
      %gather3A_356 = tpu.vector_load_idx %arg10[%add3A_227, %broadcast_in_dim3A_355] : memref<256x64xf32, #tpu.memory_space<vmem>>[vector<16xi32>, vector<16xi32>], vector<16xf32>,
      %gather3A_357 = tpu.vector_load_idx %arg11[%add3A_227, %broadcast_in_dim3A_355] : memref<256x64xf32, #tpu.memory_space<vmem>>[vector<16xi32>, vector<16xi32>], vector<16xf32>,
      %mul3A_358 = arith.mulf %gather3A_356, %gather3A_357 : vector<16xf32>
      %add3A_359 = arith.addf %add3A_353, %mul3A_358 : vector<16xf32>
      %broadcast_in_dim3A_360 = arith.constant 22 : i32
      %broadcast_in_dim3A_361 = vector.broadcast %broadcast_in_dim3A_360 : i32 to vector<16xi32>
      %gather3A_362 = tpu.vector_load_idx %arg10[%add3A_227, %broadcast_in_dim3A_361] : memref<256x64xf32, #tpu.memory_space<vmem>>[vector<16xi32>, vector<16xi32>], vector<16xf32>,
      %gather3A_363 = tpu.vector_load_idx %arg11[%add3A_227, %broadcast_in_dim3A_361] : memref<256x64xf32, #tpu.memory_space<vmem>>[vector<16xi32>, vector<16xi32>], vector<16xf32>,
      %mul3A_364 = arith.mulf %gather3A_362, %gather3A_363 : vector<16xf32>
      %add3A_365 = arith.addf %add3A_359, %mul3A_364 : vector<16xf32>
      %broadcast_in_dim3A_366 = arith.constant 23 : i32
      %broadcast_in_dim3A_367 = vector.broadcast %broadcast_in_dim3A_366 : i32 to vector<16xi32>
      %gather3A_368 = tpu.vector_load_idx %arg10[%add3A_227, %broadcast_in_dim3A_367] : memref<256x64xf32, #tpu.memory_space<vmem>>[vector<16xi32>, vector<16xi32>], vector<16xf32>,
      %gather3A_369 = tpu.vector_load_idx %arg11[%add3A_227, %broadcast_in_dim3A_367] : memref<256x64xf32, #tpu.memory_space<vmem>>[vector<16xi32>, vector<16xi32>], vector<16xf32>,
      %mul3A_370 = arith.mulf %gather3A_368, %gather3A_369 : vector<16xf32>
      %add3A_371 = arith.addf %add3A_365, %mul3A_370 : vector<16xf32>
      %broadcast_in_dim3A_372 = arith.constant 24 : i32
      %broadcast_in_dim3A_373 = vector.broadcast %broadcast_in_dim3A_372 : i32 to vector<16xi32>
      %gather3A_374 = tpu.vector_load_idx %arg10[%add3A_227, %broadcast_in_dim3A_373] : memref<256x64xf32, #tpu.memory_space<vmem>>[vector<16xi32>, vector<16xi32>], vector<16xf32>,
      %gather3A_375 = tpu.vector_load_idx %arg11[%add3A_227, %broadcast_in_dim3A_373] : memref<256x64xf32, #tpu.memory_space<vmem>>[vector<16xi32>, vector<16xi32>], vector<16xf32>,
      %mul3A_376 = arith.mulf %gather3A_374, %gather3A_375 : vector<16xf32>
      %add3A_377 = arith.addf %add3A_371, %mul3A_376 : vector<16xf32>
      %broadcast_in_dim3A_378 = arith.constant 25 : i32
      %broadcast_in_dim3A_379 = vector.broadcast %broadcast_in_dim3A_378 : i32 to vector<16xi32>
      %gather3A_380 = tpu.vector_load_idx %arg10[%add3A_227, %broadcast_in_dim3A_379] : memref<256x64xf32, #tpu.memory_space<vmem>>[vector<16xi32>, vector<16xi32>], vector<16xf32>,
      %gather3A_381 = tpu.vector_load_idx %arg11[%add3A_227, %broadcast_in_dim3A_379] : memref<256x64xf32, #tpu.memory_space<vmem>>[vector<16xi32>, vector<16xi32>], vector<16xf32>,
      %mul3A_382 = arith.mulf %gather3A_380, %gather3A_381 : vector<16xf32>
      %add3A_383 = arith.addf %add3A_377, %mul3A_382 : vector<16xf32>
      %broadcast_in_dim3A_384 = arith.constant 26 : i32
      %broadcast_in_dim3A_385 = vector.broadcast %broadcast_in_dim3A_384 : i32 to vector<16xi32>
      %gather3A_386 = tpu.vector_load_idx %arg10[%add3A_227, %broadcast_in_dim3A_385] : memref<256x64xf32, #tpu.memory_space<vmem>>[vector<16xi32>, vector<16xi32>], vector<16xf32>,
      %gather3A_387 = tpu.vector_load_idx %arg11[%add3A_227, %broadcast_in_dim3A_385] : memref<256x64xf32, #tpu.memory_space<vmem>>[vector<16xi32>, vector<16xi32>], vector<16xf32>,
      %mul3A_388 = arith.mulf %gather3A_386, %gather3A_387 : vector<16xf32>
      %add3A_389 = arith.addf %add3A_383, %mul3A_388 : vector<16xf32>
      %broadcast_in_dim3A_390 = arith.constant 27 : i32
      %broadcast_in_dim3A_391 = vector.broadcast %broadcast_in_dim3A_390 : i32 to vector<16xi32>
      %gather3A_392 = tpu.vector_load_idx %arg10[%add3A_227, %broadcast_in_dim3A_391] : memref<256x64xf32, #tpu.memory_space<vmem>>[vector<16xi32>, vector<16xi32>], vector<16xf32>,
      %gather3A_393 = tpu.vector_load_idx %arg11[%add3A_227, %broadcast_in_dim3A_391] : memref<256x64xf32, #tpu.memory_space<vmem>>[vector<16xi32>, vector<16xi32>], vector<16xf32>,
      %mul3A_394 = arith.mulf %gather3A_392, %gather3A_393 : vector<16xf32>
      %add3A_395 = arith.addf %add3A_389, %mul3A_394 : vector<16xf32>
      %broadcast_in_dim3A_396 = arith.constant 28 : i32
      %broadcast_in_dim3A_397 = vector.broadcast %broadcast_in_dim3A_396 : i32 to vector<16xi32>
      %gather3A_398 = tpu.vector_load_idx %arg10[%add3A_227, %broadcast_in_dim3A_397] : memref<256x64xf32, #tpu.memory_space<vmem>>[vector<16xi32>, vector<16xi32>], vector<16xf32>,
      %gather3A_399 = tpu.vector_load_idx %arg11[%add3A_227, %broadcast_in_dim3A_397] : memref<256x64xf32, #tpu.memory_space<vmem>>[vector<16xi32>, vector<16xi32>], vector<16xf32>,
      %mul3A_400 = arith.mulf %gather3A_398, %gather3A_399 : vector<16xf32>
      %add3A_401 = arith.addf %add3A_395, %mul3A_400 : vector<16xf32>
      %broadcast_in_dim3A_402 = arith.constant 29 : i32
      %broadcast_in_dim3A_403 = vector.broadcast %broadcast_in_dim3A_402 : i32 to vector<16xi32>
      %gather3A_404 = tpu.vector_load_idx %arg10[%add3A_227, %broadcast_in_dim3A_403] : memref<256x64xf32, #tpu.memory_space<vmem>>[vector<16xi32>, vector<16xi32>], vector<16xf32>,
      %gather3A_405 = tpu.vector_load_idx %arg11[%add3A_227, %broadcast_in_dim3A_403] : memref<256x64xf32, #tpu.memory_space<vmem>>[vector<16xi32>, vector<16xi32>], vector<16xf32>,
      %mul3A_406 = arith.mulf %gather3A_404, %gather3A_405 : vector<16xf32>
      %add3A_407 = arith.addf %add3A_401, %mul3A_406 : vector<16xf32>
      %broadcast_in_dim3A_408 = arith.constant 30 : i32
      %broadcast_in_dim3A_409 = vector.broadcast %broadcast_in_dim3A_408 : i32 to vector<16xi32>
      %gather3A_410 = tpu.vector_load_idx %arg10[%add3A_227, %broadcast_in_dim3A_409] : memref<256x64xf32, #tpu.memory_space<vmem>>[vector<16xi32>, vector<16xi32>], vector<16xf32>,
      %gather3A_411 = tpu.vector_load_idx %arg11[%add3A_227, %broadcast_in_dim3A_409] : memref<256x64xf32, #tpu.memory_space<vmem>>[vector<16xi32>, vector<16xi32>], vector<16xf32>,
      %mul3A_412 = arith.mulf %gather3A_410, %gather3A_411 : vector<16xf32>
      %add3A_413 = arith.addf %add3A_407, %mul3A_412 : vector<16xf32>
      %broadcast_in_dim3A_414 = arith.constant 31 : i32
      %broadcast_in_dim3A_415 = vector.broadcast %broadcast_in_dim3A_414 : i32 to vector<16xi32>
      %gather3A_416 = tpu.vector_load_idx %arg10[%add3A_227, %broadcast_in_dim3A_415] : memref<256x64xf32, #tpu.memory_space<vmem>>[vector<16xi32>, vector<16xi32>], vector<16xf32>,
      %gather3A_417 = tpu.vector_load_idx %arg11[%add3A_227, %broadcast_in_dim3A_415] : memref<256x64xf32, #tpu.memory_space<vmem>>[vector<16xi32>, vector<16xi32>], vector<16xf32>,
      %mul3A_418 = arith.mulf %gather3A_416, %gather3A_417 : vector<16xf32>
      %add3A_419 = arith.addf %add3A_413, %mul3A_418 : vector<16xf32>
      %broadcast_in_dim3A_420 = arith.constant 32 : i32
      %broadcast_in_dim3A_421 = vector.broadcast %broadcast_in_dim3A_420 : i32 to vector<16xi32>
      %gather3A_422 = tpu.vector_load_idx %arg10[%add3A_227, %broadcast_in_dim3A_421] : memref<256x64xf32, #tpu.memory_space<vmem>>[vector<16xi32>, vector<16xi32>], vector<16xf32>,
      %gather3A_423 = tpu.vector_load_idx %arg11[%add3A_227, %broadcast_in_dim3A_421] : memref<256x64xf32, #tpu.memory_space<vmem>>[vector<16xi32>, vector<16xi32>], vector<16xf32>,
      %mul3A_424 = arith.mulf %gather3A_422, %gather3A_423 : vector<16xf32>
      %add3A_425 = arith.addf %add3A_419, %mul3A_424 : vector<16xf32>
      %broadcast_in_dim3A_426 = arith.constant 33 : i32
      %broadcast_in_dim3A_427 = vector.broadcast %broadcast_in_dim3A_426 : i32 to vector<16xi32>
      %gather3A_428 = tpu.vector_load_idx %arg10[%add3A_227, %broadcast_in_dim3A_427] : memref<256x64xf32, #tpu.memory_space<vmem>>[vector<16xi32>, vector<16xi32>], vector<16xf32>,
      %gather3A_429 = tpu.vector_load_idx %arg11[%add3A_227, %broadcast_in_dim3A_427] : memref<256x64xf32, #tpu.memory_space<vmem>>[vector<16xi32>, vector<16xi32>], vector<16xf32>,
      %mul3A_430 = arith.mulf %gather3A_428, %gather3A_429 : vector<16xf32>
      %add3A_431 = arith.addf %add3A_425, %mul3A_430 : vector<16xf32>
      %broadcast_in_dim3A_432 = arith.constant 34 : i32
      %broadcast_in_dim3A_433 = vector.broadcast %broadcast_in_dim3A_432 : i32 to vector<16xi32>
      %gather3A_434 = tpu.vector_load_idx %arg10[%add3A_227, %broadcast_in_dim3A_433] : memref<256x64xf32, #tpu.memory_space<vmem>>[vector<16xi32>, vector<16xi32>], vector<16xf32>,
      %gather3A_435 = tpu.vector_load_idx %arg11[%add3A_227, %broadcast_in_dim3A_433] : memref<256x64xf32, #tpu.memory_space<vmem>>[vector<16xi32>, vector<16xi32>], vector<16xf32>,
      %mul3A_436 = arith.mulf %gather3A_434, %gather3A_435 : vector<16xf32>
      %add3A_437 = arith.addf %add3A_431, %mul3A_436 : vector<16xf32>
      %broadcast_in_dim3A_438 = arith.constant 35 : i32
      %broadcast_in_dim3A_439 = vector.broadcast %broadcast_in_dim3A_438 : i32 to vector<16xi32>
      %gather3A_440 = tpu.vector_load_idx %arg10[%add3A_227, %broadcast_in_dim3A_439] : memref<256x64xf32, #tpu.memory_space<vmem>>[vector<16xi32>, vector<16xi32>], vector<16xf32>,
      %gather3A_441 = tpu.vector_load_idx %arg11[%add3A_227, %broadcast_in_dim3A_439] : memref<256x64xf32, #tpu.memory_space<vmem>>[vector<16xi32>, vector<16xi32>], vector<16xf32>,
      %mul3A_442 = arith.mulf %gather3A_440, %gather3A_441 : vector<16xf32>
      %add3A_443 = arith.addf %add3A_437, %mul3A_442 : vector<16xf32>
      %broadcast_in_dim3A_444 = arith.constant 36 : i32
      %broadcast_in_dim3A_445 = vector.broadcast %broadcast_in_dim3A_444 : i32 to vector<16xi32>
      %gather3A_446 = tpu.vector_load_idx %arg10[%add3A_227, %broadcast_in_dim3A_445] : memref<256x64xf32, #tpu.memory_space<vmem>>[vector<16xi32>, vector<16xi32>], vector<16xf32>,
      %gather3A_447 = tpu.vector_load_idx %arg11[%add3A_227, %broadcast_in_dim3A_445] : memref<256x64xf32, #tpu.memory_space<vmem>>[vector<16xi32>, vector<16xi32>], vector<16xf32>,
      %mul3A_448 = arith.mulf %gather3A_446, %gather3A_447 : vector<16xf32>
      %add3A_449 = arith.addf %add3A_443, %mul3A_448 : vector<16xf32>
      %broadcast_in_dim3A_450 = arith.constant 37 : i32
      %broadcast_in_dim3A_451 = vector.broadcast %broadcast_in_dim3A_450 : i32 to vector<16xi32>
      %gather3A_452 = tpu.vector_load_idx %arg10[%add3A_227, %broadcast_in_dim3A_451] : memref<256x64xf32, #tpu.memory_space<vmem>>[vector<16xi32>, vector<16xi32>], vector<16xf32>,
      %gather3A_453 = tpu.vector_load_idx %arg11[%add3A_227, %broadcast_in_dim3A_451] : memref<256x64xf32, #tpu.memory_space<vmem>>[vector<16xi32>, vector<16xi32>], vector<16xf32>,
      %mul3A_454 = arith.mulf %gather3A_452, %gather3A_453 : vector<16xf32>
      %add3A_455 = arith.addf %add3A_449, %mul3A_454 : vector<16xf32>
      %broadcast_in_dim3A_456 = arith.constant 38 : i32
      %broadcast_in_dim3A_457 = vector.broadcast %broadcast_in_dim3A_456 : i32 to vector<16xi32>
      %gather3A_458 = tpu.vector_load_idx %arg10[%add3A_227, %broadcast_in_dim3A_457] : memref<256x64xf32, #tpu.memory_space<vmem>>[vector<16xi32>, vector<16xi32>], vector<16xf32>,
      %gather3A_459 = tpu.vector_load_idx %arg11[%add3A_227, %broadcast_in_dim3A_457] : memref<256x64xf32, #tpu.memory_space<vmem>>[vector<16xi32>, vector<16xi32>], vector<16xf32>,
      %mul3A_460 = arith.mulf %gather3A_458, %gather3A_459 : vector<16xf32>
      %add3A_461 = arith.addf %add3A_455, %mul3A_460 : vector<16xf32>
      %broadcast_in_dim3A_462 = arith.constant 39 : i32
      %broadcast_in_dim3A_463 = vector.broadcast %broadcast_in_dim3A_462 : i32 to vector<16xi32>
      %gather3A_464 = tpu.vector_load_idx %arg10[%add3A_227, %broadcast_in_dim3A_463] : memref<256x64xf32, #tpu.memory_space<vmem>>[vector<16xi32>, vector<16xi32>], vector<16xf32>,
      %gather3A_465 = tpu.vector_load_idx %arg11[%add3A_227, %broadcast_in_dim3A_463] : memref<256x64xf32, #tpu.memory_space<vmem>>[vector<16xi32>, vector<16xi32>], vector<16xf32>,
      %mul3A_466 = arith.mulf %gather3A_464, %gather3A_465 : vector<16xf32>
      %add3A_467 = arith.addf %add3A_461, %mul3A_466 : vector<16xf32>
      %broadcast_in_dim3A_468 = arith.constant 40 : i32
      %broadcast_in_dim3A_469 = vector.broadcast %broadcast_in_dim3A_468 : i32 to vector<16xi32>
      %gather3A_470 = tpu.vector_load_idx %arg10[%add3A_227, %broadcast_in_dim3A_469] : memref<256x64xf32, #tpu.memory_space<vmem>>[vector<16xi32>, vector<16xi32>], vector<16xf32>,
      %gather3A_471 = tpu.vector_load_idx %arg11[%add3A_227, %broadcast_in_dim3A_469] : memref<256x64xf32, #tpu.memory_space<vmem>>[vector<16xi32>, vector<16xi32>], vector<16xf32>,
      %mul3A_472 = arith.mulf %gather3A_470, %gather3A_471 : vector<16xf32>
      %add3A_473 = arith.addf %add3A_467, %mul3A_472 : vector<16xf32>
      %broadcast_in_dim3A_474 = arith.constant 41 : i32
      %broadcast_in_dim3A_475 = vector.broadcast %broadcast_in_dim3A_474 : i32 to vector<16xi32>
      %gather3A_476 = tpu.vector_load_idx %arg10[%add3A_227, %broadcast_in_dim3A_475] : memref<256x64xf32, #tpu.memory_space<vmem>>[vector<16xi32>, vector<16xi32>], vector<16xf32>,
      %gather3A_477 = tpu.vector_load_idx %arg11[%add3A_227, %broadcast_in_dim3A_475] : memref<256x64xf32, #tpu.memory_space<vmem>>[vector<16xi32>, vector<16xi32>], vector<16xf32>,
      %mul3A_478 = arith.mulf %gather3A_476, %gather3A_477 : vector<16xf32>
      %add3A_479 = arith.addf %add3A_473, %mul3A_478 : vector<16xf32>
      %broadcast_in_dim3A_480 = arith.constant 42 : i32
      %broadcast_in_dim3A_481 = vector.broadcast %broadcast_in_dim3A_480 : i32 to vector<16xi32>
      %gather3A_482 = tpu.vector_load_idx %arg10[%add3A_227, %broadcast_in_dim3A_481] : memref<256x64xf32, #tpu.memory_space<vmem>>[vector<16xi32>, vector<16xi32>], vector<16xf32>,
      %gather3A_483 = tpu.vector_load_idx %arg11[%add3A_227, %broadcast_in_dim3A_481] : memref<256x64xf32, #tpu.memory_space<vmem>>[vector<16xi32>, vector<16xi32>], vector<16xf32>,
      %mul3A_484 = arith.mulf %gather3A_482, %gather3A_483 : vector<16xf32>
      %add3A_485 = arith.addf %add3A_479, %mul3A_484 : vector<16xf32>
      %broadcast_in_dim3A_486 = arith.constant 43 : i32
      %broadcast_in_dim3A_487 = vector.broadcast %broadcast_in_dim3A_486 : i32 to vector<16xi32>
      %gather3A_488 = tpu.vector_load_idx %arg10[%add3A_227, %broadcast_in_dim3A_487] : memref<256x64xf32, #tpu.memory_space<vmem>>[vector<16xi32>, vector<16xi32>], vector<16xf32>,
      %gather3A_489 = tpu.vector_load_idx %arg11[%add3A_227, %broadcast_in_dim3A_487] : memref<256x64xf32, #tpu.memory_space<vmem>>[vector<16xi32>, vector<16xi32>], vector<16xf32>,
      %mul3A_490 = arith.mulf %gather3A_488, %gather3A_489 : vector<16xf32>
      %add3A_491 = arith.addf %add3A_485, %mul3A_490 : vector<16xf32>
      %broadcast_in_dim3A_492 = arith.constant 44 : i32
      %broadcast_in_dim3A_493 = vector.broadcast %broadcast_in_dim3A_492 : i32 to vector<16xi32>
      %gather3A_494 = tpu.vector_load_idx %arg10[%add3A_227, %broadcast_in_dim3A_493] : memref<256x64xf32, #tpu.memory_space<vmem>>[vector<16xi32>, vector<16xi32>], vector<16xf32>,
      %gather3A_495 = tpu.vector_load_idx %arg11[%add3A_227, %broadcast_in_dim3A_493] : memref<256x64xf32, #tpu.memory_space<vmem>>[vector<16xi32>, vector<16xi32>], vector<16xf32>,
      %mul3A_496 = arith.mulf %gather3A_494, %gather3A_495 : vector<16xf32>
      %add3A_497 = arith.addf %add3A_491, %mul3A_496 : vector<16xf32>
      %broadcast_in_dim3A_498 = arith.constant 45 : i32
      %broadcast_in_dim3A_499 = vector.broadcast %broadcast_in_dim3A_498 : i32 to vector<16xi32>
      %gather3A_500 = tpu.vector_load_idx %arg10[%add3A_227, %broadcast_in_dim3A_499] : memref<256x64xf32, #tpu.memory_space<vmem>>[vector<16xi32>, vector<16xi32>], vector<16xf32>,
      %gather3A_501 = tpu.vector_load_idx %arg11[%add3A_227, %broadcast_in_dim3A_499] : memref<256x64xf32, #tpu.memory_space<vmem>>[vector<16xi32>, vector<16xi32>], vector<16xf32>,
      %mul3A_502 = arith.mulf %gather3A_500, %gather3A_501 : vector<16xf32>
      %add3A_503 = arith.addf %add3A_497, %mul3A_502 : vector<16xf32>
      %broadcast_in_dim3A_504 = arith.constant 46 : i32
      %broadcast_in_dim3A_505 = vector.broadcast %broadcast_in_dim3A_504 : i32 to vector<16xi32>
      %gather3A_506 = tpu.vector_load_idx %arg10[%add3A_227, %broadcast_in_dim3A_505] : memref<256x64xf32, #tpu.memory_space<vmem>>[vector<16xi32>, vector<16xi32>], vector<16xf32>,
      %gather3A_507 = tpu.vector_load_idx %arg11[%add3A_227, %broadcast_in_dim3A_505] : memref<256x64xf32, #tpu.memory_space<vmem>>[vector<16xi32>, vector<16xi32>], vector<16xf32>,
      %mul3A_508 = arith.mulf %gather3A_506, %gather3A_507 : vector<16xf32>
      %add3A_509 = arith.addf %add3A_503, %mul3A_508 : vector<16xf32>
      %broadcast_in_dim3A_510 = arith.constant 47 : i32
      %broadcast_in_dim3A_511 = vector.broadcast %broadcast_in_dim3A_510 : i32 to vector<16xi32>
      %gather3A_512 = tpu.vector_load_idx %arg10[%add3A_227, %broadcast_in_dim3A_511] : memref<256x64xf32, #tpu.memory_space<vmem>>[vector<16xi32>, vector<16xi32>], vector<16xf32>,
      %gather3A_513 = tpu.vector_load_idx %arg11[%add3A_227, %broadcast_in_dim3A_511] : memref<256x64xf32, #tpu.memory_space<vmem>>[vector<16xi32>, vector<16xi32>], vector<16xf32>,
      %mul3A_514 = arith.mulf %gather3A_512, %gather3A_513 : vector<16xf32>
      %add3A_515 = arith.addf %add3A_509, %mul3A_514 : vector<16xf32>
      %broadcast_in_dim3A_516 = arith.constant 48 : i32
      %broadcast_in_dim3A_517 = vector.broadcast %broadcast_in_dim3A_516 : i32 to vector<16xi32>
      %gather3A_518 = tpu.vector_load_idx %arg10[%add3A_227, %broadcast_in_dim3A_517] : memref<256x64xf32, #tpu.memory_space<vmem>>[vector<16xi32>, vector<16xi32>], vector<16xf32>,
      %gather3A_519 = tpu.vector_load_idx %arg11[%add3A_227, %broadcast_in_dim3A_517] : memref<256x64xf32, #tpu.memory_space<vmem>>[vector<16xi32>, vector<16xi32>], vector<16xf32>,
      %mul3A_520 = arith.mulf %gather3A_518, %gather3A_519 : vector<16xf32>
      %add3A_521 = arith.addf %add3A_515, %mul3A_520 : vector<16xf32>
      %broadcast_in_dim3A_522 = arith.constant 49 : i32
      %broadcast_in_dim3A_523 = vector.broadcast %broadcast_in_dim3A_522 : i32 to vector<16xi32>
      %gather3A_524 = tpu.vector_load_idx %arg10[%add3A_227, %broadcast_in_dim3A_523] : memref<256x64xf32, #tpu.memory_space<vmem>>[vector<16xi32>, vector<16xi32>], vector<16xf32>,
      %gather3A_525 = tpu.vector_load_idx %arg11[%add3A_227, %broadcast_in_dim3A_523] : memref<256x64xf32, #tpu.memory_space<vmem>>[vector<16xi32>, vector<16xi32>], vector<16xf32>,
      %mul3A_526 = arith.mulf %gather3A_524, %gather3A_525 : vector<16xf32>
      %add3A_527 = arith.addf %add3A_521, %mul3A_526 : vector<16xf32>
      %broadcast_in_dim3A_528 = arith.constant 50 : i32
      %broadcast_in_dim3A_529 = vector.broadcast %broadcast_in_dim3A_528 : i32 to vector<16xi32>
      %gather3A_530 = tpu.vector_load_idx %arg10[%add3A_227, %broadcast_in_dim3A_529] : memref<256x64xf32, #tpu.memory_space<vmem>>[vector<16xi32>, vector<16xi32>], vector<16xf32>,
      %gather3A_531 = tpu.vector_load_idx %arg11[%add3A_227, %broadcast_in_dim3A_529] : memref<256x64xf32, #tpu.memory_space<vmem>>[vector<16xi32>, vector<16xi32>], vector<16xf32>,
      %mul3A_532 = arith.mulf %gather3A_530, %gather3A_531 : vector<16xf32>
      %add3A_533 = arith.addf %add3A_527, %mul3A_532 : vector<16xf32>
      %broadcast_in_dim3A_534 = arith.constant 51 : i32
      %broadcast_in_dim3A_535 = vector.broadcast %broadcast_in_dim3A_534 : i32 to vector<16xi32>
      %gather3A_536 = tpu.vector_load_idx %arg10[%add3A_227, %broadcast_in_dim3A_535] : memref<256x64xf32, #tpu.memory_space<vmem>>[vector<16xi32>, vector<16xi32>], vector<16xf32>,
      %gather3A_537 = tpu.vector_load_idx %arg11[%add3A_227, %broadcast_in_dim3A_535] : memref<256x64xf32, #tpu.memory_space<vmem>>[vector<16xi32>, vector<16xi32>], vector<16xf32>,
      %mul3A_538 = arith.mulf %gather3A_536, %gather3A_537 : vector<16xf32>
      %add3A_539 = arith.addf %add3A_533, %mul3A_538 : vector<16xf32>
      %broadcast_in_dim3A_540 = arith.constant 52 : i32
      %broadcast_in_dim3A_541 = vector.broadcast %broadcast_in_dim3A_540 : i32 to vector<16xi32>
      %gather3A_542 = tpu.vector_load_idx %arg10[%add3A_227, %broadcast_in_dim3A_541] : memref<256x64xf32, #tpu.memory_space<vmem>>[vector<16xi32>, vector<16xi32>], vector<16xf32>,
      %gather3A_543 = tpu.vector_load_idx %arg11[%add3A_227, %broadcast_in_dim3A_541] : memref<256x64xf32, #tpu.memory_space<vmem>>[vector<16xi32>, vector<16xi32>], vector<16xf32>,
      %mul3A_544 = arith.mulf %gather3A_542, %gather3A_543 : vector<16xf32>
      %add3A_545 = arith.addf %add3A_539, %mul3A_544 : vector<16xf32>
      %broadcast_in_dim3A_546 = arith.constant 53 : i32
      %broadcast_in_dim3A_547 = vector.broadcast %broadcast_in_dim3A_546 : i32 to vector<16xi32>
      %gather3A_548 = tpu.vector_load_idx %arg10[%add3A_227, %broadcast_in_dim3A_547] : memref<256x64xf32, #tpu.memory_space<vmem>>[vector<16xi32>, vector<16xi32>], vector<16xf32>,
      %gather3A_549 = tpu.vector_load_idx %arg11[%add3A_227, %broadcast_in_dim3A_547] : memref<256x64xf32, #tpu.memory_space<vmem>>[vector<16xi32>, vector<16xi32>], vector<16xf32>,
      %mul3A_550 = arith.mulf %gather3A_548, %gather3A_549 : vector<16xf32>
      %add3A_551 = arith.addf %add3A_545, %mul3A_550 : vector<16xf32>
      %broadcast_in_dim3A_552 = arith.constant 54 : i32
      %broadcast_in_dim3A_553 = vector.broadcast %broadcast_in_dim3A_552 : i32 to vector<16xi32>
      %gather3A_554 = tpu.vector_load_idx %arg10[%add3A_227, %broadcast_in_dim3A_553] : memref<256x64xf32, #tpu.memory_space<vmem>>[vector<16xi32>, vector<16xi32>], vector<16xf32>,
      %gather3A_555 = tpu.vector_load_idx %arg11[%add3A_227, %broadcast_in_dim3A_553] : memref<256x64xf32, #tpu.memory_space<vmem>>[vector<16xi32>, vector<16xi32>], vector<16xf32>,
      %mul3A_556 = arith.mulf %gather3A_554, %gather3A_555 : vector<16xf32>
      %add3A_557 = arith.addf %add3A_551, %mul3A_556 : vector<16xf32>
      %broadcast_in_dim3A_558 = arith.constant 55 : i32
      %broadcast_in_dim3A_559 = vector.broadcast %broadcast_in_dim3A_558 : i32 to vector<16xi32>
      %gather3A_560 = tpu.vector_load_idx %arg10[%add3A_227, %broadcast_in_dim3A_559] : memref<256x64xf32, #tpu.memory_space<vmem>>[vector<16xi32>, vector<16xi32>], vector<16xf32>,
      %gather3A_561 = tpu.vector_load_idx %arg11[%add3A_227, %broadcast_in_dim3A_559] : memref<256x64xf32, #tpu.memory_space<vmem>>[vector<16xi32>, vector<16xi32>], vector<16xf32>,
      %mul3A_562 = arith.mulf %gather3A_560, %gather3A_561 : vector<16xf32>
      %add3A_563 = arith.addf %add3A_557, %mul3A_562 : vector<16xf32>
      %broadcast_in_dim3A_564 = arith.constant 56 : i32
      %broadcast_in_dim3A_565 = vector.broadcast %broadcast_in_dim3A_564 : i32 to vector<16xi32>
      %gather3A_566 = tpu.vector_load_idx %arg10[%add3A_227, %broadcast_in_dim3A_565] : memref<256x64xf32, #tpu.memory_space<vmem>>[vector<16xi32>, vector<16xi32>], vector<16xf32>,
      %gather3A_567 = tpu.vector_load_idx %arg11[%add3A_227, %broadcast_in_dim3A_565] : memref<256x64xf32, #tpu.memory_space<vmem>>[vector<16xi32>, vector<16xi32>], vector<16xf32>,
      %mul3A_568 = arith.mulf %gather3A_566, %gather3A_567 : vector<16xf32>
      %add3A_569 = arith.addf %add3A_563, %mul3A_568 : vector<16xf32>
      %broadcast_in_dim3A_570 = arith.constant 57 : i32
      %broadcast_in_dim3A_571 = vector.broadcast %broadcast_in_dim3A_570 : i32 to vector<16xi32>
      %gather3A_572 = tpu.vector_load_idx %arg10[%add3A_227, %broadcast_in_dim3A_571] : memref<256x64xf32, #tpu.memory_space<vmem>>[vector<16xi32>, vector<16xi32>], vector<16xf32>,
      %gather3A_573 = tpu.vector_load_idx %arg11[%add3A_227, %broadcast_in_dim3A_571] : memref<256x64xf32, #tpu.memory_space<vmem>>[vector<16xi32>, vector<16xi32>], vector<16xf32>,
      %mul3A_574 = arith.mulf %gather3A_572, %gather3A_573 : vector<16xf32>
      %add3A_575 = arith.addf %add3A_569, %mul3A_574 : vector<16xf32>
      %broadcast_in_dim3A_576 = arith.constant 58 : i32
      %broadcast_in_dim3A_577 = vector.broadcast %broadcast_in_dim3A_576 : i32 to vector<16xi32>
      %gather3A_578 = tpu.vector_load_idx %arg10[%add3A_227, %broadcast_in_dim3A_577] : memref<256x64xf32, #tpu.memory_space<vmem>>[vector<16xi32>, vector<16xi32>], vector<16xf32>,
      %gather3A_579 = tpu.vector_load_idx %arg11[%add3A_227, %broadcast_in_dim3A_577] : memref<256x64xf32, #tpu.memory_space<vmem>>[vector<16xi32>, vector<16xi32>], vector<16xf32>,
      %mul3A_580 = arith.mulf %gather3A_578, %gather3A_579 : vector<16xf32>
      %add3A_581 = arith.addf %add3A_575, %mul3A_580 : vector<16xf32>
      %broadcast_in_dim3A_582 = arith.constant 59 : i32
      %broadcast_in_dim3A_583 = vector.broadcast %broadcast_in_dim3A_582 : i32 to vector<16xi32>
      %gather3A_584 = tpu.vector_load_idx %arg10[%add3A_227, %broadcast_in_dim3A_583] : memref<256x64xf32, #tpu.memory_space<vmem>>[vector<16xi32>, vector<16xi32>], vector<16xf32>,
      %gather3A_585 = tpu.vector_load_idx %arg11[%add3A_227, %broadcast_in_dim3A_583] : memref<256x64xf32, #tpu.memory_space<vmem>>[vector<16xi32>, vector<16xi32>], vector<16xf32>,
      %mul3A_586 = arith.mulf %gather3A_584, %gather3A_585 : vector<16xf32>
      %add3A_587 = arith.addf %add3A_581, %mul3A_586 : vector<16xf32>
      %broadcast_in_dim3A_588 = arith.constant 60 : i32
      %broadcast_in_dim3A_589 = vector.broadcast %broadcast_in_dim3A_588 : i32 to vector<16xi32>
      %gather3A_590 = tpu.vector_load_idx %arg10[%add3A_227, %broadcast_in_dim3A_589] : memref<256x64xf32, #tpu.memory_space<vmem>>[vector<16xi32>, vector<16xi32>], vector<16xf32>,
      %gather3A_591 = tpu.vector_load_idx %arg11[%add3A_227, %broadcast_in_dim3A_589] : memref<256x64xf32, #tpu.memory_space<vmem>>[vector<16xi32>, vector<16xi32>], vector<16xf32>,
      %mul3A_592 = arith.mulf %gather3A_590, %gather3A_591 : vector<16xf32>
      %add3A_593 = arith.addf %add3A_587, %mul3A_592 : vector<16xf32>
      %broadcast_in_dim3A_594 = arith.constant 61 : i32
      %broadcast_in_dim3A_595 = vector.broadcast %broadcast_in_dim3A_594 : i32 to vector<16xi32>
      %gather3A_596 = tpu.vector_load_idx %arg10[%add3A_227, %broadcast_in_dim3A_595] : memref<256x64xf32, #tpu.memory_space<vmem>>[vector<16xi32>, vector<16xi32>], vector<16xf32>,
      %gather3A_597 = tpu.vector_load_idx %arg11[%add3A_227, %broadcast_in_dim3A_595] : memref<256x64xf32, #tpu.memory_space<vmem>>[vector<16xi32>, vector<16xi32>], vector<16xf32>,
      %mul3A_598 = arith.mulf %gather3A_596, %gather3A_597 : vector<16xf32>
      %add3A_599 = arith.addf %add3A_593, %mul3A_598 : vector<16xf32>
      %broadcast_in_dim3A_600 = arith.constant 62 : i32
      %broadcast_in_dim3A_601 = vector.broadcast %broadcast_in_dim3A_600 : i32 to vector<16xi32>
      %gather3A_602 = tpu.vector_load_idx %arg10[%add3A_227, %broadcast_in_dim3A_601] : memref<256x64xf32, #tpu.memory_space<vmem>>[vector<16xi32>, vector<16xi32>], vector<16xf32>,
      %gather3A_603 = tpu.vector_load_idx %arg11[%add3A_227, %broadcast_in_dim3A_601] : memref<256x64xf32, #tpu.memory_space<vmem>>[vector<16xi32>, vector<16xi32>], vector<16xf32>,
      %mul3A_604 = arith.mulf %gather3A_602, %gather3A_603 : vector<16xf32>
      %add3A_605 = arith.addf %add3A_599, %mul3A_604 : vector<16xf32>
      %broadcast_in_dim3A_606 = arith.constant 63 : i32
      %broadcast_in_dim3A_607 = vector.broadcast %broadcast_in_dim3A_606 : i32 to vector<16xi32>
      %gather3A_608 = tpu.vector_load_idx %arg10[%add3A_227, %broadcast_in_dim3A_607] : memref<256x64xf32, #tpu.memory_space<vmem>>[vector<16xi32>, vector<16xi32>], vector<16xf32>,
      %gather3A_609 = tpu.vector_load_idx %arg11[%add3A_227, %broadcast_in_dim3A_607] : memref<256x64xf32, #tpu.memory_space<vmem>>[vector<16xi32>, vector<16xi32>], vector<16xf32>,
      %mul3A_610 = arith.mulf %gather3A_608, %gather3A_609 : vector<16xf32>
      %add3A_611 = arith.addf %add3A_605, %mul3A_610 : vector<16xf32>
      %mul3A_612 = arith.constant 16 : i32
      %mul3A_613 = arith.muli %scan3A_223, %mul3A_612 : i32
      %add3A_614 = arith.constant 0 : i32
      %add3A_615 = arith.addi %add3A_614, %mul3A_613 : i32
      %swap3A = arith.index_cast %add3A_615 : i32 to index
      %swap3A_616 = tpu.vector_load %arg12[%swap3A] {strides = array<i32>} : memref<512xf32, #tpu.memory_space<vmem>>, vector<16xf32>,
      tpu.vector_store %arg12[%swap3A], %add3A_611 {strides = array<i32>} : memref<512xf32, #tpu.memory_space<vmem>>, vector<16xf32>,
    }
    %scan3A_114 = arith.constant 16 : i32
    %scan3A_115 = arith.constant 0 : i32
    %scan3A_116 = arith.constant 0 : i32
    %scan3A_117 = arith.constant 64 : i32
    %scan3A_118 = arith.addi %scan3A_116, %scan3A_117 : i32
    %scan3A_119 = arith.constant 1 : i32
    scf.for %scan3A_223 = %scan3A_116 to %scan3A_118 step %scan3A_119  : i32 {
      %mul3A_224 = arith.constant 4 : i32
      %mul3A_225 = arith.muli %scan3A_223, %mul3A_224 : i32
      %add3A_226 = arith.constant 0 : i32
      %add3A_227 = arith.addi %mul3A_225, %add3A_226 : i32
      %add3A_228 = arith.constant 256 : i32
      %add3A_229 = arith.addi %add3A_228, %add3A_227 : i32
      %get3A = arith.index_cast %add3A_229 : i32 to index
      %get3A_230 = memref.load %arg8[%get3A] : memref<512xi32, #tpu.memory_space<smem>>
      %add3A_231 = arith.constant 256 : i32
      %add3A_232 = arith.addi %add3A_231, %add3A_227 : i32
      %get3A_233 = arith.index_cast %add3A_232 : i32 to index
      %get3A_234 = memref.load %arg9[%get3A_233] : memref<512xi32, #tpu.memory_space<smem>>
      %dma_start3A = arith.constant 0 : i32
      %dma_start3A_235 = tpu.memref_slice %arg10[%add3A_227, %dma_start3A] : memref<256x64xf32, #tpu.memory_space<vmem>> -> memref<1x64xf32, #tpu.memory_space<vmem>>
      %dma_start3A_236 = arith.constant 0 : i32
      %dma_start3A_237 = tpu.memref_slice %arg2[%get3A_230, %dma_start3A_236] : memref<1000000x64xf32, #tpu.memory_space<hbm>> -> memref<1x64xf32, #tpu.memory_space<hbm>>
      %dma_start3A_238 = arith.constant 0 : i32
      %dma_start3A_239 = tpu.memref_slice %arg10[%add3A_227, %dma_start3A_238] : memref<256x64xf32, #tpu.memory_space<vmem>> -> memref<1x64xf32, #tpu.memory_space<vmem>>
      %dma_start3A_240 = arith.constant 0 : i32
      %dma_start3A_241 = tpu.memref_slice %arg2[%get3A_230, %dma_start3A_240] : memref<1000000x64xf32, #tpu.memory_space<hbm>> -> memref<1x64xf32, #tpu.memory_space<hbm>>
      tpu.enqueue_dma source(%dma_start3A_241 : memref<1x64xf32, #tpu.memory_space<hbm>>) target(%dma_start3A_239 : memref<1x64xf32, #tpu.memory_space<vmem>>) target_semaphore(%arg13 : memref<!tpu.dma_semaphore, #tpu.memory_space<semaphore_mem>>)
      %dma_start3A_242 = arith.constant 0 : i32
      %dma_start3A_243 = tpu.memref_slice %arg11[%add3A_227, %dma_start3A_242] : memref<256x64xf32, #tpu.memory_space<vmem>> -> memref<1x64xf32, #tpu.memory_space<vmem>>
      %dma_start3A_244 = arith.constant 0 : i32
      %dma_start3A_245 = tpu.memref_slice %arg3[%get3A_234, %dma_start3A_244] : memref<1000000x64xf32, #tpu.memory_space<hbm>> -> memref<1x64xf32, #tpu.memory_space<hbm>>
      %dma_start3A_246 = arith.constant 0 : i32
      %dma_start3A_247 = tpu.memref_slice %arg11[%add3A_227, %dma_start3A_246] : memref<256x64xf32, #tpu.memory_space<vmem>> -> memref<1x64xf32, #tpu.memory_space<vmem>>
      %dma_start3A_248 = arith.constant 0 : i32
      %dma_start3A_249 = tpu.memref_slice %arg3[%get3A_234, %dma_start3A_248] : memref<1000000x64xf32, #tpu.memory_space<hbm>> -> memref<1x64xf32, #tpu.memory_space<hbm>>
      tpu.enqueue_dma source(%dma_start3A_249 : memref<1x64xf32, #tpu.memory_space<hbm>>) target(%dma_start3A_247 : memref<1x64xf32, #tpu.memory_space<vmem>>) target_semaphore(%arg17 : memref<!tpu.dma_semaphore, #tpu.memory_space<semaphore_mem>>)
      %mul3A_250 = arith.constant 4 : i32
      %mul3A_251 = arith.muli %scan3A_223, %mul3A_250 : i32
      %add3A_252 = arith.constant 1 : i32
      %add3A_253 = arith.addi %mul3A_251, %add3A_252 : i32
      %add3A_254 = arith.constant 256 : i32
      %add3A_255 = arith.addi %add3A_254, %add3A_253 : i32
      %get3A_256 = arith.index_cast %add3A_255 : i32 to index
      %get3A_257 = memref.load %arg8[%get3A_256] : memref<512xi32, #tpu.memory_space<smem>>
      %add3A_258 = arith.constant 256 : i32
      %add3A_259 = arith.addi %add3A_258, %add3A_253 : i32
      %get3A_260 = arith.index_cast %add3A_259 : i32 to index
      %get3A_261 = memref.load %arg9[%get3A_260] : memref<512xi32, #tpu.memory_space<smem>>
      %dma_start3A_262 = arith.constant 0 : i32
      %dma_start3A_263 = tpu.memref_slice %arg10[%add3A_253, %dma_start3A_262] : memref<256x64xf32, #tpu.memory_space<vmem>> -> memref<1x64xf32, #tpu.memory_space<vmem>>
      %dma_start3A_264 = arith.constant 0 : i32
      %dma_start3A_265 = tpu.memref_slice %arg2[%get3A_257, %dma_start3A_264] : memref<1000000x64xf32, #tpu.memory_space<hbm>> -> memref<1x64xf32, #tpu.memory_space<hbm>>
      %dma_start3A_266 = arith.constant 0 : i32
      %dma_start3A_267 = tpu.memref_slice %arg10[%add3A_253, %dma_start3A_266] : memref<256x64xf32, #tpu.memory_space<vmem>> -> memref<1x64xf32, #tpu.memory_space<vmem>>
      %dma_start3A_268 = arith.constant 0 : i32
      %dma_start3A_269 = tpu.memref_slice %arg2[%get3A_257, %dma_start3A_268] : memref<1000000x64xf32, #tpu.memory_space<hbm>> -> memref<1x64xf32, #tpu.memory_space<hbm>>
      tpu.enqueue_dma source(%dma_start3A_269 : memref<1x64xf32, #tpu.memory_space<hbm>>) target(%dma_start3A_267 : memref<1x64xf32, #tpu.memory_space<vmem>>) target_semaphore(%arg14 : memref<!tpu.dma_semaphore, #tpu.memory_space<semaphore_mem>>)
      %dma_start3A_270 = arith.constant 0 : i32
      %dma_start3A_271 = tpu.memref_slice %arg11[%add3A_253, %dma_start3A_270] : memref<256x64xf32, #tpu.memory_space<vmem>> -> memref<1x64xf32, #tpu.memory_space<vmem>>
      %dma_start3A_272 = arith.constant 0 : i32
      %dma_start3A_273 = tpu.memref_slice %arg3[%get3A_261, %dma_start3A_272] : memref<1000000x64xf32, #tpu.memory_space<hbm>> -> memref<1x64xf32, #tpu.memory_space<hbm>>
      %dma_start3A_274 = arith.constant 0 : i32
      %dma_start3A_275 = tpu.memref_slice %arg11[%add3A_253, %dma_start3A_274] : memref<256x64xf32, #tpu.memory_space<vmem>> -> memref<1x64xf32, #tpu.memory_space<vmem>>
      %dma_start3A_276 = arith.constant 0 : i32
      %dma_start3A_277 = tpu.memref_slice %arg3[%get3A_261, %dma_start3A_276] : memref<1000000x64xf32, #tpu.memory_space<hbm>> -> memref<1x64xf32, #tpu.memory_space<hbm>>
      tpu.enqueue_dma source(%dma_start3A_277 : memref<1x64xf32, #tpu.memory_space<hbm>>) target(%dma_start3A_275 : memref<1x64xf32, #tpu.memory_space<vmem>>) target_semaphore(%arg18 : memref<!tpu.dma_semaphore, #tpu.memory_space<semaphore_mem>>)
      %mul3A_278 = arith.constant 4 : i32
      %mul3A_279 = arith.muli %scan3A_223, %mul3A_278 : i32
      %add3A_280 = arith.constant 2 : i32
      %add3A_281 = arith.addi %mul3A_279, %add3A_280 : i32
      %add3A_282 = arith.constant 256 : i32
      %add3A_283 = arith.addi %add3A_282, %add3A_281 : i32
      %get3A_284 = arith.index_cast %add3A_283 : i32 to index
      %get3A_285 = memref.load %arg8[%get3A_284] : memref<512xi32, #tpu.memory_space<smem>>
      %add3A_286 = arith.constant 256 : i32
      %add3A_287 = arith.addi %add3A_286, %add3A_281 : i32
      %get3A_288 = arith.index_cast %add3A_287 : i32 to index
      %get3A_289 = memref.load %arg9[%get3A_288] : memref<512xi32, #tpu.memory_space<smem>>
      %dma_start3A_290 = arith.constant 0 : i32
      %dma_start3A_291 = tpu.memref_slice %arg10[%add3A_281, %dma_start3A_290] : memref<256x64xf32, #tpu.memory_space<vmem>> -> memref<1x64xf32, #tpu.memory_space<vmem>>
      %dma_start3A_292 = arith.constant 0 : i32
      %dma_start3A_293 = tpu.memref_slice %arg2[%get3A_285, %dma_start3A_292] : memref<1000000x64xf32, #tpu.memory_space<hbm>> -> memref<1x64xf32, #tpu.memory_space<hbm>>
      %dma_start3A_294 = arith.constant 0 : i32
      %dma_start3A_295 = tpu.memref_slice %arg10[%add3A_281, %dma_start3A_294] : memref<256x64xf32, #tpu.memory_space<vmem>> -> memref<1x64xf32, #tpu.memory_space<vmem>>
      %dma_start3A_296 = arith.constant 0 : i32
      %dma_start3A_297 = tpu.memref_slice %arg2[%get3A_285, %dma_start3A_296] : memref<1000000x64xf32, #tpu.memory_space<hbm>> -> memref<1x64xf32, #tpu.memory_space<hbm>>
      tpu.enqueue_dma source(%dma_start3A_297 : memref<1x64xf32, #tpu.memory_space<hbm>>) target(%dma_start3A_295 : memref<1x64xf32, #tpu.memory_space<vmem>>) target_semaphore(%arg15 : memref<!tpu.dma_semaphore, #tpu.memory_space<semaphore_mem>>)
      %dma_start3A_298 = arith.constant 0 : i32
      %dma_start3A_299 = tpu.memref_slice %arg11[%add3A_281, %dma_start3A_298] : memref<256x64xf32, #tpu.memory_space<vmem>> -> memref<1x64xf32, #tpu.memory_space<vmem>>
      %dma_start3A_300 = arith.constant 0 : i32
      %dma_start3A_301 = tpu.memref_slice %arg3[%get3A_289, %dma_start3A_300] : memref<1000000x64xf32, #tpu.memory_space<hbm>> -> memref<1x64xf32, #tpu.memory_space<hbm>>
      %dma_start3A_302 = arith.constant 0 : i32
      %dma_start3A_303 = tpu.memref_slice %arg11[%add3A_281, %dma_start3A_302] : memref<256x64xf32, #tpu.memory_space<vmem>> -> memref<1x64xf32, #tpu.memory_space<vmem>>
      %dma_start3A_304 = arith.constant 0 : i32
      %dma_start3A_305 = tpu.memref_slice %arg3[%get3A_289, %dma_start3A_304] : memref<1000000x64xf32, #tpu.memory_space<hbm>> -> memref<1x64xf32, #tpu.memory_space<hbm>>
      tpu.enqueue_dma source(%dma_start3A_305 : memref<1x64xf32, #tpu.memory_space<hbm>>) target(%dma_start3A_303 : memref<1x64xf32, #tpu.memory_space<vmem>>) target_semaphore(%arg19 : memref<!tpu.dma_semaphore, #tpu.memory_space<semaphore_mem>>)
      %mul3A_306 = arith.constant 4 : i32
      %mul3A_307 = arith.muli %scan3A_223, %mul3A_306 : i32
      %add3A_308 = arith.constant 3 : i32
      %add3A_309 = arith.addi %mul3A_307, %add3A_308 : i32
      %add3A_310 = arith.constant 256 : i32
      %add3A_311 = arith.addi %add3A_310, %add3A_309 : i32
      %get3A_312 = arith.index_cast %add3A_311 : i32 to index
      %get3A_313 = memref.load %arg8[%get3A_312] : memref<512xi32, #tpu.memory_space<smem>>
      %add3A_314 = arith.constant 256 : i32
      %add3A_315 = arith.addi %add3A_314, %add3A_309 : i32
      %get3A_316 = arith.index_cast %add3A_315 : i32 to index
      %get3A_317 = memref.load %arg9[%get3A_316] : memref<512xi32, #tpu.memory_space<smem>>
      %dma_start3A_318 = arith.constant 0 : i32
      %dma_start3A_319 = tpu.memref_slice %arg10[%add3A_309, %dma_start3A_318] : memref<256x64xf32, #tpu.memory_space<vmem>> -> memref<1x64xf32, #tpu.memory_space<vmem>>
      %dma_start3A_320 = arith.constant 0 : i32
      %dma_start3A_321 = tpu.memref_slice %arg2[%get3A_313, %dma_start3A_320] : memref<1000000x64xf32, #tpu.memory_space<hbm>> -> memref<1x64xf32, #tpu.memory_space<hbm>>
      %dma_start3A_322 = arith.constant 0 : i32
      %dma_start3A_323 = tpu.memref_slice %arg10[%add3A_309, %dma_start3A_322] : memref<256x64xf32, #tpu.memory_space<vmem>> -> memref<1x64xf32, #tpu.memory_space<vmem>>
      %dma_start3A_324 = arith.constant 0 : i32
      %dma_start3A_325 = tpu.memref_slice %arg2[%get3A_313, %dma_start3A_324] : memref<1000000x64xf32, #tpu.memory_space<hbm>> -> memref<1x64xf32, #tpu.memory_space<hbm>>
      tpu.enqueue_dma source(%dma_start3A_325 : memref<1x64xf32, #tpu.memory_space<hbm>>) target(%dma_start3A_323 : memref<1x64xf32, #tpu.memory_space<vmem>>) target_semaphore(%arg16 : memref<!tpu.dma_semaphore, #tpu.memory_space<semaphore_mem>>)
      %dma_start3A_326 = arith.constant 0 : i32
      %dma_start3A_327 = tpu.memref_slice %arg11[%add3A_309, %dma_start3A_326] : memref<256x64xf32, #tpu.memory_space<vmem>> -> memref<1x64xf32, #tpu.memory_space<vmem>>
      %dma_start3A_328 = arith.constant 0 : i32
      %dma_start3A_329 = tpu.memref_slice %arg3[%get3A_317, %dma_start3A_328] : memref<1000000x64xf32, #tpu.memory_space<hbm>> -> memref<1x64xf32, #tpu.memory_space<hbm>>
      %dma_start3A_330 = arith.constant 0 : i32
      %dma_start3A_331 = tpu.memref_slice %arg11[%add3A_309, %dma_start3A_330] : memref<256x64xf32, #tpu.memory_space<vmem>> -> memref<1x64xf32, #tpu.memory_space<vmem>>
      %dma_start3A_332 = arith.constant 0 : i32
      %dma_start3A_333 = tpu.memref_slice %arg3[%get3A_317, %dma_start3A_332] : memref<1000000x64xf32, #tpu.memory_space<hbm>> -> memref<1x64xf32, #tpu.memory_space<hbm>>
      tpu.enqueue_dma source(%dma_start3A_333 : memref<1x64xf32, #tpu.memory_space<hbm>>) target(%dma_start3A_331 : memref<1x64xf32, #tpu.memory_space<vmem>>) target_semaphore(%arg20 : memref<!tpu.dma_semaphore, #tpu.memory_space<semaphore_mem>>)
    }
    %scan3A_120 = arith.constant 64 : i32
    %dma_wait3A_121 = arith.constant 0 : i32
    %dma_wait3A_122 = arith.constant 0 : i32
    %dma_wait3A_123 = tpu.memref_slice %arg10[%dma_wait3A_121, %dma_wait3A_122] : memref<256x64xf32, #tpu.memory_space<vmem>> -> memref<64x64xf32, #tpu.memory_space<vmem>>
    %dma_wait3A_124 = arith.constant 0 : i32
    %dma_wait3A_125 = arith.constant 0 : i32
    %dma_wait3A_126 = tpu.memref_slice %arg2[%dma_wait3A_124, %dma_wait3A_125] : memref<1000000x64xf32, #tpu.memory_space<hbm>> -> memref<64x64xf32, #tpu.memory_space<hbm>>
    %dma_wait3A_127 = arith.constant 0 : i32
    %dma_wait3A_128 = arith.constant 0 : i32
    %dma_wait3A_129 = tpu.memref_slice %arg10[%dma_wait3A_127, %dma_wait3A_128] : memref<256x64xf32, #tpu.memory_space<vmem>> -> memref<64x64xf32, #tpu.memory_space<vmem>>
    %dma_wait3A_130 = arith.constant 0 : i32
    %dma_wait3A_131 = arith.constant 0 : i32
    %dma_wait3A_132 = tpu.memref_slice %arg2[%dma_wait3A_130, %dma_wait3A_131] : memref<1000000x64xf32, #tpu.memory_space<hbm>> -> memref<64x64xf32, #tpu.memory_space<hbm>>
    tpu.wait_dma2 semaphore(%arg13 : memref<!tpu.dma_semaphore, #tpu.memory_space<semaphore_mem>>) src(%dma_wait3A_132 : memref<64x64xf32, #tpu.memory_space<hbm>>) dst(%dma_wait3A_129 : memref<64x64xf32, #tpu.memory_space<vmem>>)
    %dma_wait3A_133 = arith.constant 0 : i32
    %dma_wait3A_134 = arith.constant 0 : i32
    %dma_wait3A_135 = tpu.memref_slice %arg11[%dma_wait3A_133, %dma_wait3A_134] : memref<256x64xf32, #tpu.memory_space<vmem>> -> memref<64x64xf32, #tpu.memory_space<vmem>>
    %dma_wait3A_136 = arith.constant 0 : i32
    %dma_wait3A_137 = arith.constant 0 : i32
    %dma_wait3A_138 = tpu.memref_slice %arg3[%dma_wait3A_136, %dma_wait3A_137] : memref<1000000x64xf32, #tpu.memory_space<hbm>> -> memref<64x64xf32, #tpu.memory_space<hbm>>
    %dma_wait3A_139 = arith.constant 0 : i32
    %dma_wait3A_140 = arith.constant 0 : i32
    %dma_wait3A_141 = tpu.memref_slice %arg11[%dma_wait3A_139, %dma_wait3A_140] : memref<256x64xf32, #tpu.memory_space<vmem>> -> memref<64x64xf32, #tpu.memory_space<vmem>>
    %dma_wait3A_142 = arith.constant 0 : i32
    %dma_wait3A_143 = arith.constant 0 : i32
    %dma_wait3A_144 = tpu.memref_slice %arg3[%dma_wait3A_142, %dma_wait3A_143] : memref<1000000x64xf32, #tpu.memory_space<hbm>> -> memref<64x64xf32, #tpu.memory_space<hbm>>
    tpu.wait_dma2 semaphore(%arg17 : memref<!tpu.dma_semaphore, #tpu.memory_space<semaphore_mem>>) src(%dma_wait3A_144 : memref<64x64xf32, #tpu.memory_space<hbm>>) dst(%dma_wait3A_141 : memref<64x64xf32, #tpu.memory_space<vmem>>)
    %dma_wait3A_145 = arith.constant 64 : i32
    %dma_wait3A_146 = arith.constant 0 : i32
    %dma_wait3A_147 = tpu.memref_slice %arg10[%dma_wait3A_145, %dma_wait3A_146] : memref<256x64xf32, #tpu.memory_space<vmem>> -> memref<64x64xf32, #tpu.memory_space<vmem>>
    %dma_wait3A_148 = arith.constant 0 : i32
    %dma_wait3A_149 = arith.constant 0 : i32
    %dma_wait3A_150 = tpu.memref_slice %arg2[%dma_wait3A_148, %dma_wait3A_149] : memref<1000000x64xf32, #tpu.memory_space<hbm>> -> memref<64x64xf32, #tpu.memory_space<hbm>>
    %dma_wait3A_151 = arith.constant 64 : i32
    %dma_wait3A_152 = arith.constant 0 : i32
    %dma_wait3A_153 = tpu.memref_slice %arg10[%dma_wait3A_151, %dma_wait3A_152] : memref<256x64xf32, #tpu.memory_space<vmem>> -> memref<64x64xf32, #tpu.memory_space<vmem>>
    %dma_wait3A_154 = arith.constant 0 : i32
    %dma_wait3A_155 = arith.constant 0 : i32
    %dma_wait3A_156 = tpu.memref_slice %arg2[%dma_wait3A_154, %dma_wait3A_155] : memref<1000000x64xf32, #tpu.memory_space<hbm>> -> memref<64x64xf32, #tpu.memory_space<hbm>>
    tpu.wait_dma2 semaphore(%arg14 : memref<!tpu.dma_semaphore, #tpu.memory_space<semaphore_mem>>) src(%dma_wait3A_156 : memref<64x64xf32, #tpu.memory_space<hbm>>) dst(%dma_wait3A_153 : memref<64x64xf32, #tpu.memory_space<vmem>>)
    %dma_wait3A_157 = arith.constant 64 : i32
    %dma_wait3A_158 = arith.constant 0 : i32
    %dma_wait3A_159 = tpu.memref_slice %arg11[%dma_wait3A_157, %dma_wait3A_158] : memref<256x64xf32, #tpu.memory_space<vmem>> -> memref<64x64xf32, #tpu.memory_space<vmem>>
    %dma_wait3A_160 = arith.constant 0 : i32
    %dma_wait3A_161 = arith.constant 0 : i32
    %dma_wait3A_162 = tpu.memref_slice %arg3[%dma_wait3A_160, %dma_wait3A_161] : memref<1000000x64xf32, #tpu.memory_space<hbm>> -> memref<64x64xf32, #tpu.memory_space<hbm>>
    %dma_wait3A_163 = arith.constant 64 : i32
    %dma_wait3A_164 = arith.constant 0 : i32
    %dma_wait3A_165 = tpu.memref_slice %arg11[%dma_wait3A_163, %dma_wait3A_164] : memref<256x64xf32, #tpu.memory_space<vmem>> -> memref<64x64xf32, #tpu.memory_space<vmem>>
    %dma_wait3A_166 = arith.constant 0 : i32
    %dma_wait3A_167 = arith.constant 0 : i32
    %dma_wait3A_168 = tpu.memref_slice %arg3[%dma_wait3A_166, %dma_wait3A_167] : memref<1000000x64xf32, #tpu.memory_space<hbm>> -> memref<64x64xf32, #tpu.memory_space<hbm>>
    tpu.wait_dma2 semaphore(%arg18 : memref<!tpu.dma_semaphore, #tpu.memory_space<semaphore_mem>>) src(%dma_wait3A_168 : memref<64x64xf32, #tpu.memory_space<hbm>>) dst(%dma_wait3A_165 : memref<64x64xf32, #tpu.memory_space<vmem>>)
    %dma_wait3A_169 = arith.constant 128 : i32
    %dma_wait3A_170 = arith.constant 0 : i32
    %dma_wait3A_171 = tpu.memref_slice %arg10[%dma_wait3A_169, %dma_wait3A_170] : memref<256x64xf32, #tpu.memory_space<vmem>> -> memref<64x64xf32, #tpu.memory_space<vmem>>
    %dma_wait3A_172 = arith.constant 0 : i32
    %dma_wait3A_173 = arith.constant 0 : i32
    %dma_wait3A_174 = tpu.memref_slice %arg2[%dma_wait3A_172, %dma_wait3A_173] : memref<1000000x64xf32, #tpu.memory_space<hbm>> -> memref<64x64xf32, #tpu.memory_space<hbm>>
    %dma_wait3A_175 = arith.constant 128 : i32
    %dma_wait3A_176 = arith.constant 0 : i32
    %dma_wait3A_177 = tpu.memref_slice %arg10[%dma_wait3A_175, %dma_wait3A_176] : memref<256x64xf32, #tpu.memory_space<vmem>> -> memref<64x64xf32, #tpu.memory_space<vmem>>
    %dma_wait3A_178 = arith.constant 0 : i32
    %dma_wait3A_179 = arith.constant 0 : i32
    %dma_wait3A_180 = tpu.memref_slice %arg2[%dma_wait3A_178, %dma_wait3A_179] : memref<1000000x64xf32, #tpu.memory_space<hbm>> -> memref<64x64xf32, #tpu.memory_space<hbm>>
    tpu.wait_dma2 semaphore(%arg15 : memref<!tpu.dma_semaphore, #tpu.memory_space<semaphore_mem>>) src(%dma_wait3A_180 : memref<64x64xf32, #tpu.memory_space<hbm>>) dst(%dma_wait3A_177 : memref<64x64xf32, #tpu.memory_space<vmem>>)
    %dma_wait3A_181 = arith.constant 128 : i32
    %dma_wait3A_182 = arith.constant 0 : i32
    %dma_wait3A_183 = tpu.memref_slice %arg11[%dma_wait3A_181, %dma_wait3A_182] : memref<256x64xf32, #tpu.memory_space<vmem>> -> memref<64x64xf32, #tpu.memory_space<vmem>>
    %dma_wait3A_184 = arith.constant 0 : i32
    %dma_wait3A_185 = arith.constant 0 : i32
    %dma_wait3A_186 = tpu.memref_slice %arg3[%dma_wait3A_184, %dma_wait3A_185] : memref<1000000x64xf32, #tpu.memory_space<hbm>> -> memref<64x64xf32, #tpu.memory_space<hbm>>
    %dma_wait3A_187 = arith.constant 128 : i32
    %dma_wait3A_188 = arith.constant 0 : i32
    %dma_wait3A_189 = tpu.memref_slice %arg11[%dma_wait3A_187, %dma_wait3A_188] : memref<256x64xf32, #tpu.memory_space<vmem>> -> memref<64x64xf32, #tpu.memory_space<vmem>>
    %dma_wait3A_190 = arith.constant 0 : i32
    %dma_wait3A_191 = arith.constant 0 : i32
    %dma_wait3A_192 = tpu.memref_slice %arg3[%dma_wait3A_190, %dma_wait3A_191] : memref<1000000x64xf32, #tpu.memory_space<hbm>> -> memref<64x64xf32, #tpu.memory_space<hbm>>
    tpu.wait_dma2 semaphore(%arg19 : memref<!tpu.dma_semaphore, #tpu.memory_space<semaphore_mem>>) src(%dma_wait3A_192 : memref<64x64xf32, #tpu.memory_space<hbm>>) dst(%dma_wait3A_189 : memref<64x64xf32, #tpu.memory_space<vmem>>)
    %dma_wait3A_193 = arith.constant 192 : i32
    %dma_wait3A_194 = arith.constant 0 : i32
    %dma_wait3A_195 = tpu.memref_slice %arg10[%dma_wait3A_193, %dma_wait3A_194] : memref<256x64xf32, #tpu.memory_space<vmem>> -> memref<64x64xf32, #tpu.memory_space<vmem>>
    %dma_wait3A_196 = arith.constant 0 : i32
    %dma_wait3A_197 = arith.constant 0 : i32
    %dma_wait3A_198 = tpu.memref_slice %arg2[%dma_wait3A_196, %dma_wait3A_197] : memref<1000000x64xf32, #tpu.memory_space<hbm>> -> memref<64x64xf32, #tpu.memory_space<hbm>>
    %dma_wait3A_199 = arith.constant 192 : i32
    %dma_wait3A_200 = arith.constant 0 : i32
    %dma_wait3A_201 = tpu.memref_slice %arg10[%dma_wait3A_199, %dma_wait3A_200] : memref<256x64xf32, #tpu.memory_space<vmem>> -> memref<64x64xf32, #tpu.memory_space<vmem>>
    %dma_wait3A_202 = arith.constant 0 : i32
    %dma_wait3A_203 = arith.constant 0 : i32
    %dma_wait3A_204 = tpu.memref_slice %arg2[%dma_wait3A_202, %dma_wait3A_203] : memref<1000000x64xf32, #tpu.memory_space<hbm>> -> memref<64x64xf32, #tpu.memory_space<hbm>>
    tpu.wait_dma2 semaphore(%arg16 : memref<!tpu.dma_semaphore, #tpu.memory_space<semaphore_mem>>) src(%dma_wait3A_204 : memref<64x64xf32, #tpu.memory_space<hbm>>) dst(%dma_wait3A_201 : memref<64x64xf32, #tpu.memory_space<vmem>>)
    %dma_wait3A_205 = arith.constant 192 : i32
    %dma_wait3A_206 = arith.constant 0 : i32
    %dma_wait3A_207 = tpu.memref_slice %arg11[%dma_wait3A_205, %dma_wait3A_206] : memref<256x64xf32, #tpu.memory_space<vmem>> -> memref<64x64xf32, #tpu.memory_space<vmem>>
    %dma_wait3A_208 = arith.constant 0 : i32
    %dma_wait3A_209 = arith.constant 0 : i32
    %dma_wait3A_210 = tpu.memref_slice %arg3[%dma_wait3A_208, %dma_wait3A_209] : memref<1000000x64xf32, #tpu.memory_space<hbm>> -> memref<64x64xf32, #tpu.memory_space<hbm>>
    %dma_wait3A_211 = arith.constant 192 : i32
    %dma_wait3A_212 = arith.constant 0 : i32
    %dma_wait3A_213 = tpu.memref_slice %arg11[%dma_wait3A_211, %dma_wait3A_212] : memref<256x64xf32, #tpu.memory_space<vmem>> -> memref<64x64xf32, #tpu.memory_space<vmem>>
    %dma_wait3A_214 = arith.constant 0 : i32
    %dma_wait3A_215 = arith.constant 0 : i32
    %dma_wait3A_216 = tpu.memref_slice %arg3[%dma_wait3A_214, %dma_wait3A_215] : memref<1000000x64xf32, #tpu.memory_space<hbm>> -> memref<64x64xf32, #tpu.memory_space<hbm>>
    tpu.wait_dma2 semaphore(%arg20 : memref<!tpu.dma_semaphore, #tpu.memory_space<semaphore_mem>>) src(%dma_wait3A_216 : memref<64x64xf32, #tpu.memory_space<hbm>>) dst(%dma_wait3A_213 : memref<64x64xf32, #tpu.memory_space<vmem>>)
    %scan3A_217 = arith.constant 0 : i32
    %scan3A_218 = arith.constant 0 : i32
    %scan3A_219 = arith.constant 16 : i32
    %scan3A_220 = arith.addi %scan3A_218, %scan3A_219 : i32
    %scan3A_221 = arith.constant 1 : i32
    scf.for %scan3A_223 = %scan3A_218 to %scan3A_220 step %scan3A_221  : i32 {
      %mul3A_224 = arith.constant 16 : i32
      %mul3A_225 = arith.muli %scan3A_223, %mul3A_224 : i32
      %add3A_226 = vector.broadcast %mul3A_225 : i32 to vector<16xi32>
      %add3A_227 = arith.addi %add3A_226, %iota3A : vector<16xi32>
      %broadcast_in_dim3A = arith.constant 0.000000e+00 : f32
      %broadcast_in_dim3A_228 = vector.broadcast %broadcast_in_dim3A : f32 to vector<16xf32>
      %broadcast_in_dim3A_229 = arith.constant 0 : i32
      %broadcast_in_dim3A_230 = vector.broadcast %broadcast_in_dim3A_229 : i32 to vector<16xi32>
      %gather3A = tpu.vector_load_idx %arg10[%add3A_227, %broadcast_in_dim3A_230] : memref<256x64xf32, #tpu.memory_space<vmem>>[vector<16xi32>, vector<16xi32>], vector<16xf32>,
      %gather3A_231 = tpu.vector_load_idx %arg11[%add3A_227, %broadcast_in_dim3A_230] : memref<256x64xf32, #tpu.memory_space<vmem>>[vector<16xi32>, vector<16xi32>], vector<16xf32>,
      %mul3A_232 = arith.mulf %gather3A, %gather3A_231 : vector<16xf32>
      %add3A_233 = arith.addf %broadcast_in_dim3A_228, %mul3A_232 : vector<16xf32>
      %broadcast_in_dim3A_234 = arith.constant 1 : i32
      %broadcast_in_dim3A_235 = vector.broadcast %broadcast_in_dim3A_234 : i32 to vector<16xi32>
      %gather3A_236 = tpu.vector_load_idx %arg10[%add3A_227, %broadcast_in_dim3A_235] : memref<256x64xf32, #tpu.memory_space<vmem>>[vector<16xi32>, vector<16xi32>], vector<16xf32>,
      %gather3A_237 = tpu.vector_load_idx %arg11[%add3A_227, %broadcast_in_dim3A_235] : memref<256x64xf32, #tpu.memory_space<vmem>>[vector<16xi32>, vector<16xi32>], vector<16xf32>,
      %mul3A_238 = arith.mulf %gather3A_236, %gather3A_237 : vector<16xf32>
      %add3A_239 = arith.addf %add3A_233, %mul3A_238 : vector<16xf32>
      %broadcast_in_dim3A_240 = arith.constant 2 : i32
      %broadcast_in_dim3A_241 = vector.broadcast %broadcast_in_dim3A_240 : i32 to vector<16xi32>
      %gather3A_242 = tpu.vector_load_idx %arg10[%add3A_227, %broadcast_in_dim3A_241] : memref<256x64xf32, #tpu.memory_space<vmem>>[vector<16xi32>, vector<16xi32>], vector<16xf32>,
      %gather3A_243 = tpu.vector_load_idx %arg11[%add3A_227, %broadcast_in_dim3A_241] : memref<256x64xf32, #tpu.memory_space<vmem>>[vector<16xi32>, vector<16xi32>], vector<16xf32>,
      %mul3A_244 = arith.mulf %gather3A_242, %gather3A_243 : vector<16xf32>
      %add3A_245 = arith.addf %add3A_239, %mul3A_244 : vector<16xf32>
      %broadcast_in_dim3A_246 = arith.constant 3 : i32
      %broadcast_in_dim3A_247 = vector.broadcast %broadcast_in_dim3A_246 : i32 to vector<16xi32>
      %gather3A_248 = tpu.vector_load_idx %arg10[%add3A_227, %broadcast_in_dim3A_247] : memref<256x64xf32, #tpu.memory_space<vmem>>[vector<16xi32>, vector<16xi32>], vector<16xf32>,
      %gather3A_249 = tpu.vector_load_idx %arg11[%add3A_227, %broadcast_in_dim3A_247] : memref<256x64xf32, #tpu.memory_space<vmem>>[vector<16xi32>, vector<16xi32>], vector<16xf32>,
      %mul3A_250 = arith.mulf %gather3A_248, %gather3A_249 : vector<16xf32>
      %add3A_251 = arith.addf %add3A_245, %mul3A_250 : vector<16xf32>
      %broadcast_in_dim3A_252 = arith.constant 4 : i32
      %broadcast_in_dim3A_253 = vector.broadcast %broadcast_in_dim3A_252 : i32 to vector<16xi32>
      %gather3A_254 = tpu.vector_load_idx %arg10[%add3A_227, %broadcast_in_dim3A_253] : memref<256x64xf32, #tpu.memory_space<vmem>>[vector<16xi32>, vector<16xi32>], vector<16xf32>,
      %gather3A_255 = tpu.vector_load_idx %arg11[%add3A_227, %broadcast_in_dim3A_253] : memref<256x64xf32, #tpu.memory_space<vmem>>[vector<16xi32>, vector<16xi32>], vector<16xf32>,
      %mul3A_256 = arith.mulf %gather3A_254, %gather3A_255 : vector<16xf32>
      %add3A_257 = arith.addf %add3A_251, %mul3A_256 : vector<16xf32>
      %broadcast_in_dim3A_258 = arith.constant 5 : i32
      %broadcast_in_dim3A_259 = vector.broadcast %broadcast_in_dim3A_258 : i32 to vector<16xi32>
      %gather3A_260 = tpu.vector_load_idx %arg10[%add3A_227, %broadcast_in_dim3A_259] : memref<256x64xf32, #tpu.memory_space<vmem>>[vector<16xi32>, vector<16xi32>], vector<16xf32>,
      %gather3A_261 = tpu.vector_load_idx %arg11[%add3A_227, %broadcast_in_dim3A_259] : memref<256x64xf32, #tpu.memory_space<vmem>>[vector<16xi32>, vector<16xi32>], vector<16xf32>,
      %mul3A_262 = arith.mulf %gather3A_260, %gather3A_261 : vector<16xf32>
      %add3A_263 = arith.addf %add3A_257, %mul3A_262 : vector<16xf32>
      %broadcast_in_dim3A_264 = arith.constant 6 : i32
      %broadcast_in_dim3A_265 = vector.broadcast %broadcast_in_dim3A_264 : i32 to vector<16xi32>
      %gather3A_266 = tpu.vector_load_idx %arg10[%add3A_227, %broadcast_in_dim3A_265] : memref<256x64xf32, #tpu.memory_space<vmem>>[vector<16xi32>, vector<16xi32>], vector<16xf32>,
      %gather3A_267 = tpu.vector_load_idx %arg11[%add3A_227, %broadcast_in_dim3A_265] : memref<256x64xf32, #tpu.memory_space<vmem>>[vector<16xi32>, vector<16xi32>], vector<16xf32>,
      %mul3A_268 = arith.mulf %gather3A_266, %gather3A_267 : vector<16xf32>
      %add3A_269 = arith.addf %add3A_263, %mul3A_268 : vector<16xf32>
      %broadcast_in_dim3A_270 = arith.constant 7 : i32
      %broadcast_in_dim3A_271 = vector.broadcast %broadcast_in_dim3A_270 : i32 to vector<16xi32>
      %gather3A_272 = tpu.vector_load_idx %arg10[%add3A_227, %broadcast_in_dim3A_271] : memref<256x64xf32, #tpu.memory_space<vmem>>[vector<16xi32>, vector<16xi32>], vector<16xf32>,
      %gather3A_273 = tpu.vector_load_idx %arg11[%add3A_227, %broadcast_in_dim3A_271] : memref<256x64xf32, #tpu.memory_space<vmem>>[vector<16xi32>, vector<16xi32>], vector<16xf32>,
      %mul3A_274 = arith.mulf %gather3A_272, %gather3A_273 : vector<16xf32>
      %add3A_275 = arith.addf %add3A_269, %mul3A_274 : vector<16xf32>
      %broadcast_in_dim3A_276 = arith.constant 8 : i32
      %broadcast_in_dim3A_277 = vector.broadcast %broadcast_in_dim3A_276 : i32 to vector<16xi32>
      %gather3A_278 = tpu.vector_load_idx %arg10[%add3A_227, %broadcast_in_dim3A_277] : memref<256x64xf32, #tpu.memory_space<vmem>>[vector<16xi32>, vector<16xi32>], vector<16xf32>,
      %gather3A_279 = tpu.vector_load_idx %arg11[%add3A_227, %broadcast_in_dim3A_277] : memref<256x64xf32, #tpu.memory_space<vmem>>[vector<16xi32>, vector<16xi32>], vector<16xf32>,
      %mul3A_280 = arith.mulf %gather3A_278, %gather3A_279 : vector<16xf32>
      %add3A_281 = arith.addf %add3A_275, %mul3A_280 : vector<16xf32>
      %broadcast_in_dim3A_282 = arith.constant 9 : i32
      %broadcast_in_dim3A_283 = vector.broadcast %broadcast_in_dim3A_282 : i32 to vector<16xi32>
      %gather3A_284 = tpu.vector_load_idx %arg10[%add3A_227, %broadcast_in_dim3A_283] : memref<256x64xf32, #tpu.memory_space<vmem>>[vector<16xi32>, vector<16xi32>], vector<16xf32>,
      %gather3A_285 = tpu.vector_load_idx %arg11[%add3A_227, %broadcast_in_dim3A_283] : memref<256x64xf32, #tpu.memory_space<vmem>>[vector<16xi32>, vector<16xi32>], vector<16xf32>,
      %mul3A_286 = arith.mulf %gather3A_284, %gather3A_285 : vector<16xf32>
      %add3A_287 = arith.addf %add3A_281, %mul3A_286 : vector<16xf32>
      %broadcast_in_dim3A_288 = arith.constant 10 : i32
      %broadcast_in_dim3A_289 = vector.broadcast %broadcast_in_dim3A_288 : i32 to vector<16xi32>
      %gather3A_290 = tpu.vector_load_idx %arg10[%add3A_227, %broadcast_in_dim3A_289] : memref<256x64xf32, #tpu.memory_space<vmem>>[vector<16xi32>, vector<16xi32>], vector<16xf32>,
      %gather3A_291 = tpu.vector_load_idx %arg11[%add3A_227, %broadcast_in_dim3A_289] : memref<256x64xf32, #tpu.memory_space<vmem>>[vector<16xi32>, vector<16xi32>], vector<16xf32>,
      %mul3A_292 = arith.mulf %gather3A_290, %gather3A_291 : vector<16xf32>
      %add3A_293 = arith.addf %add3A_287, %mul3A_292 : vector<16xf32>
      %broadcast_in_dim3A_294 = arith.constant 11 : i32
      %broadcast_in_dim3A_295 = vector.broadcast %broadcast_in_dim3A_294 : i32 to vector<16xi32>
      %gather3A_296 = tpu.vector_load_idx %arg10[%add3A_227, %broadcast_in_dim3A_295] : memref<256x64xf32, #tpu.memory_space<vmem>>[vector<16xi32>, vector<16xi32>], vector<16xf32>,
      %gather3A_297 = tpu.vector_load_idx %arg11[%add3A_227, %broadcast_in_dim3A_295] : memref<256x64xf32, #tpu.memory_space<vmem>>[vector<16xi32>, vector<16xi32>], vector<16xf32>,
      %mul3A_298 = arith.mulf %gather3A_296, %gather3A_297 : vector<16xf32>
      %add3A_299 = arith.addf %add3A_293, %mul3A_298 : vector<16xf32>
      %broadcast_in_dim3A_300 = arith.constant 12 : i32
      %broadcast_in_dim3A_301 = vector.broadcast %broadcast_in_dim3A_300 : i32 to vector<16xi32>
      %gather3A_302 = tpu.vector_load_idx %arg10[%add3A_227, %broadcast_in_dim3A_301] : memref<256x64xf32, #tpu.memory_space<vmem>>[vector<16xi32>, vector<16xi32>], vector<16xf32>,
      %gather3A_303 = tpu.vector_load_idx %arg11[%add3A_227, %broadcast_in_dim3A_301] : memref<256x64xf32, #tpu.memory_space<vmem>>[vector<16xi32>, vector<16xi32>], vector<16xf32>,
      %mul3A_304 = arith.mulf %gather3A_302, %gather3A_303 : vector<16xf32>
      %add3A_305 = arith.addf %add3A_299, %mul3A_304 : vector<16xf32>
      %broadcast_in_dim3A_306 = arith.constant 13 : i32
      %broadcast_in_dim3A_307 = vector.broadcast %broadcast_in_dim3A_306 : i32 to vector<16xi32>
      %gather3A_308 = tpu.vector_load_idx %arg10[%add3A_227, %broadcast_in_dim3A_307] : memref<256x64xf32, #tpu.memory_space<vmem>>[vector<16xi32>, vector<16xi32>], vector<16xf32>,
      %gather3A_309 = tpu.vector_load_idx %arg11[%add3A_227, %broadcast_in_dim3A_307] : memref<256x64xf32, #tpu.memory_space<vmem>>[vector<16xi32>, vector<16xi32>], vector<16xf32>,
      %mul3A_310 = arith.mulf %gather3A_308, %gather3A_309 : vector<16xf32>
      %add3A_311 = arith.addf %add3A_305, %mul3A_310 : vector<16xf32>
      %broadcast_in_dim3A_312 = arith.constant 14 : i32
      %broadcast_in_dim3A_313 = vector.broadcast %broadcast_in_dim3A_312 : i32 to vector<16xi32>
      %gather3A_314 = tpu.vector_load_idx %arg10[%add3A_227, %broadcast_in_dim3A_313] : memref<256x64xf32, #tpu.memory_space<vmem>>[vector<16xi32>, vector<16xi32>], vector<16xf32>,
      %gather3A_315 = tpu.vector_load_idx %arg11[%add3A_227, %broadcast_in_dim3A_313] : memref<256x64xf32, #tpu.memory_space<vmem>>[vector<16xi32>, vector<16xi32>], vector<16xf32>,
      %mul3A_316 = arith.mulf %gather3A_314, %gather3A_315 : vector<16xf32>
      %add3A_317 = arith.addf %add3A_311, %mul3A_316 : vector<16xf32>
      %broadcast_in_dim3A_318 = arith.constant 15 : i32
      %broadcast_in_dim3A_319 = vector.broadcast %broadcast_in_dim3A_318 : i32 to vector<16xi32>
      %gather3A_320 = tpu.vector_load_idx %arg10[%add3A_227, %broadcast_in_dim3A_319] : memref<256x64xf32, #tpu.memory_space<vmem>>[vector<16xi32>, vector<16xi32>], vector<16xf32>,
      %gather3A_321 = tpu.vector_load_idx %arg11[%add3A_227, %broadcast_in_dim3A_319] : memref<256x64xf32, #tpu.memory_space<vmem>>[vector<16xi32>, vector<16xi32>], vector<16xf32>,
      %mul3A_322 = arith.mulf %gather3A_320, %gather3A_321 : vector<16xf32>
      %add3A_323 = arith.addf %add3A_317, %mul3A_322 : vector<16xf32>
      %broadcast_in_dim3A_324 = arith.constant 16 : i32
      %broadcast_in_dim3A_325 = vector.broadcast %broadcast_in_dim3A_324 : i32 to vector<16xi32>
      %gather3A_326 = tpu.vector_load_idx %arg10[%add3A_227, %broadcast_in_dim3A_325] : memref<256x64xf32, #tpu.memory_space<vmem>>[vector<16xi32>, vector<16xi32>], vector<16xf32>,
      %gather3A_327 = tpu.vector_load_idx %arg11[%add3A_227, %broadcast_in_dim3A_325] : memref<256x64xf32, #tpu.memory_space<vmem>>[vector<16xi32>, vector<16xi32>], vector<16xf32>,
      %mul3A_328 = arith.mulf %gather3A_326, %gather3A_327 : vector<16xf32>
      %add3A_329 = arith.addf %add3A_323, %mul3A_328 : vector<16xf32>
      %broadcast_in_dim3A_330 = arith.constant 17 : i32
      %broadcast_in_dim3A_331 = vector.broadcast %broadcast_in_dim3A_330 : i32 to vector<16xi32>
      %gather3A_332 = tpu.vector_load_idx %arg10[%add3A_227, %broadcast_in_dim3A_331] : memref<256x64xf32, #tpu.memory_space<vmem>>[vector<16xi32>, vector<16xi32>], vector<16xf32>,
      %gather3A_333 = tpu.vector_load_idx %arg11[%add3A_227, %broadcast_in_dim3A_331] : memref<256x64xf32, #tpu.memory_space<vmem>>[vector<16xi32>, vector<16xi32>], vector<16xf32>,
      %mul3A_334 = arith.mulf %gather3A_332, %gather3A_333 : vector<16xf32>
      %add3A_335 = arith.addf %add3A_329, %mul3A_334 : vector<16xf32>
      %broadcast_in_dim3A_336 = arith.constant 18 : i32
      %broadcast_in_dim3A_337 = vector.broadcast %broadcast_in_dim3A_336 : i32 to vector<16xi32>
      %gather3A_338 = tpu.vector_load_idx %arg10[%add3A_227, %broadcast_in_dim3A_337] : memref<256x64xf32, #tpu.memory_space<vmem>>[vector<16xi32>, vector<16xi32>], vector<16xf32>,
      %gather3A_339 = tpu.vector_load_idx %arg11[%add3A_227, %broadcast_in_dim3A_337] : memref<256x64xf32, #tpu.memory_space<vmem>>[vector<16xi32>, vector<16xi32>], vector<16xf32>,
      %mul3A_340 = arith.mulf %gather3A_338, %gather3A_339 : vector<16xf32>
      %add3A_341 = arith.addf %add3A_335, %mul3A_340 : vector<16xf32>
      %broadcast_in_dim3A_342 = arith.constant 19 : i32
      %broadcast_in_dim3A_343 = vector.broadcast %broadcast_in_dim3A_342 : i32 to vector<16xi32>
      %gather3A_344 = tpu.vector_load_idx %arg10[%add3A_227, %broadcast_in_dim3A_343] : memref<256x64xf32, #tpu.memory_space<vmem>>[vector<16xi32>, vector<16xi32>], vector<16xf32>,
      %gather3A_345 = tpu.vector_load_idx %arg11[%add3A_227, %broadcast_in_dim3A_343] : memref<256x64xf32, #tpu.memory_space<vmem>>[vector<16xi32>, vector<16xi32>], vector<16xf32>,
      %mul3A_346 = arith.mulf %gather3A_344, %gather3A_345 : vector<16xf32>
      %add3A_347 = arith.addf %add3A_341, %mul3A_346 : vector<16xf32>
      %broadcast_in_dim3A_348 = arith.constant 20 : i32
      %broadcast_in_dim3A_349 = vector.broadcast %broadcast_in_dim3A_348 : i32 to vector<16xi32>
      %gather3A_350 = tpu.vector_load_idx %arg10[%add3A_227, %broadcast_in_dim3A_349] : memref<256x64xf32, #tpu.memory_space<vmem>>[vector<16xi32>, vector<16xi32>], vector<16xf32>,
      %gather3A_351 = tpu.vector_load_idx %arg11[%add3A_227, %broadcast_in_dim3A_349] : memref<256x64xf32, #tpu.memory_space<vmem>>[vector<16xi32>, vector<16xi32>], vector<16xf32>,
      %mul3A_352 = arith.mulf %gather3A_350, %gather3A_351 : vector<16xf32>
      %add3A_353 = arith.addf %add3A_347, %mul3A_352 : vector<16xf32>
      %broadcast_in_dim3A_354 = arith.constant 21 : i32
      %broadcast_in_dim3A_355 = vector.broadcast %broadcast_in_dim3A_354 : i32 to vector<16xi32>
      %gather3A_356 = tpu.vector_load_idx %arg10[%add3A_227, %broadcast_in_dim3A_355] : memref<256x64xf32, #tpu.memory_space<vmem>>[vector<16xi32>, vector<16xi32>], vector<16xf32>,
      %gather3A_357 = tpu.vector_load_idx %arg11[%add3A_227, %broadcast_in_dim3A_355] : memref<256x64xf32, #tpu.memory_space<vmem>>[vector<16xi32>, vector<16xi32>], vector<16xf32>,
      %mul3A_358 = arith.mulf %gather3A_356, %gather3A_357 : vector<16xf32>
      %add3A_359 = arith.addf %add3A_353, %mul3A_358 : vector<16xf32>
      %broadcast_in_dim3A_360 = arith.constant 22 : i32
      %broadcast_in_dim3A_361 = vector.broadcast %broadcast_in_dim3A_360 : i32 to vector<16xi32>
      %gather3A_362 = tpu.vector_load_idx %arg10[%add3A_227, %broadcast_in_dim3A_361] : memref<256x64xf32, #tpu.memory_space<vmem>>[vector<16xi32>, vector<16xi32>], vector<16xf32>,
      %gather3A_363 = tpu.vector_load_idx %arg11[%add3A_227, %broadcast_in_dim3A_361] : memref<256x64xf32, #tpu.memory_space<vmem>>[vector<16xi32>, vector<16xi32>], vector<16xf32>,
      %mul3A_364 = arith.mulf %gather3A_362, %gather3A_363 : vector<16xf32>
      %add3A_365 = arith.addf %add3A_359, %mul3A_364 : vector<16xf32>
      %broadcast_in_dim3A_366 = arith.constant 23 : i32
      %broadcast_in_dim3A_367 = vector.broadcast %broadcast_in_dim3A_366 : i32 to vector<16xi32>
      %gather3A_368 = tpu.vector_load_idx %arg10[%add3A_227, %broadcast_in_dim3A_367] : memref<256x64xf32, #tpu.memory_space<vmem>>[vector<16xi32>, vector<16xi32>], vector<16xf32>,
      %gather3A_369 = tpu.vector_load_idx %arg11[%add3A_227, %broadcast_in_dim3A_367] : memref<256x64xf32, #tpu.memory_space<vmem>>[vector<16xi32>, vector<16xi32>], vector<16xf32>,
      %mul3A_370 = arith.mulf %gather3A_368, %gather3A_369 : vector<16xf32>
      %add3A_371 = arith.addf %add3A_365, %mul3A_370 : vector<16xf32>
      %broadcast_in_dim3A_372 = arith.constant 24 : i32
      %broadcast_in_dim3A_373 = vector.broadcast %broadcast_in_dim3A_372 : i32 to vector<16xi32>
      %gather3A_374 = tpu.vector_load_idx %arg10[%add3A_227, %broadcast_in_dim3A_373] : memref<256x64xf32, #tpu.memory_space<vmem>>[vector<16xi32>, vector<16xi32>], vector<16xf32>,
      %gather3A_375 = tpu.vector_load_idx %arg11[%add3A_227, %broadcast_in_dim3A_373] : memref<256x64xf32, #tpu.memory_space<vmem>>[vector<16xi32>, vector<16xi32>], vector<16xf32>,
      %mul3A_376 = arith.mulf %gather3A_374, %gather3A_375 : vector<16xf32>
      %add3A_377 = arith.addf %add3A_371, %mul3A_376 : vector<16xf32>
      %broadcast_in_dim3A_378 = arith.constant 25 : i32
      %broadcast_in_dim3A_379 = vector.broadcast %broadcast_in_dim3A_378 : i32 to vector<16xi32>
      %gather3A_380 = tpu.vector_load_idx %arg10[%add3A_227, %broadcast_in_dim3A_379] : memref<256x64xf32, #tpu.memory_space<vmem>>[vector<16xi32>, vector<16xi32>], vector<16xf32>,
      %gather3A_381 = tpu.vector_load_idx %arg11[%add3A_227, %broadcast_in_dim3A_379] : memref<256x64xf32, #tpu.memory_space<vmem>>[vector<16xi32>, vector<16xi32>], vector<16xf32>,
      %mul3A_382 = arith.mulf %gather3A_380, %gather3A_381 : vector<16xf32>
      %add3A_383 = arith.addf %add3A_377, %mul3A_382 : vector<16xf32>
      %broadcast_in_dim3A_384 = arith.constant 26 : i32
      %broadcast_in_dim3A_385 = vector.broadcast %broadcast_in_dim3A_384 : i32 to vector<16xi32>
      %gather3A_386 = tpu.vector_load_idx %arg10[%add3A_227, %broadcast_in_dim3A_385] : memref<256x64xf32, #tpu.memory_space<vmem>>[vector<16xi32>, vector<16xi32>], vector<16xf32>,
      %gather3A_387 = tpu.vector_load_idx %arg11[%add3A_227, %broadcast_in_dim3A_385] : memref<256x64xf32, #tpu.memory_space<vmem>>[vector<16xi32>, vector<16xi32>], vector<16xf32>,
      %mul3A_388 = arith.mulf %gather3A_386, %gather3A_387 : vector<16xf32>
      %add3A_389 = arith.addf %add3A_383, %mul3A_388 : vector<16xf32>
      %broadcast_in_dim3A_390 = arith.constant 27 : i32
      %broadcast_in_dim3A_391 = vector.broadcast %broadcast_in_dim3A_390 : i32 to vector<16xi32>
      %gather3A_392 = tpu.vector_load_idx %arg10[%add3A_227, %broadcast_in_dim3A_391] : memref<256x64xf32, #tpu.memory_space<vmem>>[vector<16xi32>, vector<16xi32>], vector<16xf32>,
      %gather3A_393 = tpu.vector_load_idx %arg11[%add3A_227, %broadcast_in_dim3A_391] : memref<256x64xf32, #tpu.memory_space<vmem>>[vector<16xi32>, vector<16xi32>], vector<16xf32>,
      %mul3A_394 = arith.mulf %gather3A_392, %gather3A_393 : vector<16xf32>
      %add3A_395 = arith.addf %add3A_389, %mul3A_394 : vector<16xf32>
      %broadcast_in_dim3A_396 = arith.constant 28 : i32
      %broadcast_in_dim3A_397 = vector.broadcast %broadcast_in_dim3A_396 : i32 to vector<16xi32>
      %gather3A_398 = tpu.vector_load_idx %arg10[%add3A_227, %broadcast_in_dim3A_397] : memref<256x64xf32, #tpu.memory_space<vmem>>[vector<16xi32>, vector<16xi32>], vector<16xf32>,
      %gather3A_399 = tpu.vector_load_idx %arg11[%add3A_227, %broadcast_in_dim3A_397] : memref<256x64xf32, #tpu.memory_space<vmem>>[vector<16xi32>, vector<16xi32>], vector<16xf32>,
      %mul3A_400 = arith.mulf %gather3A_398, %gather3A_399 : vector<16xf32>
      %add3A_401 = arith.addf %add3A_395, %mul3A_400 : vector<16xf32>
      %broadcast_in_dim3A_402 = arith.constant 29 : i32
      %broadcast_in_dim3A_403 = vector.broadcast %broadcast_in_dim3A_402 : i32 to vector<16xi32>
      %gather3A_404 = tpu.vector_load_idx %arg10[%add3A_227, %broadcast_in_dim3A_403] : memref<256x64xf32, #tpu.memory_space<vmem>>[vector<16xi32>, vector<16xi32>], vector<16xf32>,
      %gather3A_405 = tpu.vector_load_idx %arg11[%add3A_227, %broadcast_in_dim3A_403] : memref<256x64xf32, #tpu.memory_space<vmem>>[vector<16xi32>, vector<16xi32>], vector<16xf32>,
      %mul3A_406 = arith.mulf %gather3A_404, %gather3A_405 : vector<16xf32>
      %add3A_407 = arith.addf %add3A_401, %mul3A_406 : vector<16xf32>
      %broadcast_in_dim3A_408 = arith.constant 30 : i32
      %broadcast_in_dim3A_409 = vector.broadcast %broadcast_in_dim3A_408 : i32 to vector<16xi32>
      %gather3A_410 = tpu.vector_load_idx %arg10[%add3A_227, %broadcast_in_dim3A_409] : memref<256x64xf32, #tpu.memory_space<vmem>>[vector<16xi32>, vector<16xi32>], vector<16xf32>,
      %gather3A_411 = tpu.vector_load_idx %arg11[%add3A_227, %broadcast_in_dim3A_409] : memref<256x64xf32, #tpu.memory_space<vmem>>[vector<16xi32>, vector<16xi32>], vector<16xf32>,
      %mul3A_412 = arith.mulf %gather3A_410, %gather3A_411 : vector<16xf32>
      %add3A_413 = arith.addf %add3A_407, %mul3A_412 : vector<16xf32>
      %broadcast_in_dim3A_414 = arith.constant 31 : i32
      %broadcast_in_dim3A_415 = vector.broadcast %broadcast_in_dim3A_414 : i32 to vector<16xi32>
      %gather3A_416 = tpu.vector_load_idx %arg10[%add3A_227, %broadcast_in_dim3A_415] : memref<256x64xf32, #tpu.memory_space<vmem>>[vector<16xi32>, vector<16xi32>], vector<16xf32>,
      %gather3A_417 = tpu.vector_load_idx %arg11[%add3A_227, %broadcast_in_dim3A_415] : memref<256x64xf32, #tpu.memory_space<vmem>>[vector<16xi32>, vector<16xi32>], vector<16xf32>,
      %mul3A_418 = arith.mulf %gather3A_416, %gather3A_417 : vector<16xf32>
      %add3A_419 = arith.addf %add3A_413, %mul3A_418 : vector<16xf32>
      %broadcast_in_dim3A_420 = arith.constant 32 : i32
      %broadcast_in_dim3A_421 = vector.broadcast %broadcast_in_dim3A_420 : i32 to vector<16xi32>
      %gather3A_422 = tpu.vector_load_idx %arg10[%add3A_227, %broadcast_in_dim3A_421] : memref<256x64xf32, #tpu.memory_space<vmem>>[vector<16xi32>, vector<16xi32>], vector<16xf32>,
      %gather3A_423 = tpu.vector_load_idx %arg11[%add3A_227, %broadcast_in_dim3A_421] : memref<256x64xf32, #tpu.memory_space<vmem>>[vector<16xi32>, vector<16xi32>], vector<16xf32>,
      %mul3A_424 = arith.mulf %gather3A_422, %gather3A_423 : vector<16xf32>
      %add3A_425 = arith.addf %add3A_419, %mul3A_424 : vector<16xf32>
      %broadcast_in_dim3A_426 = arith.constant 33 : i32
      %broadcast_in_dim3A_427 = vector.broadcast %broadcast_in_dim3A_426 : i32 to vector<16xi32>
      %gather3A_428 = tpu.vector_load_idx %arg10[%add3A_227, %broadcast_in_dim3A_427] : memref<256x64xf32, #tpu.memory_space<vmem>>[vector<16xi32>, vector<16xi32>], vector<16xf32>,
      %gather3A_429 = tpu.vector_load_idx %arg11[%add3A_227, %broadcast_in_dim3A_427] : memref<256x64xf32, #tpu.memory_space<vmem>>[vector<16xi32>, vector<16xi32>], vector<16xf32>,
      %mul3A_430 = arith.mulf %gather3A_428, %gather3A_429 : vector<16xf32>
      %add3A_431 = arith.addf %add3A_425, %mul3A_430 : vector<16xf32>
      %broadcast_in_dim3A_432 = arith.constant 34 : i32
      %broadcast_in_dim3A_433 = vector.broadcast %broadcast_in_dim3A_432 : i32 to vector<16xi32>
      %gather3A_434 = tpu.vector_load_idx %arg10[%add3A_227, %broadcast_in_dim3A_433] : memref<256x64xf32, #tpu.memory_space<vmem>>[vector<16xi32>, vector<16xi32>], vector<16xf32>,
      %gather3A_435 = tpu.vector_load_idx %arg11[%add3A_227, %broadcast_in_dim3A_433] : memref<256x64xf32, #tpu.memory_space<vmem>>[vector<16xi32>, vector<16xi32>], vector<16xf32>,
      %mul3A_436 = arith.mulf %gather3A_434, %gather3A_435 : vector<16xf32>
      %add3A_437 = arith.addf %add3A_431, %mul3A_436 : vector<16xf32>
      %broadcast_in_dim3A_438 = arith.constant 35 : i32
      %broadcast_in_dim3A_439 = vector.broadcast %broadcast_in_dim3A_438 : i32 to vector<16xi32>
      %gather3A_440 = tpu.vector_load_idx %arg10[%add3A_227, %broadcast_in_dim3A_439] : memref<256x64xf32, #tpu.memory_space<vmem>>[vector<16xi32>, vector<16xi32>], vector<16xf32>,
      %gather3A_441 = tpu.vector_load_idx %arg11[%add3A_227, %broadcast_in_dim3A_439] : memref<256x64xf32, #tpu.memory_space<vmem>>[vector<16xi32>, vector<16xi32>], vector<16xf32>,
      %mul3A_442 = arith.mulf %gather3A_440, %gather3A_441 : vector<16xf32>
      %add3A_443 = arith.addf %add3A_437, %mul3A_442 : vector<16xf32>
      %broadcast_in_dim3A_444 = arith.constant 36 : i32
      %broadcast_in_dim3A_445 = vector.broadcast %broadcast_in_dim3A_444 : i32 to vector<16xi32>
      %gather3A_446 = tpu.vector_load_idx %arg10[%add3A_227, %broadcast_in_dim3A_445] : memref<256x64xf32, #tpu.memory_space<vmem>>[vector<16xi32>, vector<16xi32>], vector<16xf32>,
      %gather3A_447 = tpu.vector_load_idx %arg11[%add3A_227, %broadcast_in_dim3A_445] : memref<256x64xf32, #tpu.memory_space<vmem>>[vector<16xi32>, vector<16xi32>], vector<16xf32>,
      %mul3A_448 = arith.mulf %gather3A_446, %gather3A_447 : vector<16xf32>
      %add3A_449 = arith.addf %add3A_443, %mul3A_448 : vector<16xf32>
      %broadcast_in_dim3A_450 = arith.constant 37 : i32
      %broadcast_in_dim3A_451 = vector.broadcast %broadcast_in_dim3A_450 : i32 to vector<16xi32>
      %gather3A_452 = tpu.vector_load_idx %arg10[%add3A_227, %broadcast_in_dim3A_451] : memref<256x64xf32, #tpu.memory_space<vmem>>[vector<16xi32>, vector<16xi32>], vector<16xf32>,
      %gather3A_453 = tpu.vector_load_idx %arg11[%add3A_227, %broadcast_in_dim3A_451] : memref<256x64xf32, #tpu.memory_space<vmem>>[vector<16xi32>, vector<16xi32>], vector<16xf32>,
      %mul3A_454 = arith.mulf %gather3A_452, %gather3A_453 : vector<16xf32>
      %add3A_455 = arith.addf %add3A_449, %mul3A_454 : vector<16xf32>
      %broadcast_in_dim3A_456 = arith.constant 38 : i32
      %broadcast_in_dim3A_457 = vector.broadcast %broadcast_in_dim3A_456 : i32 to vector<16xi32>
      %gather3A_458 = tpu.vector_load_idx %arg10[%add3A_227, %broadcast_in_dim3A_457] : memref<256x64xf32, #tpu.memory_space<vmem>>[vector<16xi32>, vector<16xi32>], vector<16xf32>,
      %gather3A_459 = tpu.vector_load_idx %arg11[%add3A_227, %broadcast_in_dim3A_457] : memref<256x64xf32, #tpu.memory_space<vmem>>[vector<16xi32>, vector<16xi32>], vector<16xf32>,
      %mul3A_460 = arith.mulf %gather3A_458, %gather3A_459 : vector<16xf32>
      %add3A_461 = arith.addf %add3A_455, %mul3A_460 : vector<16xf32>
      %broadcast_in_dim3A_462 = arith.constant 39 : i32
      %broadcast_in_dim3A_463 = vector.broadcast %broadcast_in_dim3A_462 : i32 to vector<16xi32>
      %gather3A_464 = tpu.vector_load_idx %arg10[%add3A_227, %broadcast_in_dim3A_463] : memref<256x64xf32, #tpu.memory_space<vmem>>[vector<16xi32>, vector<16xi32>], vector<16xf32>,
      %gather3A_465 = tpu.vector_load_idx %arg11[%add3A_227, %broadcast_in_dim3A_463] : memref<256x64xf32, #tpu.memory_space<vmem>>[vector<16xi32>, vector<16xi32>], vector<16xf32>,
      %mul3A_466 = arith.mulf %gather3A_464, %gather3A_465 : vector<16xf32>
      %add3A_467 = arith.addf %add3A_461, %mul3A_466 : vector<16xf32>
      %broadcast_in_dim3A_468 = arith.constant 40 : i32
      %broadcast_in_dim3A_469 = vector.broadcast %broadcast_in_dim3A_468 : i32 to vector<16xi32>
      %gather3A_470 = tpu.vector_load_idx %arg10[%add3A_227, %broadcast_in_dim3A_469] : memref<256x64xf32, #tpu.memory_space<vmem>>[vector<16xi32>, vector<16xi32>], vector<16xf32>,
      %gather3A_471 = tpu.vector_load_idx %arg11[%add3A_227, %broadcast_in_dim3A_469] : memref<256x64xf32, #tpu.memory_space<vmem>>[vector<16xi32>, vector<16xi32>], vector<16xf32>,
      %mul3A_472 = arith.mulf %gather3A_470, %gather3A_471 : vector<16xf32>
      %add3A_473 = arith.addf %add3A_467, %mul3A_472 : vector<16xf32>
      %broadcast_in_dim3A_474 = arith.constant 41 : i32
      %broadcast_in_dim3A_475 = vector.broadcast %broadcast_in_dim3A_474 : i32 to vector<16xi32>
      %gather3A_476 = tpu.vector_load_idx %arg10[%add3A_227, %broadcast_in_dim3A_475] : memref<256x64xf32, #tpu.memory_space<vmem>>[vector<16xi32>, vector<16xi32>], vector<16xf32>,
      %gather3A_477 = tpu.vector_load_idx %arg11[%add3A_227, %broadcast_in_dim3A_475] : memref<256x64xf32, #tpu.memory_space<vmem>>[vector<16xi32>, vector<16xi32>], vector<16xf32>,
      %mul3A_478 = arith.mulf %gather3A_476, %gather3A_477 : vector<16xf32>
      %add3A_479 = arith.addf %add3A_473, %mul3A_478 : vector<16xf32>
      %broadcast_in_dim3A_480 = arith.constant 42 : i32
      %broadcast_in_dim3A_481 = vector.broadcast %broadcast_in_dim3A_480 : i32 to vector<16xi32>
      %gather3A_482 = tpu.vector_load_idx %arg10[%add3A_227, %broadcast_in_dim3A_481] : memref<256x64xf32, #tpu.memory_space<vmem>>[vector<16xi32>, vector<16xi32>], vector<16xf32>,
      %gather3A_483 = tpu.vector_load_idx %arg11[%add3A_227, %broadcast_in_dim3A_481] : memref<256x64xf32, #tpu.memory_space<vmem>>[vector<16xi32>, vector<16xi32>], vector<16xf32>,
      %mul3A_484 = arith.mulf %gather3A_482, %gather3A_483 : vector<16xf32>
      %add3A_485 = arith.addf %add3A_479, %mul3A_484 : vector<16xf32>
      %broadcast_in_dim3A_486 = arith.constant 43 : i32
      %broadcast_in_dim3A_487 = vector.broadcast %broadcast_in_dim3A_486 : i32 to vector<16xi32>
      %gather3A_488 = tpu.vector_load_idx %arg10[%add3A_227, %broadcast_in_dim3A_487] : memref<256x64xf32, #tpu.memory_space<vmem>>[vector<16xi32>, vector<16xi32>], vector<16xf32>,
      %gather3A_489 = tpu.vector_load_idx %arg11[%add3A_227, %broadcast_in_dim3A_487] : memref<256x64xf32, #tpu.memory_space<vmem>>[vector<16xi32>, vector<16xi32>], vector<16xf32>,
      %mul3A_490 = arith.mulf %gather3A_488, %gather3A_489 : vector<16xf32>
      %add3A_491 = arith.addf %add3A_485, %mul3A_490 : vector<16xf32>
      %broadcast_in_dim3A_492 = arith.constant 44 : i32
      %broadcast_in_dim3A_493 = vector.broadcast %broadcast_in_dim3A_492 : i32 to vector<16xi32>
      %gather3A_494 = tpu.vector_load_idx %arg10[%add3A_227, %broadcast_in_dim3A_493] : memref<256x64xf32, #tpu.memory_space<vmem>>[vector<16xi32>, vector<16xi32>], vector<16xf32>,
      %gather3A_495 = tpu.vector_load_idx %arg11[%add3A_227, %broadcast_in_dim3A_493] : memref<256x64xf32, #tpu.memory_space<vmem>>[vector<16xi32>, vector<16xi32>], vector<16xf32>,
      %mul3A_496 = arith.mulf %gather3A_494, %gather3A_495 : vector<16xf32>
      %add3A_497 = arith.addf %add3A_491, %mul3A_496 : vector<16xf32>
      %broadcast_in_dim3A_498 = arith.constant 45 : i32
      %broadcast_in_dim3A_499 = vector.broadcast %broadcast_in_dim3A_498 : i32 to vector<16xi32>
      %gather3A_500 = tpu.vector_load_idx %arg10[%add3A_227, %broadcast_in_dim3A_499] : memref<256x64xf32, #tpu.memory_space<vmem>>[vector<16xi32>, vector<16xi32>], vector<16xf32>,
      %gather3A_501 = tpu.vector_load_idx %arg11[%add3A_227, %broadcast_in_dim3A_499] : memref<256x64xf32, #tpu.memory_space<vmem>>[vector<16xi32>, vector<16xi32>], vector<16xf32>,
      %mul3A_502 = arith.mulf %gather3A_500, %gather3A_501 : vector<16xf32>
      %add3A_503 = arith.addf %add3A_497, %mul3A_502 : vector<16xf32>
      %broadcast_in_dim3A_504 = arith.constant 46 : i32
      %broadcast_in_dim3A_505 = vector.broadcast %broadcast_in_dim3A_504 : i32 to vector<16xi32>
      %gather3A_506 = tpu.vector_load_idx %arg10[%add3A_227, %broadcast_in_dim3A_505] : memref<256x64xf32, #tpu.memory_space<vmem>>[vector<16xi32>, vector<16xi32>], vector<16xf32>,
      %gather3A_507 = tpu.vector_load_idx %arg11[%add3A_227, %broadcast_in_dim3A_505] : memref<256x64xf32, #tpu.memory_space<vmem>>[vector<16xi32>, vector<16xi32>], vector<16xf32>,
      %mul3A_508 = arith.mulf %gather3A_506, %gather3A_507 : vector<16xf32>
      %add3A_509 = arith.addf %add3A_503, %mul3A_508 : vector<16xf32>
      %broadcast_in_dim3A_510 = arith.constant 47 : i32
      %broadcast_in_dim3A_511 = vector.broadcast %broadcast_in_dim3A_510 : i32 to vector<16xi32>
      %gather3A_512 = tpu.vector_load_idx %arg10[%add3A_227, %broadcast_in_dim3A_511] : memref<256x64xf32, #tpu.memory_space<vmem>>[vector<16xi32>, vector<16xi32>], vector<16xf32>,
      %gather3A_513 = tpu.vector_load_idx %arg11[%add3A_227, %broadcast_in_dim3A_511] : memref<256x64xf32, #tpu.memory_space<vmem>>[vector<16xi32>, vector<16xi32>], vector<16xf32>,
      %mul3A_514 = arith.mulf %gather3A_512, %gather3A_513 : vector<16xf32>
      %add3A_515 = arith.addf %add3A_509, %mul3A_514 : vector<16xf32>
      %broadcast_in_dim3A_516 = arith.constant 48 : i32
      %broadcast_in_dim3A_517 = vector.broadcast %broadcast_in_dim3A_516 : i32 to vector<16xi32>
      %gather3A_518 = tpu.vector_load_idx %arg10[%add3A_227, %broadcast_in_dim3A_517] : memref<256x64xf32, #tpu.memory_space<vmem>>[vector<16xi32>, vector<16xi32>], vector<16xf32>,
      %gather3A_519 = tpu.vector_load_idx %arg11[%add3A_227, %broadcast_in_dim3A_517] : memref<256x64xf32, #tpu.memory_space<vmem>>[vector<16xi32>, vector<16xi32>], vector<16xf32>,
      %mul3A_520 = arith.mulf %gather3A_518, %gather3A_519 : vector<16xf32>
      %add3A_521 = arith.addf %add3A_515, %mul3A_520 : vector<16xf32>
      %broadcast_in_dim3A_522 = arith.constant 49 : i32
      %broadcast_in_dim3A_523 = vector.broadcast %broadcast_in_dim3A_522 : i32 to vector<16xi32>
      %gather3A_524 = tpu.vector_load_idx %arg10[%add3A_227, %broadcast_in_dim3A_523] : memref<256x64xf32, #tpu.memory_space<vmem>>[vector<16xi32>, vector<16xi32>], vector<16xf32>,
      %gather3A_525 = tpu.vector_load_idx %arg11[%add3A_227, %broadcast_in_dim3A_523] : memref<256x64xf32, #tpu.memory_space<vmem>>[vector<16xi32>, vector<16xi32>], vector<16xf32>,
      %mul3A_526 = arith.mulf %gather3A_524, %gather3A_525 : vector<16xf32>
      %add3A_527 = arith.addf %add3A_521, %mul3A_526 : vector<16xf32>
      %broadcast_in_dim3A_528 = arith.constant 50 : i32
      %broadcast_in_dim3A_529 = vector.broadcast %broadcast_in_dim3A_528 : i32 to vector<16xi32>
      %gather3A_530 = tpu.vector_load_idx %arg10[%add3A_227, %broadcast_in_dim3A_529] : memref<256x64xf32, #tpu.memory_space<vmem>>[vector<16xi32>, vector<16xi32>], vector<16xf32>,
      %gather3A_531 = tpu.vector_load_idx %arg11[%add3A_227, %broadcast_in_dim3A_529] : memref<256x64xf32, #tpu.memory_space<vmem>>[vector<16xi32>, vector<16xi32>], vector<16xf32>,
      %mul3A_532 = arith.mulf %gather3A_530, %gather3A_531 : vector<16xf32>
      %add3A_533 = arith.addf %add3A_527, %mul3A_532 : vector<16xf32>
      %broadcast_in_dim3A_534 = arith.constant 51 : i32
      %broadcast_in_dim3A_535 = vector.broadcast %broadcast_in_dim3A_534 : i32 to vector<16xi32>
      %gather3A_536 = tpu.vector_load_idx %arg10[%add3A_227, %broadcast_in_dim3A_535] : memref<256x64xf32, #tpu.memory_space<vmem>>[vector<16xi32>, vector<16xi32>], vector<16xf32>,
      %gather3A_537 = tpu.vector_load_idx %arg11[%add3A_227, %broadcast_in_dim3A_535] : memref<256x64xf32, #tpu.memory_space<vmem>>[vector<16xi32>, vector<16xi32>], vector<16xf32>,
      %mul3A_538 = arith.mulf %gather3A_536, %gather3A_537 : vector<16xf32>
      %add3A_539 = arith.addf %add3A_533, %mul3A_538 : vector<16xf32>
      %broadcast_in_dim3A_540 = arith.constant 52 : i32
      %broadcast_in_dim3A_541 = vector.broadcast %broadcast_in_dim3A_540 : i32 to vector<16xi32>
      %gather3A_542 = tpu.vector_load_idx %arg10[%add3A_227, %broadcast_in_dim3A_541] : memref<256x64xf32, #tpu.memory_space<vmem>>[vector<16xi32>, vector<16xi32>], vector<16xf32>,
      %gather3A_543 = tpu.vector_load_idx %arg11[%add3A_227, %broadcast_in_dim3A_541] : memref<256x64xf32, #tpu.memory_space<vmem>>[vector<16xi32>, vector<16xi32>], vector<16xf32>,
      %mul3A_544 = arith.mulf %gather3A_542, %gather3A_543 : vector<16xf32>
      %add3A_545 = arith.addf %add3A_539, %mul3A_544 : vector<16xf32>
      %broadcast_in_dim3A_546 = arith.constant 53 : i32
      %broadcast_in_dim3A_547 = vector.broadcast %broadcast_in_dim3A_546 : i32 to vector<16xi32>
      %gather3A_548 = tpu.vector_load_idx %arg10[%add3A_227, %broadcast_in_dim3A_547] : memref<256x64xf32, #tpu.memory_space<vmem>>[vector<16xi32>, vector<16xi32>], vector<16xf32>,
      %gather3A_549 = tpu.vector_load_idx %arg11[%add3A_227, %broadcast_in_dim3A_547] : memref<256x64xf32, #tpu.memory_space<vmem>>[vector<16xi32>, vector<16xi32>], vector<16xf32>,
      %mul3A_550 = arith.mulf %gather3A_548, %gather3A_549 : vector<16xf32>
      %add3A_551 = arith.addf %add3A_545, %mul3A_550 : vector<16xf32>
      %broadcast_in_dim3A_552 = arith.constant 54 : i32
      %broadcast_in_dim3A_553 = vector.broadcast %broadcast_in_dim3A_552 : i32 to vector<16xi32>
      %gather3A_554 = tpu.vector_load_idx %arg10[%add3A_227, %broadcast_in_dim3A_553] : memref<256x64xf32, #tpu.memory_space<vmem>>[vector<16xi32>, vector<16xi32>], vector<16xf32>,
      %gather3A_555 = tpu.vector_load_idx %arg11[%add3A_227, %broadcast_in_dim3A_553] : memref<256x64xf32, #tpu.memory_space<vmem>>[vector<16xi32>, vector<16xi32>], vector<16xf32>,
      %mul3A_556 = arith.mulf %gather3A_554, %gather3A_555 : vector<16xf32>
      %add3A_557 = arith.addf %add3A_551, %mul3A_556 : vector<16xf32>
      %broadcast_in_dim3A_558 = arith.constant 55 : i32
      %broadcast_in_dim3A_559 = vector.broadcast %broadcast_in_dim3A_558 : i32 to vector<16xi32>
      %gather3A_560 = tpu.vector_load_idx %arg10[%add3A_227, %broadcast_in_dim3A_559] : memref<256x64xf32, #tpu.memory_space<vmem>>[vector<16xi32>, vector<16xi32>], vector<16xf32>,
      %gather3A_561 = tpu.vector_load_idx %arg11[%add3A_227, %broadcast_in_dim3A_559] : memref<256x64xf32, #tpu.memory_space<vmem>>[vector<16xi32>, vector<16xi32>], vector<16xf32>,
      %mul3A_562 = arith.mulf %gather3A_560, %gather3A_561 : vector<16xf32>
      %add3A_563 = arith.addf %add3A_557, %mul3A_562 : vector<16xf32>
      %broadcast_in_dim3A_564 = arith.constant 56 : i32
      %broadcast_in_dim3A_565 = vector.broadcast %broadcast_in_dim3A_564 : i32 to vector<16xi32>
      %gather3A_566 = tpu.vector_load_idx %arg10[%add3A_227, %broadcast_in_dim3A_565] : memref<256x64xf32, #tpu.memory_space<vmem>>[vector<16xi32>, vector<16xi32>], vector<16xf32>,
      %gather3A_567 = tpu.vector_load_idx %arg11[%add3A_227, %broadcast_in_dim3A_565] : memref<256x64xf32, #tpu.memory_space<vmem>>[vector<16xi32>, vector<16xi32>], vector<16xf32>,
      %mul3A_568 = arith.mulf %gather3A_566, %gather3A_567 : vector<16xf32>
      %add3A_569 = arith.addf %add3A_563, %mul3A_568 : vector<16xf32>
      %broadcast_in_dim3A_570 = arith.constant 57 : i32
      %broadcast_in_dim3A_571 = vector.broadcast %broadcast_in_dim3A_570 : i32 to vector<16xi32>
      %gather3A_572 = tpu.vector_load_idx %arg10[%add3A_227, %broadcast_in_dim3A_571] : memref<256x64xf32, #tpu.memory_space<vmem>>[vector<16xi32>, vector<16xi32>], vector<16xf32>,
      %gather3A_573 = tpu.vector_load_idx %arg11[%add3A_227, %broadcast_in_dim3A_571] : memref<256x64xf32, #tpu.memory_space<vmem>>[vector<16xi32>, vector<16xi32>], vector<16xf32>,
      %mul3A_574 = arith.mulf %gather3A_572, %gather3A_573 : vector<16xf32>
      %add3A_575 = arith.addf %add3A_569, %mul3A_574 : vector<16xf32>
      %broadcast_in_dim3A_576 = arith.constant 58 : i32
      %broadcast_in_dim3A_577 = vector.broadcast %broadcast_in_dim3A_576 : i32 to vector<16xi32>
      %gather3A_578 = tpu.vector_load_idx %arg10[%add3A_227, %broadcast_in_dim3A_577] : memref<256x64xf32, #tpu.memory_space<vmem>>[vector<16xi32>, vector<16xi32>], vector<16xf32>,
      %gather3A_579 = tpu.vector_load_idx %arg11[%add3A_227, %broadcast_in_dim3A_577] : memref<256x64xf32, #tpu.memory_space<vmem>>[vector<16xi32>, vector<16xi32>], vector<16xf32>,
      %mul3A_580 = arith.mulf %gather3A_578, %gather3A_579 : vector<16xf32>
      %add3A_581 = arith.addf %add3A_575, %mul3A_580 : vector<16xf32>
      %broadcast_in_dim3A_582 = arith.constant 59 : i32
      %broadcast_in_dim3A_583 = vector.broadcast %broadcast_in_dim3A_582 : i32 to vector<16xi32>
      %gather3A_584 = tpu.vector_load_idx %arg10[%add3A_227, %broadcast_in_dim3A_583] : memref<256x64xf32, #tpu.memory_space<vmem>>[vector<16xi32>, vector<16xi32>], vector<16xf32>,
      %gather3A_585 = tpu.vector_load_idx %arg11[%add3A_227, %broadcast_in_dim3A_583] : memref<256x64xf32, #tpu.memory_space<vmem>>[vector<16xi32>, vector<16xi32>], vector<16xf32>,
      %mul3A_586 = arith.mulf %gather3A_584, %gather3A_585 : vector<16xf32>
      %add3A_587 = arith.addf %add3A_581, %mul3A_586 : vector<16xf32>
      %broadcast_in_dim3A_588 = arith.constant 60 : i32
      %broadcast_in_dim3A_589 = vector.broadcast %broadcast_in_dim3A_588 : i32 to vector<16xi32>
      %gather3A_590 = tpu.vector_load_idx %arg10[%add3A_227, %broadcast_in_dim3A_589] : memref<256x64xf32, #tpu.memory_space<vmem>>[vector<16xi32>, vector<16xi32>], vector<16xf32>,
      %gather3A_591 = tpu.vector_load_idx %arg11[%add3A_227, %broadcast_in_dim3A_589] : memref<256x64xf32, #tpu.memory_space<vmem>>[vector<16xi32>, vector<16xi32>], vector<16xf32>,
      %mul3A_592 = arith.mulf %gather3A_590, %gather3A_591 : vector<16xf32>
      %add3A_593 = arith.addf %add3A_587, %mul3A_592 : vector<16xf32>
      %broadcast_in_dim3A_594 = arith.constant 61 : i32
      %broadcast_in_dim3A_595 = vector.broadcast %broadcast_in_dim3A_594 : i32 to vector<16xi32>
      %gather3A_596 = tpu.vector_load_idx %arg10[%add3A_227, %broadcast_in_dim3A_595] : memref<256x64xf32, #tpu.memory_space<vmem>>[vector<16xi32>, vector<16xi32>], vector<16xf32>,
      %gather3A_597 = tpu.vector_load_idx %arg11[%add3A_227, %broadcast_in_dim3A_595] : memref<256x64xf32, #tpu.memory_space<vmem>>[vector<16xi32>, vector<16xi32>], vector<16xf32>,
      %mul3A_598 = arith.mulf %gather3A_596, %gather3A_597 : vector<16xf32>
      %add3A_599 = arith.addf %add3A_593, %mul3A_598 : vector<16xf32>
      %broadcast_in_dim3A_600 = arith.constant 62 : i32
      %broadcast_in_dim3A_601 = vector.broadcast %broadcast_in_dim3A_600 : i32 to vector<16xi32>
      %gather3A_602 = tpu.vector_load_idx %arg10[%add3A_227, %broadcast_in_dim3A_601] : memref<256x64xf32, #tpu.memory_space<vmem>>[vector<16xi32>, vector<16xi32>], vector<16xf32>,
      %gather3A_603 = tpu.vector_load_idx %arg11[%add3A_227, %broadcast_in_dim3A_601] : memref<256x64xf32, #tpu.memory_space<vmem>>[vector<16xi32>, vector<16xi32>], vector<16xf32>,
      %mul3A_604 = arith.mulf %gather3A_602, %gather3A_603 : vector<16xf32>
      %add3A_605 = arith.addf %add3A_599, %mul3A_604 : vector<16xf32>
      %broadcast_in_dim3A_606 = arith.constant 63 : i32
      %broadcast_in_dim3A_607 = vector.broadcast %broadcast_in_dim3A_606 : i32 to vector<16xi32>
      %gather3A_608 = tpu.vector_load_idx %arg10[%add3A_227, %broadcast_in_dim3A_607] : memref<256x64xf32, #tpu.memory_space<vmem>>[vector<16xi32>, vector<16xi32>], vector<16xf32>,
      %gather3A_609 = tpu.vector_load_idx %arg11[%add3A_227, %broadcast_in_dim3A_607] : memref<256x64xf32, #tpu.memory_space<vmem>>[vector<16xi32>, vector<16xi32>], vector<16xf32>,
      %mul3A_610 = arith.mulf %gather3A_608, %gather3A_609 : vector<16xf32>
      %add3A_611 = arith.addf %add3A_605, %mul3A_610 : vector<16xf32>
      %mul3A_612 = arith.constant 16 : i32
      %mul3A_613 = arith.muli %scan3A_223, %mul3A_612 : i32
      %add3A_614 = arith.constant 256 : i32
      %add3A_615 = arith.addi %add3A_614, %mul3A_613 : i32
      %swap3A = arith.index_cast %add3A_615 : i32 to index
      %swap3A_616 = tpu.vector_load %arg12[%swap3A] {strides = array<i32>} : memref<512xf32, #tpu.memory_space<vmem>>, vector<16xf32>,
      tpu.vector_store %arg12[%swap3A], %add3A_611 {strides = array<i32>} : memref<512xf32, #tpu.memory_space<vmem>>, vector<16xf32>,
    }
    %scan3A_222 = arith.constant 16 : i32
    "tpu.region"() ({
      %run_scoped3A_223 = tpu.sem_alloc : memref<!tpu.dma_semaphore, #tpu.memory_space<semaphore_mem>>
      %dma_start3A = tpu.memref_slice %arg6[%mul3A_2] : memref<16384xf32, #tpu.memory_space<hbm>> -> memref<512xf32, #tpu.memory_space<hbm>>
      %dma_start3A_224 = tpu.memref_slice %arg6[%mul3A_2] : memref<16384xf32, #tpu.memory_space<hbm>> -> memref<512xf32, #tpu.memory_space<hbm>>
      tpu.enqueue_dma source(%arg12 : memref<512xf32, #tpu.memory_space<vmem>>) target(%dma_start3A_224 : memref<512xf32, #tpu.memory_space<hbm>>) target_semaphore(%run_scoped3A_223 : memref<!tpu.dma_semaphore, #tpu.memory_space<semaphore_mem>>)
      %dma_wait3A_225 = tpu.memref_slice %arg6[%mul3A_2] : memref<16384xf32, #tpu.memory_space<hbm>> -> memref<512xf32, #tpu.memory_space<hbm>>
      %dma_wait3A_226 = tpu.memref_slice %arg6[%mul3A_2] : memref<16384xf32, #tpu.memory_space<hbm>> -> memref<512xf32, #tpu.memory_space<hbm>>
      tpu.wait_dma2 semaphore(%run_scoped3A_223 : memref<!tpu.dma_semaphore, #tpu.memory_space<semaphore_mem>>) src(%arg12 : memref<512xf32, #tpu.memory_space<vmem>>) dst(%dma_wait3A_226 : memref<512xf32, #tpu.memory_space<hbm>>)
      tpu.yield
    }) : () -> ()
    return
  }
}

</mosaic_0001>

<sc_bundles>
// kernel: kernel.3.cloned.1.call-start
scs
__scs_entry_jumppad:
0x0: {  	(pc) =	sbr.rel $0x88, $3  }
0x1: {  	(tag) =	ssettag $0x0;
	lr =	simm.s32 $0x1  }
0x2: {  	[smem:$0x3F9D] =	sst lr;
	_ =	strace $0xD0000000  }
0x3: {  	_ = 	snop  }
0x4: {  	_ = 	snop  }
0x5: {  	_ = 	snop  }
0x6: {  	_ = 	snop  }
0x7: {  	_ = 	snop  }
__scs_overlays_trampoline_lowered:
0x8: {  	[smem:$0x3FAC] =	sst s0  }
0x9: {  	[smem:$0x3FAD] =	sst s1  }
0xa: {  	[smem:$0x3FAE] =	sst s2  }
0xb: {  	[smem:$0x3FAF] =	sst s3  }
0xc: {  	[smem:$0x3FB0] =	sst s4  }
0xd: {  	[smem:$0x3FB1] =	sst s5  }
0xe: {  	[smem:$0x3FB2] =	sst s6  }
0xf: {  	[smem:$0x3FB3] =	sst s7  }
0x10: {  	[smem:$0x3FB4] =	sst s8  }
0x11: {  	[smem:$0x3FB5] =	sst s9;
	s0 =	simm.s32 @!p0 $0x0  }
0x12: {  	s1 =	sld [smem:$0x3F9B];
	s0 =	simm.s32 @p0 $0x1  }
0x13: {  	[smem:$0x3FB6] =	sst s0;
	s0 =	simm.s32 @!p1 $0x0  }
0x14: {  	s2 =	sld [smem:$0x3F9A];
	s0 =	simm.s32 @p1 $0x1  }
0x15: {  	[smem:$0x3FB7] =	sst s0;
	s0 =	simm.s32 @!p2 $0x0  }
0x16: {  	s3 =	sld [smem:$0x3FDB];
	s0 =	simm.s32 @p2 $0x1  }
0x17: {  	s4 =	simm.s32 $0x1BF5;
	[smem:$0x3FB9] =	sst s0  }
0x18: {  	s0 =	sld [smem:$0x3F9C];
	_ =	swait.ge [sflag:s4], $0x0  }
0x19: {  	s7 =	sld [smem:$0x3F9D]  }
0x1a: {  	s8 =	sadd.s32 $0xFFFFE003, lr  }
0x1b: {  	s9 =	sadd.s32 $0xFFFFFEF7, lr;
	s5 =	simm.s32 $0xFFFFFFFF;
	p2 =	slt.u32 s8, $0xFFFFF086  }
0x1c: {  	p1 =	slt.u32 s9, $0xF7A;
	s5 =	simm.s32 @!p2 $0x0  }
0x1d: {  	s5 =	simm.s32 @p1 $0x1;
	p0 =	seq.s32 s7, s2  }
0x1e: {  	s7 =	smul.u32 @!p0 $0xF7A, s2;
	p2 =	seq.s32 @!p0 s5, $0x0  }
0x1f: {  	s9 =	smul.u32 $0xF7A, s1;
	s8 =	simm.s32 @!p0 $0x1BF5;
	p2 =	por !p2, p0  }
0x20: {  	[sflag:s8] =	ssyncset.s32 @!p0 $0xFFFFF086;
	s6 =	sadd.s32 @!p0 s3, s7;
	s7 =	simm.s32 @!p0 $0x108  }
0x21: {  	s3 =	sadd.s32 s3, s9;
	s6 =	sadd.s32 @!p0 $0x88, s6;
	s7 =	simm.s32 @p2 $0x1082  }
0x22: {  	[simem:s7], [sflag:s8] =	dma.local @!p0 [hbm:s6], $0xF7A  }
0x23: {  	s9 =	sor.u32 $0xD0000000, s2;
	s6 =	simm.s32 $0x108;
	_ =	swait.ge @!p0 [sflag:s8], $0x0  }
0x24: {  	s3 =	sadd.s32 $0x88, s3;
	s6 =	simm.s32 @!p1 $0x1082;
	[sflag:s4] =	ssyncset.s32 $0xFFFFF086  }
0x25: {  	[simem:s6], [sflag:s4] =	dma.local [hbm:s3], $0xF7A  }
0x26: {  	[smem:$0x3F9D] =	sst s1;
	(tag) =	ssettag s2;
	_ =	strace s9  }
0x27: {  	s1 =	sld [smem:$0x3FAD]  }
0x28: {  	s2 =	sld [smem:$0x3FAE]  }
0x29: {  	s4 =	sld [smem:$0x3FB0]  }
0x2a: {  	p0 =	seq.s32 s5, $0x0;
	s5 =	sld [smem:$0x3FB1]  }
0x2b: {  	s6 =	sld [smem:$0x3FB2]  }
0x2c: {  	s7 =	sld [smem:$0x3FB3]  }
0x2d: {  	s3 =	simm.s32 $0x108;
	s8 =	sld [smem:$0x3FB4]  }
0x2e: {  	s3 =	simm.s32 @!p0 $0x1082;
	s9 =	sld [smem:$0x3FB5]  }
0x2f: {  	lr =	sadd.s32 s0, s3;
	s0 =	sld [smem:$0x3FAC]  }
0x30: {  	s3 =	sld [smem:$0x3FAF]  }
0x31: {  	[smem:$0x3FB8] =	sst s10  }
0x32: {  	s10 =	sld [smem:$0x3FB6];
	_ =	sdelay $0x3  }
0x33: {  	p0 =	seq.s32 s10, $0x1;
	s10 =	sld [smem:$0x3FB8];
	_ =	sdelay $0x3  }
0x34: {  	[smem:$0x3FB8] =	sst s10  }
0x35: {  	s10 =	sld [smem:$0x3FB7];
	_ =	sdelay $0x3  }
0x36: {  	p1 =	seq.s32 s10, $0x1;
	s10 =	sld [smem:$0x3FB8];
	_ =	sdelay $0x3  }
0x37: {  	[smem:$0x3FB8] =	sst s10  }
0x38: {  	s10 =	sld [smem:$0x3FB9]  }
0x39: {  	_ = 	snop;
	(pc) =	sbr.ind lr, $3  }
0x3a: {  	_ = 	snop  }
0x3b: {  	_ = 	snop  }
0x3c: {  	p2 =	seq.s32 s10, $0x1;
	s10 =	sld [smem:$0x3FB8]  }
0x3d: {  	_ =	shalt  }
0x3e: {  	_ =	shalt  }
0x3f: {  	_ =	shalt  }
0x40: {  	_ =	shalt  }
0x41: {  	_ =	shalt  }
0x42: {  	_ =	shalt  }
0x43: {  	_ =	shalt  }
0x44: {  	_ =	shalt  }
0x45: {  	_ =	shalt  }
0x46: {  	_ =	shalt  }
0x47: {  	_ =	shalt  }
0x48: {  	_ =	shalt  }
0x49: {  	_ =	shalt  }
0x4a: {  	_ =	shalt  }
0x4b: {  	_ =	shalt  }
0x4c: {  	_ =	shalt  }
0x4d: {  	_ =	shalt  }
0x4e: {  	_ =	shalt  }
0x4f: {  	_ =	shalt  }
0x50: {  	_ =	shalt  }
0x51: {  	_ =	shalt  }
0x52: {  	_ =	shalt  }
0x53: {  	_ =	shalt  }
0x54: {  	_ =	shalt  }
0x55: {  	_ =	shalt  }
0x56: {  	_ =	shalt  }
0x57: {  	_ =	shalt  }
0x58: {  	_ =	shalt  }
0x59: {  	_ =	shalt  }
0x5a: {  	_ =	shalt  }
0x5b: {  	_ =	shalt  }
0x5c: {  	_ =	shalt  }
0x5d: {  	_ =	shalt  }
0x5e: {  	_ =	shalt  }
0x5f: {  	_ =	shalt  }
0x60: {  	_ =	shalt  }
0x61: {  	_ =	shalt  }
0x62: {  	_ =	shalt  }
0x63: {  	_ =	shalt  }
0x64: {  	_ =	shalt  }
0x65: {  	_ =	shalt  }
0x66: {  	_ =	shalt  }
0x67: {  	_ =	shalt  }
0x68: {  	_ =	shalt  }
0x69: {  	_ =	shalt  }
0x6a: {  	_ =	shalt  }
0x6b: {  	_ =	shalt  }
0x6c: {  	_ =	shalt  }
0x6d: {  	_ =	shalt  }
0x6e: {  	_ =	shalt  }
0x6f: {  	_ =	shalt  }
0x70: {  	_ =	shalt  }
0x71: {  	_ =	shalt  }
0x72: {  	_ =	shalt  }
0x73: {  	_ =	shalt  }
0x74: {  	_ =	shalt  }
0x75: {  	_ =	shalt  }
0x76: {  	_ =	shalt  }
0x77: {  	_ =	shalt  }
0x78: {  	_ =	shalt  }
0x79: {  	_ =	shalt  }
0x7a: {  	_ =	shalt  }
0x7b: {  	_ =	shalt  }
0x7c: {  	_ =	shalt  }
0x7d: {  	_ =	shalt  }
0x7e: {  	_ =	shalt  }
0x7f: {  	_ =	shalt  }
0x80: {  	_ =	shalt  }
0x81: {  	_ =	shalt  }
0x82: {  	_ =	shalt  }
0x83: {  	_ =	shalt  }
0x84: {  	_ =	shalt  }
0x85: {  	_ =	shalt  }
0x86: {  	_ =	shalt  }
0x87: {  	_ =	shalt  }
.Lfunc_end0:
.L_simem_size_0:
called_computation_lowered:
.L_overlay_start_0:
0x88: {  	s2 =	sld [smem:$0x3FD9]  }
0x89: {  	s3 =	sld [smem:$0x3FFE];
	_ =	sdelay $0x1  }
0x8a: {  	s1 =	srdreg.scid  }
0x8b: {  	s0 =	sand.u32 $0x1, s1  }
0x8c: {  	s17 =	sshll.u32 s0, $0xA;
	s2 =	sadd.s32 s3, s2  }
0x8d: {  	s2 =	sadd.s32 s2, s17  }
0x8e: {  	[smem:$0x3FC4] =	sst s2  }
0x8f: {  	_ = 	snop  }
0x90: {  	s2 =	sld [smem:$0x3FC9]  }
0x91: {  	s18 =	sld [smem:$0x3FC8]  }
0x92: {  	s4 =	sld [smem:$0x3FD0];
	(tm) =	ssettm $0x1  }
0x93: {  	s5 =	sld [smem:$0x3FFB];
	_ =	sdelay $0x3  }
0x94: {  	_ =	strace s5  }
0x95: {  	s5 =	sld [smem:$0x3FFC];
	_ =	sdelay $0x3  }
0x96: {  	_ =	strace s5  }
0x97: {  	s5 =	sld [smem:$0x3FFD];
	_ =	sdelay $0x3  }
0x98: {  	_ =	strace s5  }
0x99: {  	_ =	strace $0x8FFFFFFF  }
0x9a: {  	s19 =	sld [smem:$0x3FDB];
	_ =	sdelay $0x1  }
0x9b: {  	s6 =	simm.s32 $_scs_section_size  }
0x9c: {  	s7 =	simm.s32 $_size__tile_overlayer_lowered;
	s8 =	simm.s32 $_tile_overlayer_lowered  }
0x9d: {  	s22 =	simm.s32 $0x1BFF;
	s21 =	sshll.u32 s8, $0x1;
	s5 =	sadd.s32 s6, s19  }
0x9e: {  	s9 =	simm.s32 $0x0;
	s20 =	sshll.u32 s7, $0x1;
	s7 =	sadd.s32 s21, s5  }
0x9f: {  	[timem:s9], [sflag:s22] =	dma.local [hbm:s7], s20  }
0xa0: {  	_ =	swait.ge [sflag:s22], s20  }
0xa1: {  	s6 =	ssub.s32 $0x0, s20;
	[sflag:s22] =	ssyncset.done $0x0  }
0xa2: {  	[sflag:s22] =	ssyncadd.s32 s6;
	_ =	sdelay $0x1  }
0xa3: {  	s23 =	simm.s32 $0x1B8B  }
0xa4: {  	_ =	swait.ge [sflag:s23], $0x1  }
0xa5: {  	[sflag:s23] =	ssyncset.done $0x0  }
0xa6: {  	s25 =	simm.s32 $0x1B8E;
	s24 =	sld [smem:$0x3FFE];
	[sflag:s23] =	ssyncadd.s32 $0xFFFFFFFF  }
0xa7: {  	s26 =	simm.s32 $execute0_lowered;
	[smem:$0x3FD2] =	sst s25  }
0xa8: {  	s7 =	sshll.u32 s26, $0x1;
	_ =	strace $0x80000046;
	[dreg:$0x1] =	wrdreg $0xFFFFFFFF  }
0xa9: {  	s28 =	simm.s32 $_size_execute0_lowered;
	s5 =	sadd.s32 s5, s7;
	[dreg:$0x0] =	wrdreg $0x0  }
0xaa: {  	s7 =	sshll.u32 s28, $0x1;
	[dreg:$0x2] =	wrdreg s5  }
0xab: {  	[dreg:$0x3] =	wrdreg s7  }
0xac: {  	[dreg:$0x4] =	wrdreg $0xC0  }
0xad: {  	_ =	task [dreg:s9], $0x5FFFF  }
0xae: {  	[dreg:$0x1] =	wrdreg $0xFFFFFFFF  }
0xaf: {  	[dreg:$0x0] =	wrdreg $0x60  }
0xb0: {  	[dreg:$0x2] =	wrdreg s24  }
0xb1: {  	[dreg:$0x3] =	wrdreg s2  }
0xb2: {  	[dreg:$0x4] =	wrdreg s18  }
0xb3: {  	[dreg:$0x5] =	wrdreg s4  }
0xb4: {  	[dreg:$0x6] =	wrdreg $0x0  }
0xb5: {  	[dreg:$0x7] =	wrdreg $0x9  }
0xb6: {  	_ =	task.clear_ibuf [dreg:s9], $0x8FFFF;
	_ =	strace $0x90000046  }
0xb7: {  	s29 =	simm.s32 $0x9;
	_ =	strace $0x80000048  }
0xb8: {  	_ =	swait.ge [sflag:s29], $0x1  }
0xb9: {  	[sflag:s29] =	ssyncadd.s32 $0xFFFFFFFF  }
0xba: {  	_ =	strace $0x90000048  }
0xbb: {  	_ =	sfence  }
0xbc: {  	s30 =	sld [smem:$0x0];
	_ =	sdelay $0x2  }
0xbd: {  	s31 =	sshll.u32 s1, $0xD;
	s1 =	sshrl.u32 s1, $0x2  }
0xbe: {  	s3 =	sand.u32 $0x4000, s31;
	s1 =	sadd.s32 s1, s30  }
0xbf: {  	s0 =	sor.u32 s3, s0;
	s1 =	sshll.u32 s1, $0x11  }
0xc0: {  	s0 =	sor.u32 s1, s0  }
0xc1: {  	s0 =	sadd.s32 $0x8F2B, s0  }
0xc2: {  	[sflag:s0] =	ssyncadd.remote.s32 $0x1  }
0xc3: {  	_ =	sfence.sel $0xFFFF  }
0xc4: {  	[dreg:$0x0] =	wrdreg $0xFFFFFFFF;
	(pc) =	sbr.abs _section_cstart, $3  }
0xc5: {  	[dreg:$0x1] =	wrdreg $0xFFFFFFFF  }
0xc6: {  	_ =	task.clear_ibuf [dreg:s9], $0x2FFFF;
	_ =	strace $0x9FFFFFFF  }
0xc7: {  	(tm) =	ssettm $0x7FFFFFFF  }
tec
execute0_lowered:
.L_overlay_start_1:
0x0: {  	(tag) =	ssettag $0x1  }
0x1: {  	s0 =	rddreg [dreg:$0x0]  }
0x2: {  	s1 =	rddreg [dreg:$0x1]  }
0x3: {  	s6 =	rddreg [dreg:$0x2]  }
0x4: {  	s9 =	rddreg [dreg:$0x3]  }
0x5: {  	s5 =	rddreg [dreg:$0x4]  }
0x6: {  	s3 =	srdreg.scid;
	s11 =	stileid.u32  }
0x7: {  	s2 =	simm.s32 $0x0;
	s4 =	sand.u32 $0x1, s3;
	s8 =	sshll.u32 s11, $0x1  }
0x8: {  	[smem:$0x7FF] =	sst s2;
	s3 =	sadd.s32 $0x400, s0;
	s8 =	sor.u32 s4, s8  }
0x9: {  	_ =	strace $0x80000047;
	s7 =	ssub.s32 $0x2, s4;
	s15 =	sshll.u32 s8, $0x6  }
0xa: {  	s4 =	sadd.s32 $0xF42800, s0;
	s10 =	sshrl.u32 s7, $0x1;
	s1 =	sadd.s32 s1, s15  }
0xb: {  	s14 =	sshll.u32 s8, $0xA;
	s17 =	sadd.s32 s6, s15;
	[dreg:$0x6] =	wrdreg s1  }
0xc: {  	s13 =	ssub.s32 s7, s10;
	s18 =	sadd.s32 s9, s15;
	[dreg:$0x7] =	wrdreg s17  }
0xd: {  	s5 =	sadd.s32 s14, s5;
	[dreg:$0x8] =	wrdreg s18;
	s0 =	smax.u32 s13, $0x1  }
0xe: {  	s19 =	sadd.s32 $0x100, s5;
	[dreg:$0x9] =	wrdreg s0  }
0xf: {  	s28 =	simm.s32 $0x4;
	s20 =	sadd.s32 $0x200, s5;
	[dreg:$0xa] =	wrdreg s19  }
0x10: {  	s29 =	simm.s32 $0x8;
	s21 =	sadd.s32 $0x300, s5;
	[dreg:$0xb] =	wrdreg s20  }
0x11: {  	s30 =	simm.s32 $0x800;
	s22 =	sadd.s32 $0x180, s5;
	[dreg:$0xc] =	wrdreg s21  }
0x12: {  	s31 =	simm.s32 $0x8800;
	s23 =	sadd.s32 $0x280, s5;
	[dreg:$0xd] =	wrdreg s22  }
0x13: {  	s16 =	sshll.u32 s11, $0x6;
	s24 =	sadd.s32 $0x380, s5;
	[dreg:$0xe] =	wrdreg s23  }
0x14: {  	s7 =	sor.u32 $0x1C09, s16;
	s25 =	sshrl.u32 s5, $0x3;
	[dreg:$0xf] =	wrdreg s24  }
0x15: {  	s8 =	sadd.s32 $0x80, s5;
	s1 =	simm.s32 $0x2;
	[dreg:$0x10] =	wrdreg s25  }
0x16: {  	v0 =	vlaneseq.u32;
	s19 =	simm.s32 $0x1;
	s22 =	simm.s32 $0x9;
	s26 =	sshrl.u32 s8, $0x3  }
0x17: {  	v0 =	vmul.u32 $0x80, v0;
	s0 =	simm.s32 $0x5;
	s24 =	simm.s32 $0x6;
	s25 =	simm.s32 $0x3  }
0x18: {  	s20 =	simm.s32 $0x0;
	[dreg:$0x11] =	wrdreg s26;
	s26 =	simm.s32 $0x7  }
.LBB2_1:
0x19: {  	s6 =	rddreg [dreg:$0x6]  }
0x1a: {  	s9 =	rddreg [dreg:$0x10];
	s10 =	simm.s32 $0x20;
	s11 =	simm.s32 $0x10  }
0x1b: {  	[spmem:s9@s10], [sflag:s7] =	dma.strided [hbm:s6@s11], $0x40, s19, $0x10   }
0x1c: {  	_ =	swait.ge [sflag:s22], $0x40  }
0x1d: {  	[sflag:s22] =	ssyncset.done $0x0;
	s21 =	rddreg [dreg:$0x7]  }
0x1e: {  	s23 =	rddreg [dreg:$0x11];
	[sflag:s22] =	ssyncadd.s32 $0xFFFFFFC0  }
0x1f: {  	[spmem:s23@s10], [sflag:s7] =	dma.strided [hbm:s21@s11], $0x40, s19, $0x10   }
0x20: {  	_ =	swait.ge [sflag:s22], $0x40  }
0x21: {  	[sflag:s22] =	ssyncset.done $0x0  }
0x22: {  	[sflag:s22] =	ssyncadd.s32 $0xFFFFFFC0  }
0x23: {  	[smem:s2], [sflag:$0x9] =	stream.linear.gather [spmem:s5], $0x80, $0x38;
	[tilespmem:$0x10A00] =	vst v63  }
0x24: {  	s13 =	simm.s32 $0x80;
	s12 =	rddreg [dreg:$0xa]  }
0x25: {  	[smem:s13], [sflag:$0x9] =	stream.linear.gather [spmem:s12], $0x80, $0x38;
	[tilespmem:$0x10A00] =	vst v63  }
0x26: {  	s14 =	simm.s32 $0x100;
	s6 =	rddreg [dreg:$0xb]  }
0x27: {  	[smem:s14], [sflag:$0x9] =	stream.linear.gather [spmem:s6], $0x80, $0x38;
	[tilespmem:$0x10A00] =	vst v63  }
0x28: {  	s15 =	simm.s32 $0x180;
	s6 =	rddreg [dreg:$0xc]  }
0x29: {  	[smem:s15], [sflag:$0x9] =	stream.linear.gather [spmem:s6], $0x80, $0x38;
	[tilespmem:$0x10A00] =	vst v63  }
0x2a: {  	_ =	swait.ge [sflag:s22], $0x200  }
0x2b: {  	[sflag:s22] =	ssyncset.done $0x0  }
0x2c: {  	s16 =	simm.s32 $0x200;
	[sflag:s22] =	ssyncadd.s32 $0xFFFFFE00  }
0x2d: {  	[smem:s16], [sflag:$0x9] =	stream.linear.gather [spmem:s8], $0x80, $0x38;
	[tilespmem:$0x10A00] =	vst v63  }
0x2e: {  	s17 =	simm.s32 $0x280;
	s6 =	rddreg [dreg:$0xd]  }
0x2f: {  	[smem:s17], [sflag:$0x9] =	stream.linear.gather [spmem:s6], $0x80, $0x38;
	[tilespmem:$0x10A00] =	vst v63  }
0x30: {  	s18 =	simm.s32 $0x300;
	s6 =	rddreg [dreg:$0xe]  }
0x31: {  	[smem:s18], [sflag:$0x9] =	stream.linear.gather [spmem:s6], $0x80, $0x38;
	[tilespmem:$0x10A00] =	vst v63  }
0x32: {  	s21 =	simm.s32 $0x380;
	s6 =	rddreg [dreg:$0xf]  }
0x33: {  	[smem:s21], [sflag:$0x9] =	stream.linear.gather [spmem:s6], $0x80, $0x38;
	[tilespmem:$0x10A00] =	vst v63  }
0x34: {  	_ =	swait.ge [sflag:s22], $0x200  }
0x35: {  	[sflag:s22] =	ssyncset.done $0x0  }
0x36: {  	[sflag:s22] =	ssyncadd.s32 $0xFFFFFE00  }
0x37: {  	s9 =	sld [smem:$0x1]  }
0x38: {  	s10 =	sld [smem:$0x2]  }
0x39: {  	s23 =	sld [smem:$0x3]  }
0x3a: {  	s15 =	sld [smem:$0x0]  }
0x3b: {  	s14 =	simm.s32 $0x800;
	s9 =	sshll.u32 s9, $0x4;
	s12 =	sld [smem:$0x202]  }
0x3c: {  	s17 =	simm.s32 $0x8800;
	s9 =	sand.u32 $0x1FFFFFF0, s9;
	s13 =	sld [smem:$0x200]  }
0x3d: {  	s10 =	sshll.u32 s10, $0x4;
	s9 =	sadd.s32 s3, s9;
	s6 =	sshll.u32 s15, $0x4  }
0x3e: {  	s10 =	sand.u32 $0x1FFFFFF0, s10;
	s21 =	sld [smem:$0x201];
	s6 =	sand.u32 $0x1FFFFFF0, s6  }
0x3f: {  	s10 =	sadd.s32 s3, s10;
	s6 =	sadd.s32 s3, s6;
	s16 =	sshll.u32 s13, $0x4  }
0x40: {  	[tilespmem:s14], [sflag:$0x1] =	stream.linear.gather [hbm4b:s6+s2], $0x80, $0x38;
	[tilespmem:$0x10A00] =	vst v63  }
0x41: {  	s18 =	sshll.u32 s12, $0x4;
	s13 =	sshll.u32 s23, $0x4;
	s6 =	sand.u32 $0x1FFFFFF0, s16  }
0x42: {  	s23 =	simm.s32 $0x880;
	s21 =	sshll.u32 s21, $0x4;
	s6 =	sadd.s32 s4, s6  }
0x43: {  	[tilespmem:s17], [sflag:$0x5] =	stream.linear.gather [hbm4b:s6+s2], $0x80, $0x38;
	[tilespmem:$0x10A00] =	vst v63  }
0x44: {  	s16 =	simm.s32 $0x8880;
	s12 =	sand.u32 $0x1FFFFFF0, s21;
	s21 =	simm.s32 $0x8900  }
0x45: {  	[tilespmem:s23], [sflag:$0x2] =	stream.linear.gather [hbm4b:s9+s2], $0x80, $0x38;
	[tilespmem:$0x10A00] =	vst v63  }
0x46: {  	s6 =	simm.s32 $0x800;
	s15 =	sadd.s32 s4, s12;
	s17 =	sand.u32 $0x1FFFFFF0, s18  }
0x47: {  	[tilespmem:s16], [sflag:$0x6] =	stream.linear.gather [hbm4b:s15+s2], $0x80, $0x38;
	[tilespmem:$0x10A00] =	vst v63  }
0x48: {  	s18 =	simm.s32 $0x900;
	s12 =	simm.s32 $0x980;
	s23 =	sand.u32 $0x1FFFFFF0, s13  }
0x49: {  	[tilespmem:s18], [sflag:$0x3] =	stream.linear.gather [hbm4b:s10+s2], $0x80, $0x38;
	[tilespmem:$0x10A00] =	vst v63  }
0x4a: {  	s9 =	sadd.s32 s4, s17;
	s13 =	sadd.s32 s3, s23;
	s11 =	sld [smem:$0x203]  }
0x4b: {  	[tilespmem:s21], [sflag:$0x7] =	stream.linear.gather [hbm4b:s9+s2], $0x80, $0x38;
	[tilespmem:$0x10A00] =	vst v63  }
0x4c: {  	s10 =	simm.s32 $0x8980;
	s9 =	simm.s32 $0x6;
	s21 =	simm.s32 $0x206  }
.LBB2_2:
0x4d: {  	[tilespmem:s12], [sflag:$0x4] =	stream.linear.gather [hbm4b:s13+s2], $0x80, $0x38;
	[tilespmem:$0x10A00] =	vst v63  }
0x4e: {  	s12 =	smov.u32 s6  }
0x4f: {  	p0 =	sne.s32 s6, $0x1F800;
	s11 =	sshll.u32 s11, $0x4;
	s13 =	sld [smem:s9+$0xFFFFFFFF]  }
0x50: {  	s6 =	sadd.s32 $0x800, s6;
	s11 =	sand.u32 $0x1FFFFFF0, s11;
	s14 =	sld [smem:s9+$0x0]  }
0x51: {  	s11 =	sadd.s32 s4, s11;
	s15 =	sld [smem:s9+$0x1]  }
0x52: {  	[tilespmem:s10], [sflag:$0x8] =	stream.linear.gather [hbm4b:s11+s2], $0x80, $0x38;
	[tilespmem:$0x10A00] =	vst v63  }
0x53: {  	s10 =	sld [smem:s9+$0xFFFFFFFE]  }
0x54: {  	s11 =	sld [smem:s21+$0x0];
	s15 =	sshll.u32 s15, $0x4  }
0x55: {  	s16 =	sld [smem:s21+$0xFFFFFFFE];
	s15 =	sand.u32 $0x1FFFFFF0, s15  }
0x56: {  	s12 =	sshra.s32 s12, $0x2;
	s10 =	sshll.u32 s10, $0x4;
	s17 =	sld [smem:s21+$0xFFFFFFFF]  }
0x57: {  	s18 =	sadd.s32 $0x8800, s12;
	s10 =	sand.u32 $0x1FFFFFF0, s10;
	s11 =	sshll.u32 s11, $0x4  }
0x58: {  	s23 =	sadd.s32 $0x800, s12;
	s10 =	sadd.s32 s3, s10;
	s16 =	sshll.u32 s16, $0x4  }
0x59: {  	s13 =	sshll.u32 s13, $0x4;
	s16 =	sand.u32 $0x1FFFFFF0, s16;
	s17 =	sshll.u32 s17, $0x4  }
0x5a: {  	s13 =	sand.u32 $0x1FFFFFF0, s13;
	s11 =	sand.u32 $0x1FFFFFF0, s11;
	s16 =	sadd.s32 s4, s16  }
0x5b: {  	[tilespmem:s23], [sflag:$0x1] =	stream.linear.gather [hbm4b:s10+s2], $0x80, $0x38;
	[tilespmem:$0x10A00] =	vst v63  }
0x5c: {  	s14 =	sshll.u32 s14, $0x4;
	s17 =	sand.u32 $0x1FFFFFF0, s17;
	s10 =	sadd.s32 $0x880, s12  }
0x5d: {  	[tilespmem:s18], [sflag:$0x5] =	stream.linear.gather [hbm4b:s16+s2], $0x80, $0x38;
	[tilespmem:$0x10A00] =	vst v63  }
0x5e: {  	s13 =	sadd.s32 s3, s13;
	s14 =	sand.u32 $0x1FFFFFF0, s14;
	s16 =	sadd.s32 s4, s17  }
0x5f: {  	[tilespmem:s10], [sflag:$0x2] =	stream.linear.gather [hbm4b:s13+s2], $0x80, $0x38;
	[tilespmem:$0x10A00] =	vst v63  }
0x60: {  	s14 =	sadd.s32 s3, s14;
	s13 =	sadd.s32 $0x8880, s12;
	s10 =	sadd.s32 $0x8980, s12  }
0x61: {  	[tilespmem:s13], [sflag:$0x6] =	stream.linear.gather [hbm4b:s16+s2], $0x80, $0x38;
	[tilespmem:$0x10A00] =	vst v63  }
.Ltmp0:
0x62: {  	s13 =	sadd.s32 $0x900, s12;
	s16 =	sadd.s32 $0x8900, s12;
	(pc) =	sbr.rel @p0 .LBB2_2-.Ltmp0, $4  }
0x63: {  	[tilespmem:s13], [sflag:$0x3] =	stream.linear.gather [hbm4b:s14+s2], $0x80, $0x38;
	[tilespmem:$0x10A00] =	vst v63  }
0x64: {  	s12 =	sadd.s32 $0x980, s12;
	s13 =	sadd.s32 s4, s11;
	s11 =	sld [smem:s21+$0x1]  }
0x65: {  	[tilespmem:s16], [sflag:$0x7] =	stream.linear.gather [hbm4b:s13+s2], $0x80, $0x38;
	[tilespmem:$0x10A00] =	vst v63  }
0x66: {  	s9 =	sadd.s32 $0x4, s9;
	s21 =	sadd.s32 $0x4, s21;
	s13 =	sadd.s32 s3, s15  }
0x67: {  	[tilespmem:s12], [sflag:$0x4] =	stream.linear.gather [hbm4b:s13+s2], $0x80, $0x38;
	[tilespmem:$0x10A00] =	vst v63  }
0x68: {  	s6 =	sshll.u32 s11, $0x4  }
0x69: {  	s6 =	sand.u32 $0x1FFFFFF0, s6  }
0x6a: {  	s6 =	sadd.s32 s4, s6  }
0x6b: {  	[tilespmem:s10], [sflag:$0x8] =	stream.linear.gather [hbm4b:s6+s2], $0x80, $0x38;
	[tilespmem:$0x10A00] =	vst v63  }
0x6c: {  	_ =	swait.ge [sflag:s19], $0x2000  }
0x6d: {  	[sflag:s19] =	ssyncset.done $0x0  }
0x6e: {  	[sflag:s19] =	ssyncadd.s32 $0xFFFFE000  }
0x6f: {  	_ =	swait.ge [sflag:s0], $0x2000  }
0x70: {  	[sflag:s0] =	ssyncset.done $0x0  }
0x71: {  	[sflag:s0] =	ssyncadd.s32 $0xFFFFE000  }
0x72: {  	_ =	swait.ge [sflag:s1], $0x2000  }
0x73: {  	[sflag:s1] =	ssyncset.done $0x0  }
0x74: {  	[sflag:s1] =	ssyncadd.s32 $0xFFFFE000  }
0x75: {  	_ =	swait.ge [sflag:s24], $0x2000  }
0x76: {  	[sflag:s24] =	ssyncset.done $0x0  }
0x77: {  	[sflag:s24] =	ssyncadd.s32 $0xFFFFE000  }
0x78: {  	_ =	swait.ge [sflag:s25], $0x2000  }
0x79: {  	[sflag:s25] =	ssyncset.done $0x0  }
0x7a: {  	[sflag:s25] =	ssyncadd.s32 $0xFFFFE000  }
0x7b: {  	_ =	swait.ge [sflag:s26], $0x2000  }
0x7c: {  	s21 =	simm.s32 $0x0;
	[sflag:s26] =	ssyncset.done $0x0  }
0x7d: {  	v1 =	vmov s21;
	[sflag:s26] =	ssyncadd.s32 $0xFFFFE000  }
0x7e: {  	v1 =	vshll.u32 v1, $0x7;
	_ =	swait.ge [sflag:s28], $0x2000  }
0x7f: {  	v1 =	vor.u32 v0, v1;
	[sflag:s28] =	ssyncset.done $0x0  }
0x80: {  	[sflag:s28] =	ssyncadd.s32 $0xFFFFE000  }
0x81: {  	v2 =	vor.u32 $0x1, v1;
	_ =	swait.ge [sflag:s29], $0x2000  }
0x82: {  	[sflag:s29] =	ssyncset.done $0x0  }
0x83: {  	v3 =	vor.u32 $0x2, v1;
	[sflag:s29] =	ssyncadd.s32 $0xFFFFE000  }
0x84: {  	v4 =	vld.idx.msk [tilespmem:v1+s31+$0x0], $0xffff  }
0x85: {  	v6 =	vor.u32 $0x3, v1;
	v5 =	vld.idx.msk [tilespmem:v1+s30+$0x0], $0xffff  }
0x86: {  	v7 =	vld.idx.msk [tilespmem:v2+s30+$0x0], $0xffff  }
0x87: {  	v8 =	vor.u32 $0x4, v1;
	v2 =	vld.idx.msk [tilespmem:v2+s31+$0x0], $0xffff  }
0x88: {  	v9 =	vld.idx.msk [tilespmem:v3+s30+$0x0], $0xffff  }
0x89: {  	v10 =	vor.u32 $0x5, v1;
	v3 =	vld.idx.msk [tilespmem:v3+s31+$0x0], $0xffff  }
0x8a: {  	v11 =	vld.idx.msk [tilespmem:v6+s30+$0x0], $0xffff;
	v4 =	vmul.f32 v4, v5  }
0x8b: {  	v5 =	vld.idx.msk [tilespmem:v6+s31+$0x0], $0xffff;
	v6 =	vor.u32 $0x6, v1  }
0x8c: {  	v12 =	vld.idx.msk [tilespmem:v8+s30+$0x0], $0xffff;
	v2 =	vmul.f32 v2, v7;
	v4 =	vadd.f32 $0.0e+00, v4  }
0x8d: {  	v61 =	vor.u32 $0x7, v1;
	v7 =	vld.idx.msk [tilespmem:v8+s31+$0x0], $0xffff  }
0x8e: {  	v13 =	vld.idx.msk [tilespmem:v10+s30+$0x0], $0xffff;
	v3 =	vmul.f32 v3, v9;
	v2 =	vadd.f32 v2, v4  }
0x8f: {  	v62 =	vor.u32 $0x8, v1;
	v4 =	vld.idx.msk [tilespmem:v10+s31+$0x0], $0xffff  }
0x90: {  	v63 =	vld.idx.msk [tilespmem:v6+s30+$0x0], $0xffff;
	v2 =	vadd.f32 v3, v2;
	v3 =	vmul.f32 v5, v11  }
0x91: {  	v5 =	vld.idx.msk [tilespmem:v6+s31+$0x0], $0xffff;
	v6 =	vor.u32 $0x9, v1  }
0x92: {  	v16 =	vld.idx.msk [tilespmem:v61+s30+$0x0], $0xffff;
	v2 =	vadd.f32 v3, v2;
	v3 =	vmul.f32 v7, v12  }
0x93: {  	v17 =	vor.u32 $0xA, v1;
	v7 =	vld.idx.msk [tilespmem:v61+s31+$0x0], $0xffff  }
0x94: {  	v18 =	vld.idx.msk [tilespmem:v62+s30+$0x0], $0xffff;
	v2 =	vadd.f32 v3, v2;
	v3 =	vmul.f32 v4, v13  }
0x95: {  	v19 =	vor.u32 $0xB, v1;
	v4 =	vld.idx.msk [tilespmem:v62+s31+$0x0], $0xffff  }
0x96: {  	v20 =	vld.idx.msk [tilespmem:v6+s30+$0x0], $0xffff;
	v2 =	vadd.f32 v3, v2;
	v3 =	vmul.f32 v5, v63  }
0x97: {  	v5 =	vld.idx.msk [tilespmem:v6+s31+$0x0], $0xffff;
	v6 =	vor.u32 $0xC, v1  }
0x98: {  	v21 =	vld.idx.msk [tilespmem:v17+s30+$0x0], $0xffff;
	v2 =	vadd.f32 v3, v2;
	v3 =	vmul.f32 v7, v16  }
0x99: {  	v22 =	vor.u32 $0xD, v1;
	v7 =	vld.idx.msk [tilespmem:v17+s31+$0x0], $0xffff  }
0x9a: {  	v23 =	vld.idx.msk [tilespmem:v19+s30+$0x0], $0xffff;
	v2 =	vadd.f32 v3, v2;
	v3 =	vmul.f32 v4, v18  }
0x9b: {  	v24 =	vor.u32 $0xE, v1;
	v4 =	vld.idx.msk [tilespmem:v19+s31+$0x0], $0xffff  }
0x9c: {  	v25 =	vld.idx.msk [tilespmem:v6+s30+$0x0], $0xffff;
	v2 =	vadd.f32 v3, v2;
	v3 =	vmul.f32 v5, v20  }
0x9d: {  	v5 =	vld.idx.msk [tilespmem:v6+s31+$0x0], $0xffff;
	v6 =	vor.u32 $0xF, v1  }
0x9e: {  	v26 =	vld.idx.msk [tilespmem:v22+s30+$0x0], $0xffff;
	v2 =	vadd.f32 v3, v2;
	v3 =	vmul.f32 v7, v21  }
0x9f: {  	v27 =	vor.u32 $0x10, v1;
	v7 =	vld.idx.msk [tilespmem:v22+s31+$0x0], $0xffff  }
0xa0: {  	v28 =	vld.idx.msk [tilespmem:v24+s30+$0x0], $0xffff;
	v2 =	vadd.f32 v3, v2;
	v3 =	vmul.f32 v4, v23  }
0xa1: {  	v29 =	vor.u32 $0x11, v1;
	v4 =	vld.idx.msk [tilespmem:v24+s31+$0x0], $0xffff  }
0xa2: {  	v30 =	vld.idx.msk [tilespmem:v6+s30+$0x0], $0xffff;
	v2 =	vadd.f32 v3, v2;
	v3 =	vmul.f32 v5, v25  }
0xa3: {  	v5 =	vld.idx.msk [tilespmem:v6+s31+$0x0], $0xffff;
	v6 =	vor.u32 $0x12, v1  }
0xa4: {  	v31 =	vld.idx.msk [tilespmem:v27+s30+$0x0], $0xffff;
	v2 =	vadd.f32 v3, v2;
	v3 =	vmul.f32 v7, v26  }
0xa5: {  	v32 =	vor.u32 $0x13, v1;
	v7 =	vld.idx.msk [tilespmem:v27+s31+$0x0], $0xffff  }
0xa6: {  	v33 =	vld.idx.msk [tilespmem:v29+s30+$0x0], $0xffff;
	v2 =	vadd.f32 v3, v2;
	v3 =	vmul.f32 v4, v28  }
0xa7: {  	v34 =	vor.u32 $0x14, v1;
	v4 =	vld.idx.msk [tilespmem:v29+s31+$0x0], $0xffff  }
0xa8: {  	v35 =	vld.idx.msk [tilespmem:v6+s30+$0x0], $0xffff;
	v2 =	vadd.f32 v3, v2;
	v3 =	vmul.f32 v5, v30  }
0xa9: {  	v5 =	vld.idx.msk [tilespmem:v6+s31+$0x0], $0xffff;
	v6 =	vor.u32 $0x15, v1  }
0xaa: {  	v36 =	vld.idx.msk [tilespmem:v32+s30+$0x0], $0xffff;
	v2 =	vadd.f32 v3, v2;
	v3 =	vmul.f32 v7, v31  }
0xab: {  	v37 =	vor.u32 $0x16, v1;
	v7 =	vld.idx.msk [tilespmem:v32+s31+$0x0], $0xffff  }
0xac: {  	v38 =	vld.idx.msk [tilespmem:v34+s30+$0x0], $0xffff;
	v2 =	vadd.f32 v3, v2;
	v3 =	vmul.f32 v4, v33  }
0xad: {  	v39 =	vor.u32 $0x17, v1;
	v4 =	vld.idx.msk [tilespmem:v34+s31+$0x0], $0xffff  }
0xae: {  	v40 =	vld.idx.msk [tilespmem:v6+s30+$0x0], $0xffff;
	v2 =	vadd.f32 v3, v2;
	v3 =	vmul.f32 v5, v35  }
0xaf: {  	v5 =	vld.idx.msk [tilespmem:v6+s31+$0x0], $0xffff;
	v6 =	vor.u32 $0x18, v1  }
0xb0: {  	v41 =	vld.idx.msk [tilespmem:v37+s30+$0x0], $0xffff;
	v2 =	vadd.f32 v3, v2;
	v3 =	vmul.f32 v7, v36  }
0xb1: {  	v42 =	vor.u32 $0x19, v1;
	v7 =	vld.idx.msk [tilespmem:v37+s31+$0x0], $0xffff  }
0xb2: {  	v43 =	vld.idx.msk [tilespmem:v39+s30+$0x0], $0xffff;
	v2 =	vadd.f32 v3, v2;
	v3 =	vmul.f32 v4, v38  }
0xb3: {  	v44 =	vor.u32 $0x1A, v1;
	v4 =	vld.idx.msk [tilespmem:v39+s31+$0x0], $0xffff  }
0xb4: {  	v45 =	vld.idx.msk [tilespmem:v6+s30+$0x0], $0xffff;
	v2 =	vadd.f32 v3, v2;
	v3 =	vmul.f32 v5, v40  }
0xb5: {  	v5 =	vld.idx.msk [tilespmem:v6+s31+$0x0], $0xffff;
	v6 =	vor.u32 $0x1B, v1  }
0xb6: {  	v46 =	vld.idx.msk [tilespmem:v42+s30+$0x0], $0xffff;
	v2 =	vadd.f32 v3, v2;
	v3 =	vmul.f32 v7, v41  }
0xb7: {  	v47 =	vor.u32 $0x1C, v1;
	v7 =	vld.idx.msk [tilespmem:v42+s31+$0x0], $0xffff  }
0xb8: {  	v48 =	vld.idx.msk [tilespmem:v44+s30+$0x0], $0xffff;
	v2 =	vadd.f32 v3, v2;
	v3 =	vmul.f32 v4, v43  }
0xb9: {  	v49 =	vor.u32 $0x1D, v1;
	v4 =	vld.idx.msk [tilespmem:v44+s31+$0x0], $0xffff  }
0xba: {  	v50 =	vld.idx.msk [tilespmem:v6+s30+$0x0], $0xffff;
	v2 =	vadd.f32 v3, v2;
	v3 =	vmul.f32 v5, v45  }
0xbb: {  	v5 =	vld.idx.msk [tilespmem:v6+s31+$0x0], $0xffff;
	v6 =	vor.u32 $0x1E, v1  }
0xbc: {  	v51 =	vld.idx.msk [tilespmem:v47+s30+$0x0], $0xffff;
	v2 =	vadd.f32 v3, v2;
	v3 =	vmul.f32 v7, v46  }
0xbd: {  	v52 =	vor.u32 $0x1F, v1;
	v7 =	vld.idx.msk [tilespmem:v47+s31+$0x0], $0xffff  }
0xbe: {  	v53 =	vld.idx.msk [tilespmem:v49+s30+$0x0], $0xffff;
	v2 =	vadd.f32 v3, v2;
	v3 =	vmul.f32 v4, v48  }
0xbf: {  	v54 =	vor.u32 $0x20, v1;
	v4 =	vld.idx.msk [tilespmem:v49+s31+$0x0], $0xffff  }
0xc0: {  	v55 =	vld.idx.msk [tilespmem:v6+s30+$0x0], $0xffff;
	v2 =	vadd.f32 v3, v2;
	v3 =	vmul.f32 v5, v50  }
0xc1: {  	v5 =	vld.idx.msk [tilespmem:v6+s31+$0x0], $0xffff;
	v6 =	vor.u32 $0x21, v1  }
0xc2: {  	v56 =	vld.idx.msk [tilespmem:v52+s30+$0x0], $0xffff;
	v2 =	vadd.f32 v3, v2;
	v3 =	vmul.f32 v7, v51  }
0xc3: {  	v57 =	vor.u32 $0x22, v1;
	v7 =	vld.idx.msk [tilespmem:v52+s31+$0x0], $0xffff  }
0xc4: {  	v58 =	vld.idx.msk [tilespmem:v54+s30+$0x0], $0xffff;
	v2 =	vadd.f32 v3, v2;
	v3 =	vmul.f32 v4, v53  }
0xc5: {  	v59 =	vor.u32 $0x23, v1;
	v4 =	vld.idx.msk [tilespmem:v54+s31+$0x0], $0xffff  }
0xc6: {  	v60 =	vld.idx.msk [tilespmem:v6+s30+$0x0], $0xffff;
	v2 =	vadd.f32 v3, v2;
	v3 =	vmul.f32 v5, v55  }
0xc7: {  	v5 =	vld.idx.msk [tilespmem:v6+s31+$0x0], $0xffff;
	v6 =	vor.u32 $0x24, v1  }
0xc8: {  	v61 =	vld.idx.msk [tilespmem:v57+s30+$0x0], $0xffff;
	v2 =	vadd.f32 v3, v2;
	v3 =	vmul.f32 v7, v56  }
0xc9: {  	v62 =	vor.u32 $0x25, v1;
	v7 =	vld.idx.msk [tilespmem:v57+s31+$0x0], $0xffff  }
0xca: {  	v63 =	vld.idx.msk [tilespmem:v59+s30+$0x0], $0xffff;
	v2 =	vadd.f32 v3, v2;
	v3 =	vmul.f32 v4, v58  }
0xcb: {  	v16 =	vor.u32 $0x26, v1;
	v4 =	vld.idx.msk [tilespmem:v59+s31+$0x0], $0xffff  }
0xcc: {  	v17 =	vld.idx.msk [tilespmem:v6+s30+$0x0], $0xffff;
	v2 =	vadd.f32 v3, v2;
	v3 =	vmul.f32 v5, v60  }
0xcd: {  	v5 =	vld.idx.msk [tilespmem:v6+s31+$0x0], $0xffff;
	v6 =	vor.u32 $0x27, v1  }
0xce: {  	v18 =	vld.idx.msk [tilespmem:v62+s30+$0x0], $0xffff;
	v2 =	vadd.f32 v3, v2;
	v3 =	vmul.f32 v7, v61  }
0xcf: {  	v19 =	vor.u32 $0x28, v1;
	v7 =	vld.idx.msk [tilespmem:v62+s31+$0x0], $0xffff  }
0xd0: {  	v20 =	vld.idx.msk [tilespmem:v16+s30+$0x0], $0xffff;
	v2 =	vadd.f32 v3, v2;
	v3 =	vmul.f32 v4, v63  }
0xd1: {  	v21 =	vor.u32 $0x29, v1;
	v4 =	vld.idx.msk [tilespmem:v16+s31+$0x0], $0xffff  }
0xd2: {  	v22 =	vld.idx.msk [tilespmem:v6+s30+$0x0], $0xffff;
	v2 =	vadd.f32 v3, v2;
	v3 =	vmul.f32 v5, v17  }
0xd3: {  	v5 =	vld.idx.msk [tilespmem:v6+s31+$0x0], $0xffff;
	v6 =	vor.u32 $0x2A, v1  }
0xd4: {  	v23 =	vld.idx.msk [tilespmem:v19+s30+$0x0], $0xffff;
	v2 =	vadd.f32 v3, v2;
	v3 =	vmul.f32 v7, v18  }
0xd5: {  	v24 =	vor.u32 $0x2B, v1;
	v7 =	vld.idx.msk [tilespmem:v19+s31+$0x0], $0xffff  }
0xd6: {  	v25 =	vld.idx.msk [tilespmem:v21+s30+$0x0], $0xffff;
	v2 =	vadd.f32 v3, v2;
	v3 =	vmul.f32 v4, v20  }
0xd7: {  	v26 =	vor.u32 $0x2C, v1;
	v4 =	vld.idx.msk [tilespmem:v21+s31+$0x0], $0xffff  }
0xd8: {  	v27 =	vld.idx.msk [tilespmem:v6+s30+$0x0], $0xffff;
	v2 =	vadd.f32 v3, v2;
	v3 =	vmul.f32 v5, v22  }
0xd9: {  	v5 =	vld.idx.msk [tilespmem:v6+s31+$0x0], $0xffff;
	v6 =	vor.u32 $0x2D, v1  }
0xda: {  	v28 =	vld.idx.msk [tilespmem:v24+s30+$0x0], $0xffff;
	v2 =	vadd.f32 v3, v2;
	v3 =	vmul.f32 v7, v23  }
0xdb: {  	v29 =	vor.u32 $0x2E, v1;
	v7 =	vld.idx.msk [tilespmem:v24+s31+$0x0], $0xffff  }
0xdc: {  	v30 =	vld.idx.msk [tilespmem:v26+s30+$0x0], $0xffff;
	v2 =	vadd.f32 v3, v2;
	v3 =	vmul.f32 v4, v25  }
0xdd: {  	v31 =	vor.u32 $0x2F, v1;
	v4 =	vld.idx.msk [tilespmem:v26+s31+$0x0], $0xffff  }
0xde: {  	v32 =	vld.idx.msk [tilespmem:v6+s30+$0x0], $0xffff;
	v2 =	vadd.f32 v3, v2;
	v3 =	vmul.f32 v5, v27  }
0xdf: {  	v5 =	vld.idx.msk [tilespmem:v6+s31+$0x0], $0xffff;
	v6 =	vor.u32 $0x30, v1  }
0xe0: {  	v33 =	vld.idx.msk [tilespmem:v29+s30+$0x0], $0xffff;
	v2 =	vadd.f32 v3, v2;
	v3 =	vmul.f32 v7, v28  }
0xe1: {  	v34 =	vor.u32 $0x31, v1;
	v7 =	vld.idx.msk [tilespmem:v29+s31+$0x0], $0xffff  }
0xe2: {  	v35 =	vld.idx.msk [tilespmem:v31+s30+$0x0], $0xffff;
	v2 =	vadd.f32 v3, v2;
	v3 =	vmul.f32 v4, v30  }
0xe3: {  	v36 =	vor.u32 $0x32, v1;
	v4 =	vld.idx.msk [tilespmem:v31+s31+$0x0], $0xffff  }
0xe4: {  	v37 =	vld.idx.msk [tilespmem:v6+s30+$0x0], $0xffff;
	v2 =	vadd.f32 v3, v2;
	v3 =	vmul.f32 v5, v32  }
0xe5: {  	v5 =	vld.idx.msk [tilespmem:v6+s31+$0x0], $0xffff;
	v6 =	vor.u32 $0x33, v1  }
0xe6: {  	v38 =	vld.idx.msk [tilespmem:v34+s30+$0x0], $0xffff;
	v2 =	vadd.f32 v3, v2;
	v3 =	vmul.f32 v7, v33  }
0xe7: {  	v39 =	vor.u32 $0x34, v1;
	v7 =	vld.idx.msk [tilespmem:v34+s31+$0x0], $0xffff  }
0xe8: {  	v40 =	vld.idx.msk [tilespmem:v36+s30+$0x0], $0xffff;
	v2 =	vadd.f32 v3, v2;
	v3 =	vmul.f32 v4, v35  }
0xe9: {  	v41 =	vor.u32 $0x35, v1;
	v4 =	vld.idx.msk [tilespmem:v36+s31+$0x0], $0xffff  }
0xea: {  	v42 =	vld.idx.msk [tilespmem:v6+s30+$0x0], $0xffff;
	v2 =	vadd.f32 v3, v2;
	v3 =	vmul.f32 v5, v37  }
0xeb: {  	v5 =	vld.idx.msk [tilespmem:v6+s31+$0x0], $0xffff;
	v6 =	vor.u32 $0x36, v1  }
0xec: {  	v43 =	vld.idx.msk [tilespmem:v39+s30+$0x0], $0xffff;
	v2 =	vadd.f32 v3, v2;
	v3 =	vmul.f32 v7, v38  }
0xed: {  	v44 =	vor.u32 $0x37, v1;
	v7 =	vld.idx.msk [tilespmem:v39+s31+$0x0], $0xffff  }
0xee: {  	v45 =	vld.idx.msk [tilespmem:v41+s30+$0x0], $0xffff;
	v2 =	vadd.f32 v3, v2;
	v3 =	vmul.f32 v4, v40  }
0xef: {  	v46 =	vor.u32 $0x38, v1;
	v4 =	vld.idx.msk [tilespmem:v41+s31+$0x0], $0xffff  }
0xf0: {  	v47 =	vld.idx.msk [tilespmem:v6+s30+$0x0], $0xffff;
	v2 =	vadd.f32 v3, v2;
	v3 =	vmul.f32 v5, v42  }
0xf1: {  	v5 =	vld.idx.msk [tilespmem:v6+s31+$0x0], $0xffff;
	v6 =	vor.u32 $0x39, v1  }
0xf2: {  	v48 =	vld.idx.msk [tilespmem:v44+s30+$0x0], $0xffff;
	v2 =	vadd.f32 v3, v2;
	v3 =	vmul.f32 v7, v43  }
0xf3: {  	v49 =	vor.u32 $0x3A, v1;
	v7 =	vld.idx.msk [tilespmem:v44+s31+$0x0], $0xffff  }
0xf4: {  	v50 =	vld.idx.msk [tilespmem:v46+s30+$0x0], $0xffff;
	v2 =	vadd.f32 v3, v2;
	v3 =	vmul.f32 v4, v45  }
0xf5: {  	v51 =	vor.u32 $0x3B, v1;
	v4 =	vld.idx.msk [tilespmem:v46+s31+$0x0], $0xffff  }
0xf6: {  	v52 =	vld.idx.msk [tilespmem:v6+s30+$0x0], $0xffff;
	v2 =	vadd.f32 v3, v2;
	v3 =	vmul.f32 v5, v47  }
0xf7: {  	v5 =	vld.idx.msk [tilespmem:v6+s31+$0x0], $0xffff;
	v6 =	vor.u32 $0x3C, v1  }
0xf8: {  	v53 =	vld.idx.msk [tilespmem:v49+s30+$0x0], $0xffff;
	v2 =	vadd.f32 v3, v2;
	v3 =	vmul.f32 v7, v48  }
0xf9: {  	v54 =	vor.u32 $0x3D, v1;
	v7 =	vld.idx.msk [tilespmem:v49+s31+$0x0], $0xffff  }
0xfa: {  	v55 =	vld.idx.msk [tilespmem:v51+s30+$0x0], $0xffff;
	v2 =	vadd.f32 v3, v2;
	v3 =	vmul.f32 v4, v50  }
0xfb: {  	v56 =	vor.u32 $0x3E, v1;
	v4 =	vld.idx.msk [tilespmem:v51+s31+$0x0], $0xffff  }
0xfc: {  	v57 =	vld.idx.msk [tilespmem:v6+s30+$0x0], $0xffff;
	v2 =	vadd.f32 v3, v2;
	v3 =	vmul.f32 v5, v52  }
0xfd: {  	v1 =	vor.u32 $0x3F, v1;
	v5 =	vld.idx.msk [tilespmem:v6+s31+$0x0], $0xffff  }
0xfe: {  	v6 =	vld.idx.msk [tilespmem:v54+s30+$0x0], $0xffff;
	v2 =	vadd.f32 v3, v2;
	v3 =	vmul.f32 v7, v53  }
0xff: {  	v7 =	vld.idx.msk [tilespmem:v54+s31+$0x0], $0xffff  }
0x100: {  	v58 =	vld.idx.msk [tilespmem:v56+s30+$0x0], $0xffff;
	v2 =	vadd.f32 v3, v2;
	v3 =	vmul.f32 v4, v55  }
0x101: {  	v4 =	vld.idx.msk [tilespmem:v56+s31+$0x0], $0xffff  }
0x102: {  	v59 =	vld.idx.msk [tilespmem:v1+s30+$0x0], $0xffff;
	v2 =	vadd.f32 v3, v2;
	v3 =	vmul.f32 v5, v57  }
0x103: {  	v5 =	vld.idx.msk [tilespmem:v1+s31+$0x0], $0xffff  }
0x104: {  	v1 =	vadd.f32 v3, v2;
	v2 =	vmul.f32 v7, v6  }
0x105: {  	s23 =	simm.s32 $0x10  }
0x106: {  	v3 =	vmov s23;
	v4 =	vmul.f32 v4, v58;
	v2 =	vadd.f32 v2, v1  }
0x107: {  	v1 =	vshll.u32 v3, $0x7  }
0x108: {  	v1 =	vor.u32 v0, v1;
	v3 =	vmul.f32 v5, v59;
	v2 =	vadd.f32 v4, v2;
	_ =	sdelay $0x1  }
0x109: {  	v4 =	vor.u32 $0x1, v1;
	v2 =	vadd.f32 v3, v2  }
0x10a: {  	s6 =	simm.s32 $0x10800  }
0x10b: {  	v3 =	vor.u32 $0x2, v1;
	[tilespmem:s6+$0x0] =	vst v2  }
0x10c: {  	v2 =	vld.idx.msk [tilespmem:v1+s31+$0x0], $0xffff  }
0x10d: {  	v6 =	vor.u32 $0x3, v1;
	v5 =	vld.idx.msk [tilespmem:v1+s30+$0x0], $0xffff  }
0x10e: {  	v7 =	vld.idx.msk [tilespmem:v4+s30+$0x0], $0xffff  }
0x10f: {  	v60 =	vor.u32 $0x4, v1;
	v4 =	vld.idx.msk [tilespmem:v4+s31+$0x0], $0xffff  }
0x110: {  	v61 =	vld.idx.msk [tilespmem:v3+s30+$0x0], $0xffff  }
0x111: {  	v62 =	vor.u32 $0x5, v1;
	v3 =	vld.idx.msk [tilespmem:v3+s31+$0x0], $0xffff  }
0x112: {  	v63 =	vld.idx.msk [tilespmem:v6+s30+$0x0], $0xffff;
	v2 =	vmul.f32 v2, v5  }
0x113: {  	v5 =	vld.idx.msk [tilespmem:v6+s31+$0x0], $0xffff;
	v6 =	vor.u32 $0x6, v1  }
0x114: {  	v16 =	vld.idx.msk [tilespmem:v60+s30+$0x0], $0xffff;
	v4 =	vmul.f32 v4, v7;
	v2 =	vadd.f32 $0.0e+00, v2  }
0x115: {  	v17 =	vor.u32 $0x7, v1;
	v7 =	vld.idx.msk [tilespmem:v60+s31+$0x0], $0xffff  }
0x116: {  	v18 =	vld.idx.msk [tilespmem:v62+s30+$0x0], $0xffff;
	v3 =	vmul.f32 v3, v61;
	v2 =	vadd.f32 v4, v2  }
0x117: {  	v19 =	vor.u32 $0x8, v1;
	v4 =	vld.idx.msk [tilespmem:v62+s31+$0x0], $0xffff  }
0x118: {  	v20 =	vld.idx.msk [tilespmem:v6+s30+$0x0], $0xffff;
	v2 =	vadd.f32 v3, v2;
	v3 =	vmul.f32 v5, v63  }
0x119: {  	v5 =	vld.idx.msk [tilespmem:v6+s31+$0x0], $0xffff;
	v6 =	vor.u32 $0x9, v1  }
0x11a: {  	v21 =	vld.idx.msk [tilespmem:v17+s30+$0x0], $0xffff;
	v2 =	vadd.f32 v3, v2;
	v3 =	vmul.f32 v7, v16  }
0x11b: {  	v22 =	vor.u32 $0xA, v1;
	v7 =	vld.idx.msk [tilespmem:v17+s31+$0x0], $0xffff  }
0x11c: {  	v23 =	vld.idx.msk [tilespmem:v19+s30+$0x0], $0xffff;
	v2 =	vadd.f32 v3, v2;
	v3 =	vmul.f32 v4, v18  }
0x11d: {  	v24 =	vor.u32 $0xB, v1;
	v4 =	vld.idx.msk [tilespmem:v19+s31+$0x0], $0xffff  }
0x11e: {  	v25 =	vld.idx.msk [tilespmem:v6+s30+$0x0], $0xffff;
	v2 =	vadd.f32 v3, v2;
	v3 =	vmul.f32 v5, v20  }
0x11f: {  	v5 =	vld.idx.msk [tilespmem:v6+s31+$0x0], $0xffff;
	v6 =	vor.u32 $0xC, v1  }
0x120: {  	v26 =	vld.idx.msk [tilespmem:v22+s30+$0x0], $0xffff;
	v2 =	vadd.f32 v3, v2;
	v3 =	vmul.f32 v7, v21  }
0x121: {  	v27 =	vor.u32 $0xD, v1;
	v7 =	vld.idx.msk [tilespmem:v22+s31+$0x0], $0xffff  }
0x122: {  	v28 =	vld.idx.msk [tilespmem:v24+s30+$0x0], $0xffff;
	v2 =	vadd.f32 v3, v2;
	v3 =	vmul.f32 v4, v23  }
0x123: {  	v29 =	vor.u32 $0xE, v1;
	v4 =	vld.idx.msk [tilespmem:v24+s31+$0x0], $0xffff  }
0x124: {  	v30 =	vld.idx.msk [tilespmem:v6+s30+$0x0], $0xffff;
	v2 =	vadd.f32 v3, v2;
	v3 =	vmul.f32 v5, v25  }
0x125: {  	v5 =	vld.idx.msk [tilespmem:v6+s31+$0x0], $0xffff;
	v6 =	vor.u32 $0xF, v1  }
0x126: {  	v31 =	vld.idx.msk [tilespmem:v27+s30+$0x0], $0xffff;
	v2 =	vadd.f32 v3, v2;
	v3 =	vmul.f32 v7, v26  }
0x127: {  	v32 =	vor.u32 $0x10, v1;
	v7 =	vld.idx.msk [tilespmem:v27+s31+$0x0], $0xffff  }
0x128: {  	v33 =	vld.idx.msk [tilespmem:v29+s30+$0x0], $0xffff;
	v2 =	vadd.f32 v3, v2;
	v3 =	vmul.f32 v4, v28  }
0x129: {  	v34 =	vor.u32 $0x11, v1;
	v4 =	vld.idx.msk [tilespmem:v29+s31+$0x0], $0xffff  }
0x12a: {  	v35 =	vld.idx.msk [tilespmem:v6+s30+$0x0], $0xffff;
	v2 =	vadd.f32 v3, v2;
	v3 =	vmul.f32 v5, v30  }
0x12b: {  	v5 =	vld.idx.msk [tilespmem:v6+s31+$0x0], $0xffff;
	v6 =	vor.u32 $0x12, v1  }
0x12c: {  	v36 =	vld.idx.msk [tilespmem:v32+s30+$0x0], $0xffff;
	v2 =	vadd.f32 v3, v2;
	v3 =	vmul.f32 v7, v31  }
0x12d: {  	v37 =	vor.u32 $0x13, v1;
	v7 =	vld.idx.msk [tilespmem:v32+s31+$0x0], $0xffff  }
0x12e: {  	v38 =	vld.idx.msk [tilespmem:v34+s30+$0x0], $0xffff;
	v2 =	vadd.f32 v3, v2;
	v3 =	vmul.f32 v4, v33  }
0x12f: {  	v39 =	vor.u32 $0x14, v1;
	v4 =	vld.idx.msk [tilespmem:v34+s31+$0x0], $0xffff  }
0x130: {  	v40 =	vld.idx.msk [tilespmem:v6+s30+$0x0], $0xffff;
	v2 =	vadd.f32 v3, v2;
	v3 =	vmul.f32 v5, v35  }
0x131: {  	v5 =	vld.idx.msk [tilespmem:v6+s31+$0x0], $0xffff;
	v6 =	vor.u32 $0x15, v1  }
0x132: {  	v41 =	vld.idx.msk [tilespmem:v37+s30+$0x0], $0xffff;
	v2 =	vadd.f32 v3, v2;
	v3 =	vmul.f32 v7, v36  }
0x133: {  	v42 =	vor.u32 $0x16, v1;
	v7 =	vld.idx.msk [tilespmem:v37+s31+$0x0], $0xffff  }
0x134: {  	v43 =	vld.idx.msk [tilespmem:v39+s30+$0x0], $0xffff;
	v2 =	vadd.f32 v3, v2;
	v3 =	vmul.f32 v4, v38  }
0x135: {  	v44 =	vor.u32 $0x17, v1;
	v4 =	vld.idx.msk [tilespmem:v39+s31+$0x0], $0xffff  }
0x136: {  	v45 =	vld.idx.msk [tilespmem:v6+s30+$0x0], $0xffff;
	v2 =	vadd.f32 v3, v2;
	v3 =	vmul.f32 v5, v40  }
0x137: {  	v5 =	vld.idx.msk [tilespmem:v6+s31+$0x0], $0xffff;
	v6 =	vor.u32 $0x18, v1  }
0x138: {  	v46 =	vld.idx.msk [tilespmem:v42+s30+$0x0], $0xffff;
	v2 =	vadd.f32 v3, v2;
	v3 =	vmul.f32 v7, v41  }
0x139: {  	v47 =	vor.u32 $0x19, v1;
	v7 =	vld.idx.msk [tilespmem:v42+s31+$0x0], $0xffff  }
0x13a: {  	v48 =	vld.idx.msk [tilespmem:v44+s30+$0x0], $0xffff;
	v2 =	vadd.f32 v3, v2;
	v3 =	vmul.f32 v4, v43  }
0x13b: {  	v49 =	vor.u32 $0x1A, v1;
	v4 =	vld.idx.msk [tilespmem:v44+s31+$0x0], $0xffff  }
0x13c: {  	v50 =	vld.idx.msk [tilespmem:v6+s30+$0x0], $0xffff;
	v2 =	vadd.f32 v3, v2;
	v3 =	vmul.f32 v5, v45  }
0x13d: {  	v5 =	vld.idx.msk [tilespmem:v6+s31+$0x0], $0xffff;
	v6 =	vor.u32 $0x1B, v1  }
0x13e: {  	v51 =	vld.idx.msk [tilespmem:v47+s30+$0x0], $0xffff;
	v2 =	vadd.f32 v3, v2;
	v3 =	vmul.f32 v7, v46  }
0x13f: {  	v52 =	vor.u32 $0x1C, v1;
	v7 =	vld.idx.msk [tilespmem:v47+s31+$0x0], $0xffff  }
0x140: {  	v53 =	vld.idx.msk [tilespmem:v49+s30+$0x0], $0xffff;
	v2 =	vadd.f32 v3, v2;
	v3 =	vmul.f32 v4, v48  }
0x141: {  	v54 =	vor.u32 $0x1D, v1;
	v4 =	vld.idx.msk [tilespmem:v49+s31+$0x0], $0xffff  }
0x142: {  	v55 =	vld.idx.msk [tilespmem:v6+s30+$0x0], $0xffff;
	v2 =	vadd.f32 v3, v2;
	v3 =	vmul.f32 v5, v50  }
0x143: {  	v5 =	vld.idx.msk [tilespmem:v6+s31+$0x0], $0xffff;
	v6 =	vor.u32 $0x1E, v1  }
0x144: {  	v56 =	vld.idx.msk [tilespmem:v52+s30+$0x0], $0xffff;
	v2 =	vadd.f32 v3, v2;
	v3 =	vmul.f32 v7, v51  }
0x145: {  	v57 =	vor.u32 $0x1F, v1;
	v7 =	vld.idx.msk [tilespmem:v52+s31+$0x0], $0xffff  }
0x146: {  	v58 =	vld.idx.msk [tilespmem:v54+s30+$0x0], $0xffff;
	v2 =	vadd.f32 v3, v2;
	v3 =	vmul.f32 v4, v53  }
0x147: {  	v59 =	vor.u32 $0x20, v1;
	v4 =	vld.idx.msk [tilespmem:v54+s31+$0x0], $0xffff  }
0x148: {  	v60 =	vld.idx.msk [tilespmem:v6+s30+$0x0], $0xffff;
	v2 =	vadd.f32 v3, v2;
	v3 =	vmul.f32 v5, v55  }
0x149: {  	v5 =	vld.idx.msk [tilespmem:v6+s31+$0x0], $0xffff;
	v6 =	vor.u32 $0x21, v1  }
0x14a: {  	v61 =	vld.idx.msk [tilespmem:v57+s30+$0x0], $0xffff;
	v2 =	vadd.f32 v3, v2;
	v3 =	vmul.f32 v7, v56  }
0x14b: {  	v62 =	vor.u32 $0x22, v1;
	v7 =	vld.idx.msk [tilespmem:v57+s31+$0x0], $0xffff  }
0x14c: {  	v63 =	vld.idx.msk [tilespmem:v59+s30+$0x0], $0xffff;
	v2 =	vadd.f32 v3, v2;
	v3 =	vmul.f32 v4, v58  }
0x14d: {  	v16 =	vor.u32 $0x23, v1;
	v4 =	vld.idx.msk [tilespmem:v59+s31+$0x0], $0xffff  }
0x14e: {  	v17 =	vld.idx.msk [tilespmem:v6+s30+$0x0], $0xffff;
	v2 =	vadd.f32 v3, v2;
	v3 =	vmul.f32 v5, v60  }
0x14f: {  	v5 =	vld.idx.msk [tilespmem:v6+s31+$0x0], $0xffff;
	v6 =	vor.u32 $0x24, v1  }
0x150: {  	v18 =	vld.idx.msk [tilespmem:v62+s30+$0x0], $0xffff;
	v2 =	vadd.f32 v3, v2;
	v3 =	vmul.f32 v7, v61  }
0x151: {  	v19 =	vor.u32 $0x25, v1;
	v7 =	vld.idx.msk [tilespmem:v62+s31+$0x0], $0xffff  }
0x152: {  	v20 =	vld.idx.msk [tilespmem:v16+s30+$0x0], $0xffff;
	v2 =	vadd.f32 v3, v2;
	v3 =	vmul.f32 v4, v63  }
0x153: {  	v21 =	vor.u32 $0x26, v1;
	v4 =	vld.idx.msk [tilespmem:v16+s31+$0x0], $0xffff  }
0x154: {  	v22 =	vld.idx.msk [tilespmem:v6+s30+$0x0], $0xffff;
	v2 =	vadd.f32 v3, v2;
	v3 =	vmul.f32 v5, v17  }
0x155: {  	v5 =	vld.idx.msk [tilespmem:v6+s31+$0x0], $0xffff;
	v6 =	vor.u32 $0x27, v1  }
0x156: {  	v23 =	vld.idx.msk [tilespmem:v19+s30+$0x0], $0xffff;
	v2 =	vadd.f32 v3, v2;
	v3 =	vmul.f32 v7, v18  }
0x157: {  	v24 =	vor.u32 $0x28, v1;
	v7 =	vld.idx.msk [tilespmem:v19+s31+$0x0], $0xffff  }
0x158: {  	v25 =	vld.idx.msk [tilespmem:v21+s30+$0x0], $0xffff;
	v2 =	vadd.f32 v3, v2;
	v3 =	vmul.f32 v4, v20  }
0x159: {  	v26 =	vor.u32 $0x29, v1;
	v4 =	vld.idx.msk [tilespmem:v21+s31+$0x0], $0xffff  }
0x15a: {  	v27 =	vld.idx.msk [tilespmem:v6+s30+$0x0], $0xffff;
	v2 =	vadd.f32 v3, v2;
	v3 =	vmul.f32 v5, v22  }
0x15b: {  	v5 =	vld.idx.msk [tilespmem:v6+s31+$0x0], $0xffff;
	v6 =	vor.u32 $0x2A, v1  }
0x15c: {  	v28 =	vld.idx.msk [tilespmem:v24+s30+$0x0], $0xffff;
	v2 =	vadd.f32 v3, v2;
	v3 =	vmul.f32 v7, v23  }
0x15d: {  	v29 =	vor.u32 $0x2B, v1;
	v7 =	vld.idx.msk [tilespmem:v24+s31+$0x0], $0xffff  }
0x15e: {  	v30 =	vld.idx.msk [tilespmem:v26+s30+$0x0], $0xffff;
	v2 =	vadd.f32 v3, v2;
	v3 =	vmul.f32 v4, v25  }
0x15f: {  	v31 =	vor.u32 $0x2C, v1;
	v4 =	vld.idx.msk [tilespmem:v26+s31+$0x0], $0xffff  }
0x160: {  	v32 =	vld.idx.msk [tilespmem:v6+s30+$0x0], $0xffff;
	v2 =	vadd.f32 v3, v2;
	v3 =	vmul.f32 v5, v27  }
0x161: {  	v5 =	vld.idx.msk [tilespmem:v6+s31+$0x0], $0xffff;
	v6 =	vor.u32 $0x2D, v1  }
0x162: {  	v33 =	vld.idx.msk [tilespmem:v29+s30+$0x0], $0xffff;
	v2 =	vadd.f32 v3, v2;
	v3 =	vmul.f32 v7, v28  }
0x163: {  	v34 =	vor.u32 $0x2E, v1;
	v7 =	vld.idx.msk [tilespmem:v29+s31+$0x0], $0xffff  }
0x164: {  	v35 =	vld.idx.msk [tilespmem:v31+s30+$0x0], $0xffff;
	v2 =	vadd.f32 v3, v2;
	v3 =	vmul.f32 v4, v30  }
0x165: {  	v36 =	vor.u32 $0x2F, v1;
	v4 =	vld.idx.msk [tilespmem:v31+s31+$0x0], $0xffff  }
0x166: {  	v37 =	vld.idx.msk [tilespmem:v6+s30+$0x0], $0xffff;
	v2 =	vadd.f32 v3, v2;
	v3 =	vmul.f32 v5, v32  }
0x167: {  	v5 =	vld.idx.msk [tilespmem:v6+s31+$0x0], $0xffff;
	v6 =	vor.u32 $0x30, v1  }
0x168: {  	v38 =	vld.idx.msk [tilespmem:v34+s30+$0x0], $0xffff;
	v2 =	vadd.f32 v3, v2;
	v3 =	vmul.f32 v7, v33  }
0x169: {  	v39 =	vor.u32 $0x31, v1;
	v7 =	vld.idx.msk [tilespmem:v34+s31+$0x0], $0xffff  }
0x16a: {  	v40 =	vld.idx.msk [tilespmem:v36+s30+$0x0], $0xffff;
	v2 =	vadd.f32 v3, v2;
	v3 =	vmul.f32 v4, v35  }
0x16b: {  	v41 =	vor.u32 $0x32, v1;
	v4 =	vld.idx.msk [tilespmem:v36+s31+$0x0], $0xffff  }
0x16c: {  	v42 =	vld.idx.msk [tilespmem:v6+s30+$0x0], $0xffff;
	v2 =	vadd.f32 v3, v2;
	v3 =	vmul.f32 v5, v37  }
0x16d: {  	v5 =	vld.idx.msk [tilespmem:v6+s31+$0x0], $0xffff;
	v6 =	vor.u32 $0x33, v1  }
0x16e: {  	v43 =	vld.idx.msk [tilespmem:v39+s30+$0x0], $0xffff;
	v2 =	vadd.f32 v3, v2;
	v3 =	vmul.f32 v7, v38  }
0x16f: {  	v44 =	vor.u32 $0x34, v1;
	v7 =	vld.idx.msk [tilespmem:v39+s31+$0x0], $0xffff  }
0x170: {  	v45 =	vld.idx.msk [tilespmem:v41+s30+$0x0], $0xffff;
	v2 =	vadd.f32 v3, v2;
	v3 =	vmul.f32 v4, v40  }
0x171: {  	v46 =	vor.u32 $0x35, v1;
	v4 =	vld.idx.msk [tilespmem:v41+s31+$0x0], $0xffff  }
0x172: {  	v47 =	vld.idx.msk [tilespmem:v6+s30+$0x0], $0xffff;
	v2 =	vadd.f32 v3, v2;
	v3 =	vmul.f32 v5, v42  }
0x173: {  	v5 =	vld.idx.msk [tilespmem:v6+s31+$0x0], $0xffff;
	v6 =	vor.u32 $0x36, v1  }
0x174: {  	v48 =	vld.idx.msk [tilespmem:v44+s30+$0x0], $0xffff;
	v2 =	vadd.f32 v3, v2;
	v3 =	vmul.f32 v7, v43  }
0x175: {  	v49 =	vor.u32 $0x37, v1;
	v7 =	vld.idx.msk [tilespmem:v44+s31+$0x0], $0xffff  }
0x176: {  	v50 =	vld.idx.msk [tilespmem:v46+s30+$0x0], $0xffff;
	v2 =	vadd.f32 v3, v2;
	v3 =	vmul.f32 v4, v45  }
0x177: {  	v51 =	vor.u32 $0x38, v1;
	v4 =	vld.idx.msk [tilespmem:v46+s31+$0x0], $0xffff  }
0x178: {  	v52 =	vld.idx.msk [tilespmem:v6+s30+$0x0], $0xffff;
	v2 =	vadd.f32 v3, v2;
	v3 =	vmul.f32 v5, v47  }
0x179: {  	v5 =	vld.idx.msk [tilespmem:v6+s31+$0x0], $0xffff;
	v6 =	vor.u32 $0x39, v1  }
0x17a: {  	v53 =	vld.idx.msk [tilespmem:v49+s30+$0x0], $0xffff;
	v2 =	vadd.f32 v3, v2;
	v3 =	vmul.f32 v7, v48  }
0x17b: {  	v54 =	vor.u32 $0x3A, v1;
	v7 =	vld.idx.msk [tilespmem:v49+s31+$0x0], $0xffff  }
0x17c: {  	v55 =	vld.idx.msk [tilespmem:v51+s30+$0x0], $0xffff;
	v2 =	vadd.f32 v3, v2;
	v3 =	vmul.f32 v4, v50  }
0x17d: {  	v56 =	vor.u32 $0x3B, v1;
	v4 =	vld.idx.msk [tilespmem:v51+s31+$0x0], $0xffff  }
0x17e: {  	v57 =	vld.idx.msk [tilespmem:v6+s30+$0x0], $0xffff;
	v2 =	vadd.f32 v3, v2;
	v3 =	vmul.f32 v5, v52  }
0x17f: {  	v5 =	vld.idx.msk [tilespmem:v6+s31+$0x0], $0xffff;
	v6 =	vor.u32 $0x3C, v1  }
0x180: {  	v58 =	vld.idx.msk [tilespmem:v54+s30+$0x0], $0xffff;
	v2 =	vadd.f32 v3, v2;
	v3 =	vmul.f32 v7, v53  }
0x181: {  	v7 =	vld.idx.msk [tilespmem:v54+s31+$0x0], $0xffff  }
0x182: {  	v60 =	vld.idx.msk [tilespmem:v56+s30+$0x0], $0xffff;
	v2 =	vadd.f32 v3, v2;
	v3 =	vmul.f32 v4, v55  }
0x183: {  	v59 =	vor.u32 $0x3D, v1;
	v4 =	vld.idx.msk [tilespmem:v56+s31+$0x0], $0xffff  }
0x184: {  	v62 =	vld.idx.msk [tilespmem:v6+s30+$0x0], $0xffff;
	v2 =	vadd.f32 v3, v2;
	v3 =	vmul.f32 v5, v57  }
0x185: {  	v61 =	vor.u32 $0x3E, v1;
	v5 =	vld.idx.msk [tilespmem:v6+s31+$0x0], $0xffff  }
0x186: {  	v2 =	vadd.f32 v3, v2;
	v3 =	vmul.f32 v7, v58  }
0x187: {  	v1 =	vor.u32 $0x3F, v1  }
0x188: {  	v6 =	vld.idx.msk [tilespmem:v59+s30+$0x0], $0xffff;
	v2 =	vadd.f32 v3, v2;
	v3 =	vmul.f32 v4, v60  }
0x189: {  	v7 =	vld.idx.msk [tilespmem:v59+s31+$0x0], $0xffff  }
0x18a: {  	v63 =	vld.idx.msk [tilespmem:v61+s30+$0x0], $0xffff;
	v2 =	vadd.f32 v3, v2;
	v3 =	vmul.f32 v5, v62  }
0x18b: {  	v9 =	vld.idx.msk [tilespmem:v61+s31+$0x0], $0xffff  }
0x18c: {  	v4 =	vadd.f32 v3, v2;
	v2 =	vld.idx.msk [tilespmem:v1+s30+$0x0], $0xffff  }
0x18d: {  	v3 =	vld.idx.msk [tilespmem:v1+s31+$0x0], $0xffff  }
0x18e: {  	v5 =	vmul.f32 v7, v6  }
0x18f: {  	s9 =	simm.s32 $0x20  }
0x190: {  	v6 =	vmov s9;
	v4 =	vadd.f32 v5, v4;
	v5 =	vmul.f32 v9, v63  }
0x191: {  	s9 =	simm.s32 $0x30;
	v1 =	vshll.u32 v6, $0x7  }
.LBB2_4:
0x192: {  	p0 =	sne.s32 s9, $0xF0;
	v1 =	vor.u32 v0, v1;
	v4 =	vadd.f32 v5, v4;
	v2 =	vmul.f32 v3, v2;
	_ =	sdelay $0x1  }
0x193: {  	v3 =	vor.u32 $0x1, v1;
	v2 =	vadd.f32 v2, v4  }
0x194: {  	s6 =	sadd.s32 $0x10, s6  }
0x195: {  	v4 =	vor.u32 $0x2, v1;
	[tilespmem:s6+$0x0] =	vst v2  }
0x196: {  	v2 =	vld.idx.msk [tilespmem:v1+s31+$0x0], $0xffff  }
0x197: {  	v6 =	vor.u32 $0x3, v1;
	v5 =	vld.idx.msk [tilespmem:v1+s30+$0x0], $0xffff  }
0x198: {  	v7 =	vld.idx.msk [tilespmem:v3+s30+$0x0], $0xffff  }
0x199: {  	v8 =	vor.u32 $0x4, v1;
	v3 =	vld.idx.msk [tilespmem:v3+s31+$0x0], $0xffff  }
0x19a: {  	v9 =	vld.idx.msk [tilespmem:v4+s30+$0x0], $0xffff  }
0x19b: {  	v10 =	vor.u32 $0x5, v1;
	v4 =	vld.idx.msk [tilespmem:v4+s31+$0x0], $0xffff  }
0x19c: {  	v11 =	vld.idx.msk [tilespmem:v6+s30+$0x0], $0xffff  }
0x19d: {  	v2 =	vmul.f32 v2, v5;
	v5 =	vld.idx.msk [tilespmem:v6+s31+$0x0], $0xffff;
	v6 =	vor.u32 $0x6, v1  }
0x19e: {  	v12 =	vld.idx.msk [tilespmem:v8+s30+$0x0], $0xffff  }
0x19f: {  	v2 =	vadd.f32 $0.0e+00, v2;
	v3 =	vmul.f32 v3, v7;
	v7 =	vld.idx.msk [tilespmem:v8+s31+$0x0], $0xffff;
	v8 =	vor.u32 $0x7, v1  }
0x1a0: {  	v13 =	vld.idx.msk [tilespmem:v10+s30+$0x0], $0xffff  }
0x1a1: {  	v2 =	vadd.f32 v3, v2;
	v3 =	vmul.f32 v4, v9;
	v9 =	vor.u32 $0x8, v1;
	v4 =	vld.idx.msk [tilespmem:v10+s31+$0x0], $0xffff  }
0x1a2: {  	v10 =	vld.idx.msk [tilespmem:v6+s30+$0x0], $0xffff  }
0x1a3: {  	v2 =	vadd.f32 v3, v2;
	v3 =	vmul.f32 v5, v11;
	v5 =	vld.idx.msk [tilespmem:v6+s31+$0x0], $0xffff;
	v6 =	vor.u32 $0x9, v1  }
0x1a4: {  	v11 =	vld.idx.msk [tilespmem:v8+s30+$0x0], $0xffff  }
0x1a5: {  	v2 =	vadd.f32 v3, v2;
	v3 =	vmul.f32 v7, v12;
	v7 =	vld.idx.msk [tilespmem:v8+s31+$0x0], $0xffff;
	v8 =	vor.u32 $0xA, v1  }
0x1a6: {  	v12 =	vld.idx.msk [tilespmem:v9+s30+$0x0], $0xffff  }
0x1a7: {  	v2 =	vadd.f32 v3, v2;
	v3 =	vmul.f32 v4, v13;
	v4 =	vld.idx.msk [tilespmem:v9+s31+$0x0], $0xffff;
	v9 =	vor.u32 $0xB, v1  }
0x1a8: {  	v13 =	vld.idx.msk [tilespmem:v6+s30+$0x0], $0xffff  }
0x1a9: {  	v2 =	vadd.f32 v3, v2;
	v3 =	vmul.f32 v5, v10;
	v5 =	vld.idx.msk [tilespmem:v6+s31+$0x0], $0xffff;
	v6 =	vor.u32 $0xC, v1  }
0x1aa: {  	v10 =	vld.idx.msk [tilespmem:v8+s30+$0x0], $0xffff  }
0x1ab: {  	v2 =	vadd.f32 v3, v2;
	v3 =	vmul.f32 v7, v11;
	v7 =	vld.idx.msk [tilespmem:v8+s31+$0x0], $0xffff;
	v8 =	vor.u32 $0xD, v1  }
0x1ac: {  	v11 =	vld.idx.msk [tilespmem:v9+s30+$0x0], $0xffff  }
0x1ad: {  	v2 =	vadd.f32 v3, v2;
	v3 =	vmul.f32 v4, v12;
	v4 =	vld.idx.msk [tilespmem:v9+s31+$0x0], $0xffff;
	v9 =	vor.u32 $0xE, v1  }
0x1ae: {  	v12 =	vld.idx.msk [tilespmem:v6+s30+$0x0], $0xffff  }
0x1af: {  	v2 =	vadd.f32 v3, v2;
	v3 =	vmul.f32 v5, v13;
	v5 =	vld.idx.msk [tilespmem:v6+s31+$0x0], $0xffff;
	v6 =	vor.u32 $0xF, v1  }
0x1b0: {  	v13 =	vld.idx.msk [tilespmem:v8+s30+$0x0], $0xffff  }
0x1b1: {  	v2 =	vadd.f32 v3, v2;
	v3 =	vmul.f32 v7, v10;
	v7 =	vld.idx.msk [tilespmem:v8+s31+$0x0], $0xffff;
	v8 =	vor.u32 $0x10, v1  }
0x1b2: {  	v10 =	vld.idx.msk [tilespmem:v9+s30+$0x0], $0xffff  }
0x1b3: {  	v2 =	vadd.f32 v3, v2;
	v3 =	vmul.f32 v4, v11;
	v4 =	vld.idx.msk [tilespmem:v9+s31+$0x0], $0xffff;
	v9 =	vor.u32 $0x11, v1  }
0x1b4: {  	v11 =	vld.idx.msk [tilespmem:v6+s30+$0x0], $0xffff  }
0x1b5: {  	v2 =	vadd.f32 v3, v2;
	v3 =	vmul.f32 v5, v12;
	v5 =	vld.idx.msk [tilespmem:v6+s31+$0x0], $0xffff;
	v6 =	vor.u32 $0x12, v1  }
0x1b6: {  	v12 =	vld.idx.msk [tilespmem:v8+s30+$0x0], $0xffff  }
0x1b7: {  	v2 =	vadd.f32 v3, v2;
	v3 =	vmul.f32 v7, v13;
	v7 =	vld.idx.msk [tilespmem:v8+s31+$0x0], $0xffff;
	v8 =	vor.u32 $0x13, v1  }
0x1b8: {  	v13 =	vld.idx.msk [tilespmem:v9+s30+$0x0], $0xffff  }
0x1b9: {  	v2 =	vadd.f32 v3, v2;
	v3 =	vmul.f32 v4, v10;
	v4 =	vld.idx.msk [tilespmem:v9+s31+$0x0], $0xffff;
	v9 =	vor.u32 $0x14, v1  }
0x1ba: {  	v10 =	vld.idx.msk [tilespmem:v6+s30+$0x0], $0xffff  }
0x1bb: {  	v2 =	vadd.f32 v3, v2;
	v3 =	vmul.f32 v5, v11;
	v5 =	vld.idx.msk [tilespmem:v6+s31+$0x0], $0xffff;
	v6 =	vor.u32 $0x15, v1  }
0x1bc: {  	v11 =	vld.idx.msk [tilespmem:v8+s30+$0x0], $0xffff  }
0x1bd: {  	v2 =	vadd.f32 v3, v2;
	v3 =	vmul.f32 v7, v12;
	v7 =	vld.idx.msk [tilespmem:v8+s31+$0x0], $0xffff;
	v8 =	vor.u32 $0x16, v1  }
0x1be: {  	v12 =	vld.idx.msk [tilespmem:v9+s30+$0x0], $0xffff  }
0x1bf: {  	v2 =	vadd.f32 v3, v2;
	v3 =	vmul.f32 v4, v13;
	v4 =	vld.idx.msk [tilespmem:v9+s31+$0x0], $0xffff;
	v9 =	vor.u32 $0x17, v1  }
0x1c0: {  	v13 =	vld.idx.msk [tilespmem:v6+s30+$0x0], $0xffff  }
0x1c1: {  	v2 =	vadd.f32 v3, v2;
	v3 =	vmul.f32 v5, v10;
	v5 =	vld.idx.msk [tilespmem:v6+s31+$0x0], $0xffff;
	v6 =	vor.u32 $0x18, v1  }
0x1c2: {  	v10 =	vld.idx.msk [tilespmem:v8+s30+$0x0], $0xffff  }
0x1c3: {  	v2 =	vadd.f32 v3, v2;
	v3 =	vmul.f32 v7, v11;
	v7 =	vld.idx.msk [tilespmem:v8+s31+$0x0], $0xffff;
	v8 =	vor.u32 $0x19, v1  }
0x1c4: {  	v11 =	vld.idx.msk [tilespmem:v9+s30+$0x0], $0xffff  }
0x1c5: {  	v2 =	vadd.f32 v3, v2;
	v3 =	vmul.f32 v4, v12;
	v4 =	vld.idx.msk [tilespmem:v9+s31+$0x0], $0xffff;
	v9 =	vor.u32 $0x1A, v1  }
0x1c6: {  	v12 =	vld.idx.msk [tilespmem:v6+s30+$0x0], $0xffff  }
0x1c7: {  	v2 =	vadd.f32 v3, v2;
	v3 =	vmul.f32 v5, v13;
	v5 =	vld.idx.msk [tilespmem:v6+s31+$0x0], $0xffff;
	v6 =	vor.u32 $0x1B, v1  }
0x1c8: {  	v13 =	vld.idx.msk [tilespmem:v8+s30+$0x0], $0xffff  }
0x1c9: {  	v2 =	vadd.f32 v3, v2;
	v3 =	vmul.f32 v7, v10;
	v7 =	vld.idx.msk [tilespmem:v8+s31+$0x0], $0xffff;
	v8 =	vor.u32 $0x1C, v1  }
0x1ca: {  	v10 =	vld.idx.msk [tilespmem:v9+s30+$0x0], $0xffff  }
0x1cb: {  	v2 =	vadd.f32 v3, v2;
	v3 =	vmul.f32 v4, v11;
	v4 =	vld.idx.msk [tilespmem:v9+s31+$0x0], $0xffff;
	v9 =	vor.u32 $0x1D, v1  }
0x1cc: {  	v11 =	vld.idx.msk [tilespmem:v6+s30+$0x0], $0xffff  }
0x1cd: {  	v2 =	vadd.f32 v3, v2;
	v3 =	vmul.f32 v5, v12;
	v5 =	vld.idx.msk [tilespmem:v6+s31+$0x0], $0xffff;
	v6 =	vor.u32 $0x1E, v1  }
0x1ce: {  	v12 =	vld.idx.msk [tilespmem:v8+s30+$0x0], $0xffff  }
0x1cf: {  	v2 =	vadd.f32 v3, v2;
	v3 =	vmul.f32 v7, v13;
	v7 =	vld.idx.msk [tilespmem:v8+s31+$0x0], $0xffff;
	v8 =	vor.u32 $0x1F, v1  }
0x1d0: {  	v13 =	vld.idx.msk [tilespmem:v9+s30+$0x0], $0xffff  }
0x1d1: {  	v2 =	vadd.f32 v3, v2;
	v3 =	vmul.f32 v4, v10;
	v4 =	vld.idx.msk [tilespmem:v9+s31+$0x0], $0xffff;
	v9 =	vor.u32 $0x20, v1  }
0x1d2: {  	v10 =	vld.idx.msk [tilespmem:v6+s30+$0x0], $0xffff  }
0x1d3: {  	v2 =	vadd.f32 v3, v2;
	v3 =	vmul.f32 v5, v11;
	v5 =	vld.idx.msk [tilespmem:v6+s31+$0x0], $0xffff;
	v6 =	vor.u32 $0x21, v1  }
0x1d4: {  	v11 =	vld.idx.msk [tilespmem:v8+s30+$0x0], $0xffff  }
0x1d5: {  	v2 =	vadd.f32 v3, v2;
	v3 =	vmul.f32 v7, v12;
	v7 =	vld.idx.msk [tilespmem:v8+s31+$0x0], $0xffff;
	v8 =	vor.u32 $0x22, v1  }
0x1d6: {  	v12 =	vld.idx.msk [tilespmem:v9+s30+$0x0], $0xffff  }
0x1d7: {  	v2 =	vadd.f32 v3, v2;
	v3 =	vmul.f32 v4, v13;
	v4 =	vld.idx.msk [tilespmem:v9+s31+$0x0], $0xffff;
	v9 =	vor.u32 $0x23, v1  }
0x1d8: {  	v13 =	vld.idx.msk [tilespmem:v6+s30+$0x0], $0xffff  }
0x1d9: {  	v2 =	vadd.f32 v3, v2;
	v3 =	vmul.f32 v5, v10;
	v5 =	vld.idx.msk [tilespmem:v6+s31+$0x0], $0xffff;
	v6 =	vor.u32 $0x24, v1  }
0x1da: {  	v10 =	vld.idx.msk [tilespmem:v8+s30+$0x0], $0xffff  }
0x1db: {  	v2 =	vadd.f32 v3, v2;
	v3 =	vmul.f32 v7, v11;
	v7 =	vld.idx.msk [tilespmem:v8+s31+$0x0], $0xffff;
	v8 =	vor.u32 $0x25, v1  }
0x1dc: {  	v11 =	vld.idx.msk [tilespmem:v9+s30+$0x0], $0xffff  }
0x1dd: {  	v2 =	vadd.f32 v3, v2;
	v3 =	vmul.f32 v4, v12;
	v4 =	vld.idx.msk [tilespmem:v9+s31+$0x0], $0xffff;
	v9 =	vor.u32 $0x26, v1  }
0x1de: {  	v12 =	vld.idx.msk [tilespmem:v6+s30+$0x0], $0xffff  }
0x1df: {  	v2 =	vadd.f32 v3, v2;
	v3 =	vmul.f32 v5, v13;
	v5 =	vld.idx.msk [tilespmem:v6+s31+$0x0], $0xffff;
	v6 =	vor.u32 $0x27, v1  }
0x1e0: {  	v13 =	vld.idx.msk [tilespmem:v8+s30+$0x0], $0xffff  }
0x1e1: {  	v2 =	vadd.f32 v3, v2;
	v3 =	vmul.f32 v7, v10;
	v7 =	vld.idx.msk [tilespmem:v8+s31+$0x0], $0xffff;
	v8 =	vor.u32 $0x28, v1  }
0x1e2: {  	v10 =	vld.idx.msk [tilespmem:v9+s30+$0x0], $0xffff  }
0x1e3: {  	v2 =	vadd.f32 v3, v2;
	v3 =	vmul.f32 v4, v11;
	v4 =	vld.idx.msk [tilespmem:v9+s31+$0x0], $0xffff;
	v9 =	vor.u32 $0x29, v1  }
0x1e4: {  	v11 =	vld.idx.msk [tilespmem:v6+s30+$0x0], $0xffff  }
0x1e5: {  	v2 =	vadd.f32 v3, v2;
	v3 =	vmul.f32 v5, v12;
	v5 =	vld.idx.msk [tilespmem:v6+s31+$0x0], $0xffff;
	v6 =	vor.u32 $0x2A, v1  }
0x1e6: {  	v12 =	vld.idx.msk [tilespmem:v8+s30+$0x0], $0xffff  }
0x1e7: {  	v2 =	vadd.f32 v3, v2;
	v3 =	vmul.f32 v7, v13;
	v7 =	vld.idx.msk [tilespmem:v8+s31+$0x0], $0xffff;
	v8 =	vor.u32 $0x2B, v1  }
0x1e8: {  	v13 =	vld.idx.msk [tilespmem:v9+s30+$0x0], $0xffff  }
0x1e9: {  	v2 =	vadd.f32 v3, v2;
	v3 =	vmul.f32 v4, v10;
	v4 =	vld.idx.msk [tilespmem:v9+s31+$0x0], $0xffff;
	v9 =	vor.u32 $0x2C, v1  }
0x1ea: {  	v10 =	vld.idx.msk [tilespmem:v6+s30+$0x0], $0xffff  }
0x1eb: {  	v2 =	vadd.f32 v3, v2;
	v3 =	vmul.f32 v5, v11;
	v5 =	vld.idx.msk [tilespmem:v6+s31+$0x0], $0xffff;
	v6 =	vor.u32 $0x2D, v1  }
0x1ec: {  	v11 =	vld.idx.msk [tilespmem:v8+s30+$0x0], $0xffff  }
0x1ed: {  	v2 =	vadd.f32 v3, v2;
	v3 =	vmul.f32 v7, v12;
	v7 =	vld.idx.msk [tilespmem:v8+s31+$0x0], $0xffff;
	v8 =	vor.u32 $0x2E, v1  }
0x1ee: {  	v12 =	vld.idx.msk [tilespmem:v9+s30+$0x0], $0xffff  }
0x1ef: {  	v2 =	vadd.f32 v3, v2;
	v3 =	vmul.f32 v4, v13;
	v4 =	vld.idx.msk [tilespmem:v9+s31+$0x0], $0xffff;
	v9 =	vor.u32 $0x2F, v1  }
0x1f0: {  	v13 =	vld.idx.msk [tilespmem:v6+s30+$0x0], $0xffff  }
0x1f1: {  	v2 =	vadd.f32 v3, v2;
	v3 =	vmul.f32 v5, v10;
	v5 =	vld.idx.msk [tilespmem:v6+s31+$0x0], $0xffff;
	v6 =	vor.u32 $0x30, v1  }
0x1f2: {  	v10 =	vld.idx.msk [tilespmem:v8+s30+$0x0], $0xffff  }
0x1f3: {  	v2 =	vadd.f32 v3, v2;
	v3 =	vmul.f32 v7, v11;
	v7 =	vld.idx.msk [tilespmem:v8+s31+$0x0], $0xffff;
	v8 =	vor.u32 $0x31, v1  }
0x1f4: {  	v11 =	vld.idx.msk [tilespmem:v9+s30+$0x0], $0xffff  }
0x1f5: {  	v2 =	vadd.f32 v3, v2;
	v3 =	vmul.f32 v4, v12;
	v4 =	vld.idx.msk [tilespmem:v9+s31+$0x0], $0xffff;
	v9 =	vor.u32 $0x32, v1  }
0x1f6: {  	v12 =	vld.idx.msk [tilespmem:v6+s30+$0x0], $0xffff  }
0x1f7: {  	v2 =	vadd.f32 v3, v2;
	v3 =	vmul.f32 v5, v13;
	v5 =	vld.idx.msk [tilespmem:v6+s31+$0x0], $0xffff;
	v6 =	vor.u32 $0x33, v1  }
0x1f8: {  	v13 =	vld.idx.msk [tilespmem:v8+s30+$0x0], $0xffff  }
0x1f9: {  	v2 =	vadd.f32 v3, v2;
	v3 =	vmul.f32 v7, v10;
	v7 =	vld.idx.msk [tilespmem:v8+s31+$0x0], $0xffff;
	v8 =	vor.u32 $0x34, v1  }
0x1fa: {  	v10 =	vld.idx.msk [tilespmem:v9+s30+$0x0], $0xffff  }
0x1fb: {  	v2 =	vadd.f32 v3, v2;
	v3 =	vmul.f32 v4, v11;
	v4 =	vld.idx.msk [tilespmem:v9+s31+$0x0], $0xffff;
	v9 =	vor.u32 $0x35, v1  }
0x1fc: {  	v11 =	vld.idx.msk [tilespmem:v6+s30+$0x0], $0xffff  }
0x1fd: {  	v2 =	vadd.f32 v3, v2;
	v3 =	vmul.f32 v5, v12;
	v5 =	vld.idx.msk [tilespmem:v6+s31+$0x0], $0xffff;
	v6 =	vor.u32 $0x36, v1  }
0x1fe: {  	v12 =	vld.idx.msk [tilespmem:v8+s30+$0x0], $0xffff  }
0x1ff: {  	v2 =	vadd.f32 v3, v2;
	v3 =	vmul.f32 v7, v13;
	v7 =	vld.idx.msk [tilespmem:v8+s31+$0x0], $0xffff;
	v8 =	vor.u32 $0x37, v1  }
0x200: {  	v13 =	vld.idx.msk [tilespmem:v9+s30+$0x0], $0xffff  }
0x201: {  	v2 =	vadd.f32 v3, v2;
	v3 =	vmul.f32 v4, v10;
	v4 =	vld.idx.msk [tilespmem:v9+s31+$0x0], $0xffff;
	v9 =	vor.u32 $0x38, v1  }
0x202: {  	v10 =	vld.idx.msk [tilespmem:v6+s30+$0x0], $0xffff  }
0x203: {  	v2 =	vadd.f32 v3, v2;
	v3 =	vmul.f32 v5, v11;
	v5 =	vld.idx.msk [tilespmem:v6+s31+$0x0], $0xffff;
	v6 =	vor.u32 $0x39, v1  }
0x204: {  	v11 =	vld.idx.msk [tilespmem:v8+s30+$0x0], $0xffff  }
0x205: {  	v2 =	vadd.f32 v3, v2;
	v3 =	vmul.f32 v7, v12;
	v7 =	vld.idx.msk [tilespmem:v8+s31+$0x0], $0xffff;
	v8 =	vor.u32 $0x3A, v1  }
0x206: {  	v12 =	vld.idx.msk [tilespmem:v9+s30+$0x0], $0xffff  }
0x207: {  	v2 =	vadd.f32 v3, v2;
	v3 =	vmul.f32 v4, v13;
	v4 =	vld.idx.msk [tilespmem:v9+s31+$0x0], $0xffff;
	v9 =	vor.u32 $0x3B, v1  }
0x208: {  	v13 =	vld.idx.msk [tilespmem:v6+s30+$0x0], $0xffff  }
0x209: {  	v2 =	vadd.f32 v3, v2;
	v3 =	vmul.f32 v5, v10;
	v5 =	vld.idx.msk [tilespmem:v6+s31+$0x0], $0xffff;
	v6 =	vor.u32 $0x3C, v1  }
0x20a: {  	v10 =	vld.idx.msk [tilespmem:v8+s30+$0x0], $0xffff  }
0x20b: {  	v2 =	vadd.f32 v3, v2;
	v3 =	vmul.f32 v7, v11;
	v7 =	vld.idx.msk [tilespmem:v8+s31+$0x0], $0xffff;
	v8 =	vor.u32 $0x3D, v1  }
0x20c: {  	v11 =	vld.idx.msk [tilespmem:v9+s30+$0x0], $0xffff  }
0x20d: {  	v2 =	vadd.f32 v3, v2;
	v3 =	vmul.f32 v4, v12;
	v4 =	vld.idx.msk [tilespmem:v9+s31+$0x0], $0xffff;
	v9 =	vor.u32 $0x3E, v1  }
0x20e: {  	v12 =	vld.idx.msk [tilespmem:v6+s30+$0x0], $0xffff  }
0x20f: {  	v1 =	vor.u32 $0x3F, v1;
	v2 =	vadd.f32 v3, v2;
	v3 =	vmul.f32 v5, v13;
	v5 =	vld.idx.msk [tilespmem:v6+s31+$0x0], $0xffff  }
0x210: {  	v6 =	vld.idx.msk [tilespmem:v8+s30+$0x0], $0xffff  }
0x211: {  	v2 =	vadd.f32 v3, v2;
	v3 =	vmul.f32 v7, v10;
	v7 =	vld.idx.msk [tilespmem:v8+s31+$0x0], $0xffff  }
0x212: {  	v8 =	vld.idx.msk [tilespmem:v9+s30+$0x0], $0xffff  }
0x213: {  	v3 =	vadd.f32 v3, v2;
	v4 =	vmul.f32 v4, v11;
	v9 =	vld.idx.msk [tilespmem:v9+s31+$0x0], $0xffff  }
0x214: {  	v2 =	vld.idx.msk [tilespmem:v1+s30+$0x0], $0xffff  }
0x215: {  	v4 =	vadd.f32 v4, v3;
	v5 =	vmul.f32 v5, v12;
	v3 =	vld.idx.msk [tilespmem:v1+s31+$0x0], $0xffff  }
.Ltmp1:
0x216: {  	(pc) =	sbr.rel @p0 .LBB2_4-.Ltmp1, $3  }
0x217: {  	v1 =	vadd.f32 v5, v4;
	v4 =	vmul.f32 v7, v6;
	_ =	sdelay $0x1  }
0x218: {  	v6 =	vmov s9;
	v4 =	vadd.f32 v4, v1;
	v5 =	vmul.f32 v9, v8  }
0x219: {  	s9 =	sadd.s32 $0x10, s9;
	v1 =	vshll.u32 v6, $0x7  }
0x21a: {  	v1 =	vor.u32 v0, v1;
	v4 =	vadd.f32 v5, v4;
	v2 =	vmul.f32 v3, v2;
	_ =	sdelay $0x1  }
0x21b: {  	v3 =	vor.u32 $0x1, v1;
	v2 =	vadd.f32 v2, v4  }
0x21c: {  	s6 =	sadd.s32 $0x10, s6  }
0x21d: {  	v31 =	vor.u32 $0x2, v1;
	[tilespmem:s6+$0x0] =	vst v2  }
0x21e: {  	v2 =	vld.idx.msk [tilespmem:v1+s31+$0x0], $0xffff  }
0x21f: {  	v6 =	vor.u32 $0x3, v1;
	v32 =	vld.idx.msk [tilespmem:v1+s30+$0x0], $0xffff  }
0x220: {  	v7 =	vld.idx.msk [tilespmem:v3+s30+$0x0], $0xffff  }
0x221: {  	v8 =	vor.u32 $0x4, v1;
	v3 =	vld.idx.msk [tilespmem:v3+s31+$0x0], $0xffff  }
0x222: {  	v9 =	vld.idx.msk [tilespmem:v31+s30+$0x0], $0xffff  }
0x223: {  	v10 =	vor.u32 $0x5, v1;
	v4 =	vld.idx.msk [tilespmem:v31+s31+$0x0], $0xffff  }
0x224: {  	v11 =	vld.idx.msk [tilespmem:v6+s30+$0x0], $0xffff;
	v2 =	vmul.f32 v2, v32  }
0x225: {  	v34 =	vor.u32 $0x6, v1;
	v33 =	vld.idx.msk [tilespmem:v6+s31+$0x0], $0xffff  }
0x226: {  	v12 =	vld.idx.msk [tilespmem:v8+s30+$0x0], $0xffff;
	v3 =	vmul.f32 v3, v7;
	v2 =	vadd.f32 $0.0e+00, v2  }
0x227: {  	v36 =	vor.u32 $0x7, v1;
	v35 =	vld.idx.msk [tilespmem:v8+s31+$0x0], $0xffff  }
0x228: {  	v13 =	vld.idx.msk [tilespmem:v10+s30+$0x0], $0xffff;
	v2 =	vadd.f32 v3, v2;
	v3 =	vmul.f32 v4, v9  }
0x229: {  	v38 =	vor.u32 $0x8, v1;
	v37 =	vld.idx.msk [tilespmem:v10+s31+$0x0], $0xffff  }
0x22a: {  	v39 =	vld.idx.msk [tilespmem:v34+s30+$0x0], $0xffff;
	v2 =	vadd.f32 v3, v2;
	v3 =	vmul.f32 v33, v11  }
0x22b: {  	v41 =	vor.u32 $0x9, v1;
	v40 =	vld.idx.msk [tilespmem:v34+s31+$0x0], $0xffff  }
0x22c: {  	v42 =	vld.idx.msk [tilespmem:v36+s30+$0x0], $0xffff;
	v2 =	vadd.f32 v3, v2;
	v3 =	vmul.f32 v35, v12  }
0x22d: {  	v44 =	vor.u32 $0xA, v1;
	v43 =	vld.idx.msk [tilespmem:v36+s31+$0x0], $0xffff  }
0x22e: {  	v45 =	vld.idx.msk [tilespmem:v38+s30+$0x0], $0xffff;
	v2 =	vadd.f32 v3, v2;
	v3 =	vmul.f32 v37, v13  }
0x22f: {  	v47 =	vor.u32 $0xB, v1;
	v46 =	vld.idx.msk [tilespmem:v38+s31+$0x0], $0xffff  }
0x230: {  	v48 =	vld.idx.msk [tilespmem:v41+s30+$0x0], $0xffff;
	v2 =	vadd.f32 v3, v2;
	v3 =	vmul.f32 v40, v39  }
0x231: {  	v50 =	vor.u32 $0xC, v1;
	v49 =	vld.idx.msk [tilespmem:v41+s31+$0x0], $0xffff  }
0x232: {  	v51 =	vld.idx.msk [tilespmem:v44+s30+$0x0], $0xffff;
	v2 =	vadd.f32 v3, v2;
	v3 =	vmul.f32 v43, v42  }
0x233: {  	v53 =	vor.u32 $0xD, v1;
	v52 =	vld.idx.msk [tilespmem:v44+s31+$0x0], $0xffff  }
0x234: {  	v54 =	vld.idx.msk [tilespmem:v47+s30+$0x0], $0xffff;
	v2 =	vadd.f32 v3, v2;
	v3 =	vmul.f32 v46, v45  }
0x235: {  	v56 =	vor.u32 $0xE, v1;
	v55 =	vld.idx.msk [tilespmem:v47+s31+$0x0], $0xffff  }
0x236: {  	v57 =	vld.idx.msk [tilespmem:v50+s30+$0x0], $0xffff;
	v2 =	vadd.f32 v3, v2;
	v3 =	vmul.f32 v49, v48  }
0x237: {  	v59 =	vor.u32 $0xF, v1;
	v58 =	vld.idx.msk [tilespmem:v50+s31+$0x0], $0xffff  }
0x238: {  	v60 =	vld.idx.msk [tilespmem:v53+s30+$0x0], $0xffff;
	v2 =	vadd.f32 v3, v2;
	v3 =	vmul.f32 v52, v51  }
0x239: {  	v62 =	vor.u32 $0x10, v1;
	v61 =	vld.idx.msk [tilespmem:v53+s31+$0x0], $0xffff  }
0x23a: {  	v63 =	vld.idx.msk [tilespmem:v56+s30+$0x0], $0xffff;
	v2 =	vadd.f32 v3, v2;
	v3 =	vmul.f32 v55, v54  }
0x23b: {  	v17 =	vor.u32 $0x11, v1;
	v16 =	vld.idx.msk [tilespmem:v56+s31+$0x0], $0xffff  }
0x23c: {  	v18 =	vld.idx.msk [tilespmem:v59+s30+$0x0], $0xffff;
	v2 =	vadd.f32 v3, v2;
	v3 =	vmul.f32 v58, v57  }
0x23d: {  	v20 =	vor.u32 $0x12, v1;
	v19 =	vld.idx.msk [tilespmem:v59+s31+$0x0], $0xffff  }
0x23e: {  	v21 =	vld.idx.msk [tilespmem:v62+s30+$0x0], $0xffff;
	v2 =	vadd.f32 v3, v2;
	v3 =	vmul.f32 v61, v60  }
0x23f: {  	v23 =	vor.u32 $0x13, v1;
	v22 =	vld.idx.msk [tilespmem:v62+s31+$0x0], $0xffff  }
0x240: {  	v24 =	vld.idx.msk [tilespmem:v17+s30+$0x0], $0xffff;
	v2 =	vadd.f32 v3, v2;
	v3 =	vmul.f32 v16, v63  }
0x241: {  	v26 =	vor.u32 $0x14, v1;
	v25 =	vld.idx.msk [tilespmem:v17+s31+$0x0], $0xffff  }
0x242: {  	v27 =	vld.idx.msk [tilespmem:v20+s30+$0x0], $0xffff;
	v2 =	vadd.f32 v3, v2;
	v3 =	vmul.f32 v19, v18  }
0x243: {  	v29 =	vor.u32 $0x15, v1;
	v28 =	vld.idx.msk [tilespmem:v20+s31+$0x0], $0xffff  }
0x244: {  	v30 =	vld.idx.msk [tilespmem:v23+s30+$0x0], $0xffff;
	v2 =	vadd.f32 v3, v2;
	v3 =	vmul.f32 v22, v21  }
0x245: {  	v31 =	vld.idx.msk [tilespmem:v23+s31+$0x0], $0xffff;
	v32 =	vor.u32 $0x16, v1  }
0x246: {  	v34 =	vld.idx.msk [tilespmem:v26+s31+$0x0], $0xffff;
	v2 =	vadd.f32 v3, v2;
	v3 =	vmul.f32 v25, v24  }
0x247: {  	v33 =	vld.idx.msk [tilespmem:v26+s30+$0x0], $0xffff;
	v35 =	vor.u32 $0x17, v1  }
0x248: {  	v36 =	vld.idx.msk [tilespmem:v29+s30+$0x0], $0xffff;
	v2 =	vadd.f32 v3, v2;
	v3 =	vmul.f32 v28, v27  }
0x249: {  	v38 =	vor.u32 $0x18, v1;
	v37 =	vld.idx.msk [tilespmem:v29+s31+$0x0], $0xffff  }
0x24a: {  	v39 =	vld.idx.msk [tilespmem:v32+s30+$0x0], $0xffff;
	v2 =	vadd.f32 v3, v2;
	v3 =	vmul.f32 v31, v30  }
0x24b: {  	v41 =	vor.u32 $0x19, v1;
	v40 =	vld.idx.msk [tilespmem:v32+s31+$0x0], $0xffff  }
0x24c: {  	v42 =	vld.idx.msk [tilespmem:v35+s30+$0x0], $0xffff;
	v2 =	vadd.f32 v3, v2;
	v3 =	vmul.f32 v34, v33  }
0x24d: {  	v44 =	vor.u32 $0x1A, v1;
	v43 =	vld.idx.msk [tilespmem:v35+s31+$0x0], $0xffff  }
0x24e: {  	v45 =	vld.idx.msk [tilespmem:v38+s30+$0x0], $0xffff;
	v2 =	vadd.f32 v3, v2;
	v3 =	vmul.f32 v37, v36  }
0x24f: {  	v47 =	vor.u32 $0x1B, v1;
	v46 =	vld.idx.msk [tilespmem:v38+s31+$0x0], $0xffff  }
0x250: {  	v48 =	vld.idx.msk [tilespmem:v41+s30+$0x0], $0xffff;
	v2 =	vadd.f32 v3, v2;
	v3 =	vmul.f32 v40, v39  }
0x251: {  	v50 =	vor.u32 $0x1C, v1;
	v49 =	vld.idx.msk [tilespmem:v41+s31+$0x0], $0xffff  }
0x252: {  	v51 =	vld.idx.msk [tilespmem:v44+s30+$0x0], $0xffff;
	v2 =	vadd.f32 v3, v2;
	v3 =	vmul.f32 v43, v42  }
0x253: {  	v53 =	vor.u32 $0x1D, v1;
	v52 =	vld.idx.msk [tilespmem:v44+s31+$0x0], $0xffff  }
0x254: {  	v54 =	vld.idx.msk [tilespmem:v47+s30+$0x0], $0xffff;
	v2 =	vadd.f32 v3, v2;
	v3 =	vmul.f32 v46, v45  }
0x255: {  	v56 =	vor.u32 $0x1E, v1;
	v55 =	vld.idx.msk [tilespmem:v47+s31+$0x0], $0xffff  }
0x256: {  	v57 =	vld.idx.msk [tilespmem:v50+s30+$0x0], $0xffff;
	v2 =	vadd.f32 v3, v2;
	v3 =	vmul.f32 v49, v48  }
0x257: {  	v59 =	vor.u32 $0x1F, v1;
	v58 =	vld.idx.msk [tilespmem:v50+s31+$0x0], $0xffff  }
0x258: {  	v60 =	vld.idx.msk [tilespmem:v53+s30+$0x0], $0xffff;
	v2 =	vadd.f32 v3, v2;
	v3 =	vmul.f32 v52, v51  }
0x259: {  	v62 =	vor.u32 $0x20, v1;
	v61 =	vld.idx.msk [tilespmem:v53+s31+$0x0], $0xffff  }
0x25a: {  	v63 =	vld.idx.msk [tilespmem:v56+s30+$0x0], $0xffff;
	v2 =	vadd.f32 v3, v2;
	v3 =	vmul.f32 v55, v54  }
0x25b: {  	v17 =	vor.u32 $0x21, v1;
	v16 =	vld.idx.msk [tilespmem:v56+s31+$0x0], $0xffff  }
0x25c: {  	v18 =	vld.idx.msk [tilespmem:v59+s30+$0x0], $0xffff;
	v2 =	vadd.f32 v3, v2;
	v3 =	vmul.f32 v58, v57  }
0x25d: {  	v20 =	vor.u32 $0x22, v1;
	v19 =	vld.idx.msk [tilespmem:v59+s31+$0x0], $0xffff  }
0x25e: {  	v21 =	vld.idx.msk [tilespmem:v62+s30+$0x0], $0xffff;
	v2 =	vadd.f32 v3, v2;
	v3 =	vmul.f32 v61, v60  }
0x25f: {  	v23 =	vor.u32 $0x23, v1;
	v22 =	vld.idx.msk [tilespmem:v62+s31+$0x0], $0xffff  }
0x260: {  	v24 =	vld.idx.msk [tilespmem:v17+s30+$0x0], $0xffff;
	v2 =	vadd.f32 v3, v2;
	v3 =	vmul.f32 v16, v63  }
0x261: {  	v26 =	vor.u32 $0x24, v1;
	v25 =	vld.idx.msk [tilespmem:v17+s31+$0x0], $0xffff  }
0x262: {  	v27 =	vld.idx.msk [tilespmem:v20+s30+$0x0], $0xffff;
	v2 =	vadd.f32 v3, v2;
	v3 =	vmul.f32 v19, v18  }
0x263: {  	v29 =	vor.u32 $0x25, v1;
	v28 =	vld.idx.msk [tilespmem:v20+s31+$0x0], $0xffff  }
0x264: {  	v30 =	vld.idx.msk [tilespmem:v23+s30+$0x0], $0xffff;
	v2 =	vadd.f32 v3, v2;
	v3 =	vmul.f32 v22, v21  }
0x265: {  	v32 =	vor.u32 $0x26, v1;
	v31 =	vld.idx.msk [tilespmem:v23+s31+$0x0], $0xffff  }
0x266: {  	v33 =	vld.idx.msk [tilespmem:v26+s30+$0x0], $0xffff;
	v2 =	vadd.f32 v3, v2;
	v3 =	vmul.f32 v25, v24  }
0x267: {  	v35 =	vor.u32 $0x27, v1;
	v34 =	vld.idx.msk [tilespmem:v26+s31+$0x0], $0xffff  }
0x268: {  	v36 =	vld.idx.msk [tilespmem:v29+s30+$0x0], $0xffff;
	v2 =	vadd.f32 v3, v2;
	v3 =	vmul.f32 v28, v27  }
0x269: {  	v38 =	vor.u32 $0x28, v1;
	v37 =	vld.idx.msk [tilespmem:v29+s31+$0x0], $0xffff  }
0x26a: {  	v39 =	vld.idx.msk [tilespmem:v32+s30+$0x0], $0xffff;
	v2 =	vadd.f32 v3, v2;
	v3 =	vmul.f32 v31, v30  }
0x26b: {  	v41 =	vor.u32 $0x29, v1;
	v40 =	vld.idx.msk [tilespmem:v32+s31+$0x0], $0xffff  }
0x26c: {  	v42 =	vld.idx.msk [tilespmem:v35+s30+$0x0], $0xffff;
	v2 =	vadd.f32 v3, v2;
	v3 =	vmul.f32 v34, v33  }
0x26d: {  	v44 =	vor.u32 $0x2A, v1;
	v43 =	vld.idx.msk [tilespmem:v35+s31+$0x0], $0xffff  }
0x26e: {  	v45 =	vld.idx.msk [tilespmem:v38+s30+$0x0], $0xffff;
	v2 =	vadd.f32 v3, v2;
	v3 =	vmul.f32 v37, v36  }
0x26f: {  	v47 =	vor.u32 $0x2B, v1;
	v46 =	vld.idx.msk [tilespmem:v38+s31+$0x0], $0xffff  }
0x270: {  	v48 =	vld.idx.msk [tilespmem:v41+s30+$0x0], $0xffff;
	v2 =	vadd.f32 v3, v2;
	v3 =	vmul.f32 v40, v39  }
0x271: {  	v50 =	vor.u32 $0x2C, v1;
	v49 =	vld.idx.msk [tilespmem:v41+s31+$0x0], $0xffff  }
0x272: {  	v51 =	vld.idx.msk [tilespmem:v44+s30+$0x0], $0xffff;
	v2 =	vadd.f32 v3, v2;
	v3 =	vmul.f32 v43, v42  }
0x273: {  	v53 =	vor.u32 $0x2D, v1;
	v52 =	vld.idx.msk [tilespmem:v44+s31+$0x0], $0xffff  }
0x274: {  	v54 =	vld.idx.msk [tilespmem:v47+s30+$0x0], $0xffff;
	v2 =	vadd.f32 v3, v2;
	v3 =	vmul.f32 v46, v45  }
0x275: {  	v56 =	vor.u32 $0x2E, v1;
	v55 =	vld.idx.msk [tilespmem:v47+s31+$0x0], $0xffff  }
0x276: {  	v57 =	vld.idx.msk [tilespmem:v50+s30+$0x0], $0xffff;
	v2 =	vadd.f32 v3, v2;
	v3 =	vmul.f32 v49, v48  }
0x277: {  	v59 =	vor.u32 $0x2F, v1;
	v58 =	vld.idx.msk [tilespmem:v50+s31+$0x0], $0xffff  }
0x278: {  	v60 =	vld.idx.msk [tilespmem:v53+s30+$0x0], $0xffff;
	v2 =	vadd.f32 v3, v2;
	v3 =	vmul.f32 v52, v51  }
0x279: {  	v62 =	vor.u32 $0x30, v1;
	v61 =	vld.idx.msk [tilespmem:v53+s31+$0x0], $0xffff  }
0x27a: {  	v63 =	vld.idx.msk [tilespmem:v56+s30+$0x0], $0xffff;
	v2 =	vadd.f32 v3, v2;
	v3 =	vmul.f32 v55, v54  }
0x27b: {  	v17 =	vor.u32 $0x31, v1;
	v16 =	vld.idx.msk [tilespmem:v56+s31+$0x0], $0xffff  }
0x27c: {  	v18 =	vld.idx.msk [tilespmem:v59+s30+$0x0], $0xffff;
	v2 =	vadd.f32 v3, v2;
	v3 =	vmul.f32 v58, v57  }
0x27d: {  	v20 =	vor.u32 $0x32, v1;
	v19 =	vld.idx.msk [tilespmem:v59+s31+$0x0], $0xffff  }
0x27e: {  	v21 =	vld.idx.msk [tilespmem:v62+s30+$0x0], $0xffff;
	v2 =	vadd.f32 v3, v2;
	v3 =	vmul.f32 v61, v60  }
0x27f: {  	v23 =	vor.u32 $0x33, v1;
	v22 =	vld.idx.msk [tilespmem:v62+s31+$0x0], $0xffff  }
0x280: {  	v24 =	vld.idx.msk [tilespmem:v17+s30+$0x0], $0xffff;
	v2 =	vadd.f32 v3, v2;
	v3 =	vmul.f32 v16, v63  }
0x281: {  	v26 =	vor.u32 $0x34, v1;
	v25 =	vld.idx.msk [tilespmem:v17+s31+$0x0], $0xffff  }
0x282: {  	v27 =	vld.idx.msk [tilespmem:v20+s30+$0x0], $0xffff;
	v2 =	vadd.f32 v3, v2;
	v3 =	vmul.f32 v19, v18  }
0x283: {  	v29 =	vor.u32 $0x35, v1;
	v28 =	vld.idx.msk [tilespmem:v20+s31+$0x0], $0xffff  }
0x284: {  	v30 =	vld.idx.msk [tilespmem:v23+s30+$0x0], $0xffff;
	v2 =	vadd.f32 v3, v2;
	v3 =	vmul.f32 v22, v21  }
0x285: {  	v32 =	vor.u32 $0x36, v1;
	v31 =	vld.idx.msk [tilespmem:v23+s31+$0x0], $0xffff  }
0x286: {  	v33 =	vld.idx.msk [tilespmem:v26+s30+$0x0], $0xffff;
	v2 =	vadd.f32 v3, v2;
	v3 =	vmul.f32 v25, v24  }
0x287: {  	v35 =	vor.u32 $0x37, v1;
	v34 =	vld.idx.msk [tilespmem:v26+s31+$0x0], $0xffff  }
0x288: {  	v36 =	vld.idx.msk [tilespmem:v29+s30+$0x0], $0xffff;
	v2 =	vadd.f32 v3, v2;
	v3 =	vmul.f32 v28, v27  }
0x289: {  	v38 =	vor.u32 $0x38, v1;
	v37 =	vld.idx.msk [tilespmem:v29+s31+$0x0], $0xffff  }
0x28a: {  	v39 =	vld.idx.msk [tilespmem:v32+s30+$0x0], $0xffff;
	v2 =	vadd.f32 v3, v2;
	v3 =	vmul.f32 v31, v30  }
0x28b: {  	v41 =	vor.u32 $0x39, v1;
	v40 =	vld.idx.msk [tilespmem:v32+s31+$0x0], $0xffff  }
0x28c: {  	v42 =	vld.idx.msk [tilespmem:v35+s30+$0x0], $0xffff;
	v2 =	vadd.f32 v3, v2;
	v3 =	vmul.f32 v34, v33  }
0x28d: {  	v44 =	vor.u32 $0x3A, v1;
	v43 =	vld.idx.msk [tilespmem:v35+s31+$0x0], $0xffff  }
0x28e: {  	v45 =	vld.idx.msk [tilespmem:v38+s30+$0x0], $0xffff;
	v2 =	vadd.f32 v3, v2;
	v3 =	vmul.f32 v37, v36  }
0x28f: {  	v47 =	vor.u32 $0x3B, v1;
	v46 =	vld.idx.msk [tilespmem:v38+s31+$0x0], $0xffff  }
0x290: {  	v48 =	vld.idx.msk [tilespmem:v41+s30+$0x0], $0xffff;
	v2 =	vadd.f32 v3, v2;
	v3 =	vmul.f32 v40, v39  }
0x291: {  	v50 =	vor.u32 $0x3C, v1;
	v49 =	vld.idx.msk [tilespmem:v41+s31+$0x0], $0xffff  }
0x292: {  	v51 =	vld.idx.msk [tilespmem:v44+s30+$0x0], $0xffff;
	v2 =	vadd.f32 v3, v2;
	v3 =	vmul.f32 v43, v42  }
0x293: {  	v53 =	vor.u32 $0x3D, v1;
	v52 =	vld.idx.msk [tilespmem:v44+s31+$0x0], $0xffff  }
0x294: {  	v54 =	vld.idx.msk [tilespmem:v47+s30+$0x0], $0xffff;
	v2 =	vadd.f32 v3, v2;
	v3 =	vmul.f32 v46, v45  }
0x295: {  	v56 =	vor.u32 $0x3E, v1;
	v55 =	vld.idx.msk [tilespmem:v47+s31+$0x0], $0xffff  }
0x296: {  	v57 =	vld.idx.msk [tilespmem:v50+s30+$0x0], $0xffff;
	v2 =	vadd.f32 v3, v2;
	v3 =	vmul.f32 v49, v48  }
0x297: {  	v1 =	vor.u32 $0x3F, v1;
	v58 =	vld.idx.msk [tilespmem:v50+s31+$0x0], $0xffff  }
0x298: {  	v59 =	vld.idx.msk [tilespmem:v53+s30+$0x0], $0xffff;
	v2 =	vadd.f32 v3, v2;
	v3 =	vmul.f32 v52, v51  }
0x299: {  	v60 =	vld.idx.msk [tilespmem:v53+s31+$0x0], $0xffff  }
0x29a: {  	v62 =	vld.idx.msk [tilespmem:v56+s31+$0x0], $0xffff;
	v2 =	vadd.f32 v3, v2;
	v3 =	vmul.f32 v55, v54  }
0x29b: {  	v61 =	vld.idx.msk [tilespmem:v56+s30+$0x0], $0xffff  }
0x29c: {  	v63 =	vld.idx.msk [tilespmem:v1+s30+$0x0], $0xffff;
	v2 =	vadd.f32 v3, v2;
	v3 =	vmul.f32 v58, v57  }
0x29d: {  	v1 =	vld.idx.msk [tilespmem:v1+s31+$0x0], $0xffff  }
0x29e: {  	v2 =	vadd.f32 v3, v2;
	v3 =	vmul.f32 v60, v59;
	_ =	sdelay $0x1  }
0x29f: {  	v2 =	vadd.f32 v3, v2;
	v3 =	vmul.f32 v62, v61;
	_ =	sdelay $0x1  }
0x2a0: {  	v1 =	vmul.f32 v1, v63;
	v2 =	vadd.f32 v3, v2;
	_ =	sdelay $0x1  }
0x2a1: {  	v1 =	vadd.f32 v1, v2  }
0x2a2: {  	s6 =	sadd.s32 $0x10, s6  }
0x2a3: {  	[tilespmem:s6+$0x0] =	vst v1  }
0x2a4: {  	s9 =	sld [smem:$0x101]  }
0x2a5: {  	s10 =	sld [smem:$0x102]  }
0x2a6: {  	s11 =	sld [smem:$0x103]  }
0x2a7: {  	s18 =	sld [smem:$0x100]  }
0x2a8: {  	s23 =	simm.s32 $0x8800;
	s17 =	simm.s32 $0x800;
	s12 =	sld [smem:$0x302]  }
0x2a9: {  	s6 =	simm.s32 $0x800;
	s9 =	sshll.u32 s9, $0x4;
	s13 =	sld [smem:$0x300]  }
0x2aa: {  	s9 =	sand.u32 $0x1FFFFFF0, s9;
	s10 =	sshll.u32 s10, $0x4;
	s16 =	sshll.u32 s11, $0x4  }
0x2ab: {  	s9 =	sadd.s32 s3, s9;
	s10 =	sand.u32 $0x1FFFFFF0, s10;
	s14 =	sshll.u32 s18, $0x4  }
0x2ac: {  	s15 =	sld [smem:$0x301];
	s14 =	sand.u32 $0x1FFFFFF0, s14;
	s13 =	sshll.u32 s13, $0x4  }
0x2ad: {  	s10 =	sadd.s32 s3, s10;
	s21 =	sadd.s32 s3, s14;
	s13 =	sand.u32 $0x1FFFFFF0, s13  }
0x2ae: {  	[tilespmem:s17], [sflag:$0x1] =	stream.linear.gather [hbm4b:s21+s2], $0x80, $0x38;
	[tilespmem:$0x10A00] =	vst v63  }
0x2af: {  	s11 =	sshll.u32 s12, $0x4;
	s15 =	sshll.u32 s15, $0x4;
	s18 =	sadd.s32 s4, s13  }
0x2b0: {  	[tilespmem:s23], [sflag:$0x5] =	stream.linear.gather [hbm4b:s18+s2], $0x80, $0x38;
	[tilespmem:$0x10A00] =	vst v63  }
0x2b1: {  	s12 =	simm.s32 $0x980;
	s21 =	simm.s32 $0x880;
	s23 =	sand.u32 $0x1FFFFFF0, s15  }
0x2b2: {  	[tilespmem:s21], [sflag:$0x2] =	stream.linear.gather [hbm4b:s9+s2], $0x80, $0x38;
	[tilespmem:$0x10A00] =	vst v63  }
0x2b3: {  	s17 =	sand.u32 $0x1FFFFFF0, s11;
	s15 =	simm.s32 $0x8880;
	s14 =	sadd.s32 s4, s23  }
0x2b4: {  	[tilespmem:s15], [sflag:$0x6] =	stream.linear.gather [hbm4b:s14+s2], $0x80, $0x38;
	[tilespmem:$0x10A00] =	vst v63  }
0x2b5: {  	s18 =	simm.s32 $0x900;
	s23 =	sand.u32 $0x1FFFFFF0, s16;
	s21 =	simm.s32 $0x8900  }
0x2b6: {  	[tilespmem:s18], [sflag:$0x3] =	stream.linear.gather [hbm4b:s10+s2], $0x80, $0x38;
	[tilespmem:$0x10A00] =	vst v63  }
0x2b7: {  	s9 =	sadd.s32 s4, s17;
	s13 =	sadd.s32 s3, s23;
	s11 =	sld [smem:$0x303]  }
0x2b8: {  	[tilespmem:s21], [sflag:$0x7] =	stream.linear.gather [hbm4b:s9+s2], $0x80, $0x38;
	[tilespmem:$0x10A00] =	vst v63  }
0x2b9: {  	s10 =	simm.s32 $0x8980;
	s9 =	simm.s32 $0x307;
	s21 =	simm.s32 $0x107  }
.LBB2_6:
0x2ba: {  	[tilespmem:s12], [sflag:$0x4] =	stream.linear.gather [hbm4b:s13+s2], $0x80, $0x38;
	[tilespmem:$0x10A00] =	vst v63  }
0x2bb: {  	s12 =	smov.u32 s6  }
0x2bc: {  	p0 =	sne.s32 s6, $0x1F800;
	s11 =	sshll.u32 s11, $0x4;
	s13 =	sld [smem:s21+$0xFFFFFFFE]  }
0x2bd: {  	s6 =	sadd.s32 $0x800, s6;
	s11 =	sand.u32 $0x1FFFFFF0, s11;
	s14 =	sld [smem:s21+$0xFFFFFFFF]  }
0x2be: {  	s11 =	sadd.s32 s4, s11;
	s15 =	sld [smem:s21+$0x0]  }
0x2bf: {  	[tilespmem:s10], [sflag:$0x8] =	stream.linear.gather [hbm4b:s11+s2], $0x80, $0x38;
	[tilespmem:$0x10A00] =	vst v63  }
0x2c0: {  	s10 =	sld [smem:s21+$0xFFFFFFFD]  }
0x2c1: {  	s11 =	sld [smem:s9+$0xFFFFFFFF];
	s15 =	sshll.u32 s15, $0x4  }
0x2c2: {  	s16 =	sld [smem:s9+$0xFFFFFFFD];
	s15 =	sand.u32 $0x1FFFFFF0, s15  }
0x2c3: {  	s12 =	sshra.s32 s12, $0x2;
	s10 =	sshll.u32 s10, $0x4;
	s17 =	sld [smem:s9+$0xFFFFFFFE]  }
0x2c4: {  	s18 =	sadd.s32 $0x8800, s12;
	s10 =	sand.u32 $0x1FFFFFF0, s10;
	s11 =	sshll.u32 s11, $0x4  }
0x2c5: {  	s23 =	sadd.s32 $0x800, s12;
	s10 =	sadd.s32 s3, s10;
	s16 =	sshll.u32 s16, $0x4  }
0x2c6: {  	s13 =	sshll.u32 s13, $0x4;
	s16 =	sand.u32 $0x1FFFFFF0, s16;
	s17 =	sshll.u32 s17, $0x4  }
0x2c7: {  	s13 =	sand.u32 $0x1FFFFFF0, s13;
	s11 =	sand.u32 $0x1FFFFFF0, s11;
	s16 =	sadd.s32 s4, s16  }
0x2c8: {  	[tilespmem:s23], [sflag:$0x1] =	stream.linear.gather [hbm4b:s10+s2], $0x80, $0x38;
	[tilespmem:$0x10A00] =	vst v63  }
0x2c9: {  	s14 =	sshll.u32 s14, $0x4;
	s17 =	sand.u32 $0x1FFFFFF0, s17;
	s10 =	sadd.s32 $0x880, s12  }
0x2ca: {  	[tilespmem:s18], [sflag:$0x5] =	stream.linear.gather [hbm4b:s16+s2], $0x80, $0x38;
	[tilespmem:$0x10A00] =	vst v63  }
0x2cb: {  	s13 =	sadd.s32 s3, s13;
	s14 =	sand.u32 $0x1FFFFFF0, s14;
	s16 =	sadd.s32 s4, s17  }
0x2cc: {  	[tilespmem:s10], [sflag:$0x2] =	stream.linear.gather [hbm4b:s13+s2], $0x80, $0x38;
	[tilespmem:$0x10A00] =	vst v63  }
0x2cd: {  	s14 =	sadd.s32 s3, s14;
	s13 =	sadd.s32 $0x8880, s12;
	s10 =	sadd.s32 $0x8980, s12  }
0x2ce: {  	[tilespmem:s13], [sflag:$0x6] =	stream.linear.gather [hbm4b:s16+s2], $0x80, $0x38;
	[tilespmem:$0x10A00] =	vst v63  }
.Ltmp2:
0x2cf: {  	s13 =	sadd.s32 $0x900, s12;
	s16 =	sadd.s32 $0x8900, s12;
	(pc) =	sbr.rel @p0 .LBB2_6-.Ltmp2, $4  }
0x2d0: {  	[tilespmem:s13], [sflag:$0x3] =	stream.linear.gather [hbm4b:s14+s2], $0x80, $0x38;
	[tilespmem:$0x10A00] =	vst v63  }
0x2d1: {  	s12 =	sadd.s32 $0x980, s12;
	s13 =	sadd.s32 s4, s11;
	s11 =	sld [smem:s9+$0x0]  }
0x2d2: {  	[tilespmem:s16], [sflag:$0x7] =	stream.linear.gather [hbm4b:s13+s2], $0x80, $0x38;
	[tilespmem:$0x10A00] =	vst v63  }
0x2d3: {  	s21 =	sadd.s32 $0x4, s21;
	s9 =	sadd.s32 $0x4, s9;
	s13 =	sadd.s32 s3, s15  }
0x2d4: {  	[tilespmem:s12], [sflag:$0x4] =	stream.linear.gather [hbm4b:s13+s2], $0x80, $0x38;
	[tilespmem:$0x10A00] =	vst v63  }
0x2d5: {  	s6 =	sshll.u32 s11, $0x4  }
0x2d6: {  	s6 =	sand.u32 $0x1FFFFFF0, s6  }
0x2d7: {  	s6 =	sadd.s32 s4, s6  }
0x2d8: {  	[tilespmem:s10], [sflag:$0x8] =	stream.linear.gather [hbm4b:s6+s2], $0x80, $0x38;
	[tilespmem:$0x10A00] =	vst v63  }
0x2d9: {  	_ =	swait.ge [sflag:s19], $0x2000  }
0x2da: {  	[sflag:s19] =	ssyncset.done $0x0  }
0x2db: {  	[sflag:s19] =	ssyncadd.s32 $0xFFFFE000  }
0x2dc: {  	_ =	swait.ge [sflag:s0], $0x2000  }
0x2dd: {  	[sflag:s0] =	ssyncset.done $0x0  }
0x2de: {  	[sflag:s0] =	ssyncadd.s32 $0xFFFFE000  }
0x2df: {  	_ =	swait.ge [sflag:s1], $0x2000  }
0x2e0: {  	[sflag:s1] =	ssyncset.done $0x0  }
0x2e1: {  	[sflag:s1] =	ssyncadd.s32 $0xFFFFE000  }
0x2e2: {  	_ =	swait.ge [sflag:s24], $0x2000  }
0x2e3: {  	[sflag:s24] =	ssyncset.done $0x0  }
0x2e4: {  	[sflag:s24] =	ssyncadd.s32 $0xFFFFE000  }
0x2e5: {  	_ =	swait.ge [sflag:s25], $0x2000  }
0x2e6: {  	[sflag:s25] =	ssyncset.done $0x0  }
0x2e7: {  	[sflag:s25] =	ssyncadd.s32 $0xFFFFE000  }
0x2e8: {  	_ =	swait.ge [sflag:s26], $0x2000  }
0x2e9: {  	s21 =	simm.s32 $0x0;
	[sflag:s26] =	ssyncset.done $0x0  }
0x2ea: {  	v1 =	vmov s21;
	[sflag:s26] =	ssyncadd.s32 $0xFFFFE000  }
0x2eb: {  	v1 =	vshll.u32 v1, $0x7;
	_ =	swait.ge [sflag:s28], $0x2000  }
0x2ec: {  	v1 =	vor.u32 v0, v1;
	[sflag:s28] =	ssyncset.done $0x0  }
0x2ed: {  	[sflag:s28] =	ssyncadd.s32 $0xFFFFE000  }
0x2ee: {  	v2 =	vor.u32 $0x1, v1;
	_ =	swait.ge [sflag:s29], $0x2000  }
0x2ef: {  	[sflag:s29] =	ssyncset.done $0x0  }
0x2f0: {  	v3 =	vor.u32 $0x2, v1;
	[sflag:s29] =	ssyncadd.s32 $0xFFFFE000  }
0x2f1: {  	v4 =	vld.idx.msk [tilespmem:v1+s31+$0x0], $0xffff  }
0x2f2: {  	v6 =	vor.u32 $0x3, v1;
	v5 =	vld.idx.msk [tilespmem:v1+s30+$0x0], $0xffff  }
0x2f3: {  	v7 =	vld.idx.msk [tilespmem:v2+s30+$0x0], $0xffff  }
0x2f4: {  	v8 =	vor.u32 $0x4, v1;
	v2 =	vld.idx.msk [tilespmem:v2+s31+$0x0], $0xffff  }
0x2f5: {  	v9 =	vld.idx.msk [tilespmem:v3+s30+$0x0], $0xffff  }
0x2f6: {  	v10 =	vor.u32 $0x5, v1;
	v3 =	vld.idx.msk [tilespmem:v3+s31+$0x0], $0xffff  }
0x2f7: {  	v11 =	vld.idx.msk [tilespmem:v6+s30+$0x0], $0xffff;
	v4 =	vmul.f32 v4, v5  }
0x2f8: {  	v5 =	vld.idx.msk [tilespmem:v6+s31+$0x0], $0xffff;
	v6 =	vor.u32 $0x6, v1  }
0x2f9: {  	v12 =	vld.idx.msk [tilespmem:v8+s30+$0x0], $0xffff;
	v2 =	vmul.f32 v2, v7;
	v4 =	vadd.f32 $0.0e+00, v4  }
0x2fa: {  	v18 =	vor.u32 $0x7, v1;
	v7 =	vld.idx.msk [tilespmem:v8+s31+$0x0], $0xffff  }
0x2fb: {  	v13 =	vld.idx.msk [tilespmem:v10+s30+$0x0], $0xffff;
	v3 =	vmul.f32 v3, v9;
	v2 =	vadd.f32 v2, v4  }
0x2fc: {  	v19 =	vor.u32 $0x8, v1;
	v4 =	vld.idx.msk [tilespmem:v10+s31+$0x0], $0xffff  }
0x2fd: {  	v20 =	vld.idx.msk [tilespmem:v6+s30+$0x0], $0xffff;
	v2 =	vadd.f32 v3, v2;
	v3 =	vmul.f32 v5, v11  }
0x2fe: {  	v5 =	vld.idx.msk [tilespmem:v6+s31+$0x0], $0xffff;
	v6 =	vor.u32 $0x9, v1  }
0x2ff: {  	v21 =	vld.idx.msk [tilespmem:v18+s30+$0x0], $0xffff;
	v2 =	vadd.f32 v3, v2;
	v3 =	vmul.f32 v7, v12  }
0x300: {  	v22 =	vor.u32 $0xA, v1;
	v7 =	vld.idx.msk [tilespmem:v18+s31+$0x0], $0xffff  }
0x301: {  	v23 =	vld.idx.msk [tilespmem:v19+s30+$0x0], $0xffff;
	v2 =	vadd.f32 v3, v2;
	v3 =	vmul.f32 v4, v13  }
0x302: {  	v24 =	vor.u32 $0xB, v1;
	v4 =	vld.idx.msk [tilespmem:v19+s31+$0x0], $0xffff  }
0x303: {  	v25 =	vld.idx.msk [tilespmem:v6+s30+$0x0], $0xffff;
	v2 =	vadd.f32 v3, v2;
	v3 =	vmul.f32 v5, v20  }
0x304: {  	v5 =	vld.idx.msk [tilespmem:v6+s31+$0x0], $0xffff;
	v6 =	vor.u32 $0xC, v1  }
0x305: {  	v26 =	vld.idx.msk [tilespmem:v22+s30+$0x0], $0xffff;
	v2 =	vadd.f32 v3, v2;
	v3 =	vmul.f32 v7, v21  }
0x306: {  	v27 =	vor.u32 $0xD, v1;
	v7 =	vld.idx.msk [tilespmem:v22+s31+$0x0], $0xffff  }
0x307: {  	v28 =	vld.idx.msk [tilespmem:v24+s30+$0x0], $0xffff;
	v2 =	vadd.f32 v3, v2;
	v3 =	vmul.f32 v4, v23  }
0x308: {  	v29 =	vor.u32 $0xE, v1;
	v4 =	vld.idx.msk [tilespmem:v24+s31+$0x0], $0xffff  }
0x309: {  	v30 =	vld.idx.msk [tilespmem:v6+s30+$0x0], $0xffff;
	v2 =	vadd.f32 v3, v2;
	v3 =	vmul.f32 v5, v25  }
0x30a: {  	v5 =	vld.idx.msk [tilespmem:v6+s31+$0x0], $0xffff;
	v6 =	vor.u32 $0xF, v1  }
0x30b: {  	v31 =	vld.idx.msk [tilespmem:v27+s30+$0x0], $0xffff;
	v2 =	vadd.f32 v3, v2;
	v3 =	vmul.f32 v7, v26  }
0x30c: {  	v32 =	vor.u32 $0x10, v1;
	v7 =	vld.idx.msk [tilespmem:v27+s31+$0x0], $0xffff  }
0x30d: {  	v33 =	vld.idx.msk [tilespmem:v29+s30+$0x0], $0xffff;
	v2 =	vadd.f32 v3, v2;
	v3 =	vmul.f32 v4, v28  }
0x30e: {  	v34 =	vor.u32 $0x11, v1;
	v4 =	vld.idx.msk [tilespmem:v29+s31+$0x0], $0xffff  }
0x30f: {  	v35 =	vld.idx.msk [tilespmem:v6+s30+$0x0], $0xffff;
	v2 =	vadd.f32 v3, v2;
	v3 =	vmul.f32 v5, v30  }
0x310: {  	v5 =	vld.idx.msk [tilespmem:v6+s31+$0x0], $0xffff;
	v6 =	vor.u32 $0x12, v1  }
0x311: {  	v36 =	vld.idx.msk [tilespmem:v32+s30+$0x0], $0xffff;
	v2 =	vadd.f32 v3, v2;
	v3 =	vmul.f32 v7, v31  }
0x312: {  	v37 =	vor.u32 $0x13, v1;
	v7 =	vld.idx.msk [tilespmem:v32+s31+$0x0], $0xffff  }
0x313: {  	v38 =	vld.idx.msk [tilespmem:v34+s30+$0x0], $0xffff;
	v2 =	vadd.f32 v3, v2;
	v3 =	vmul.f32 v4, v33  }
0x314: {  	v39 =	vor.u32 $0x14, v1;
	v4 =	vld.idx.msk [tilespmem:v34+s31+$0x0], $0xffff  }
0x315: {  	v40 =	vld.idx.msk [tilespmem:v6+s30+$0x0], $0xffff;
	v2 =	vadd.f32 v3, v2;
	v3 =	vmul.f32 v5, v35  }
0x316: {  	v5 =	vld.idx.msk [tilespmem:v6+s31+$0x0], $0xffff;
	v6 =	vor.u32 $0x15, v1  }
0x317: {  	v41 =	vld.idx.msk [tilespmem:v37+s30+$0x0], $0xffff;
	v2 =	vadd.f32 v3, v2;
	v3 =	vmul.f32 v7, v36  }
0x318: {  	v42 =	vor.u32 $0x16, v1;
	v7 =	vld.idx.msk [tilespmem:v37+s31+$0x0], $0xffff  }
0x319: {  	v43 =	vld.idx.msk [tilespmem:v39+s30+$0x0], $0xffff;
	v2 =	vadd.f32 v3, v2;
	v3 =	vmul.f32 v4, v38  }
0x31a: {  	v44 =	vor.u32 $0x17, v1;
	v4 =	vld.idx.msk [tilespmem:v39+s31+$0x0], $0xffff  }
0x31b: {  	v45 =	vld.idx.msk [tilespmem:v6+s30+$0x0], $0xffff;
	v2 =	vadd.f32 v3, v2;
	v3 =	vmul.f32 v5, v40  }
0x31c: {  	v5 =	vld.idx.msk [tilespmem:v6+s31+$0x0], $0xffff;
	v6 =	vor.u32 $0x18, v1  }
0x31d: {  	v46 =	vld.idx.msk [tilespmem:v42+s30+$0x0], $0xffff;
	v2 =	vadd.f32 v3, v2;
	v3 =	vmul.f32 v7, v41  }
0x31e: {  	v47 =	vor.u32 $0x19, v1;
	v7 =	vld.idx.msk [tilespmem:v42+s31+$0x0], $0xffff  }
0x31f: {  	v48 =	vld.idx.msk [tilespmem:v44+s30+$0x0], $0xffff;
	v2 =	vadd.f32 v3, v2;
	v3 =	vmul.f32 v4, v43  }
0x320: {  	v49 =	vor.u32 $0x1A, v1;
	v4 =	vld.idx.msk [tilespmem:v44+s31+$0x0], $0xffff  }
0x321: {  	v50 =	vld.idx.msk [tilespmem:v6+s30+$0x0], $0xffff;
	v2 =	vadd.f32 v3, v2;
	v3 =	vmul.f32 v5, v45  }
0x322: {  	v5 =	vld.idx.msk [tilespmem:v6+s31+$0x0], $0xffff;
	v6 =	vor.u32 $0x1B, v1  }
0x323: {  	v51 =	vld.idx.msk [tilespmem:v47+s30+$0x0], $0xffff;
	v2 =	vadd.f32 v3, v2;
	v3 =	vmul.f32 v7, v46  }
0x324: {  	v52 =	vor.u32 $0x1C, v1;
	v7 =	vld.idx.msk [tilespmem:v47+s31+$0x0], $0xffff  }
0x325: {  	v53 =	vld.idx.msk [tilespmem:v49+s30+$0x0], $0xffff;
	v2 =	vadd.f32 v3, v2;
	v3 =	vmul.f32 v4, v48  }
0x326: {  	v54 =	vor.u32 $0x1D, v1;
	v4 =	vld.idx.msk [tilespmem:v49+s31+$0x0], $0xffff  }
0x327: {  	v55 =	vld.idx.msk [tilespmem:v6+s30+$0x0], $0xffff;
	v2 =	vadd.f32 v3, v2;
	v3 =	vmul.f32 v5, v50  }
0x328: {  	v5 =	vld.idx.msk [tilespmem:v6+s31+$0x0], $0xffff;
	v6 =	vor.u32 $0x1E, v1  }
0x329: {  	v56 =	vld.idx.msk [tilespmem:v52+s30+$0x0], $0xffff;
	v2 =	vadd.f32 v3, v2;
	v3 =	vmul.f32 v7, v51  }
0x32a: {  	v57 =	vor.u32 $0x1F, v1;
	v7 =	vld.idx.msk [tilespmem:v52+s31+$0x0], $0xffff  }
0x32b: {  	v58 =	vld.idx.msk [tilespmem:v54+s30+$0x0], $0xffff;
	v2 =	vadd.f32 v3, v2;
	v3 =	vmul.f32 v4, v53  }
0x32c: {  	v59 =	vor.u32 $0x20, v1;
	v4 =	vld.idx.msk [tilespmem:v54+s31+$0x0], $0xffff  }
0x32d: {  	v60 =	vld.idx.msk [tilespmem:v6+s30+$0x0], $0xffff;
	v2 =	vadd.f32 v3, v2;
	v3 =	vmul.f32 v5, v55  }
0x32e: {  	v5 =	vld.idx.msk [tilespmem:v6+s31+$0x0], $0xffff;
	v6 =	vor.u32 $0x21, v1  }
0x32f: {  	v61 =	vld.idx.msk [tilespmem:v57+s30+$0x0], $0xffff;
	v2 =	vadd.f32 v3, v2;
	v3 =	vmul.f32 v7, v56  }
0x330: {  	v62 =	vor.u32 $0x22, v1;
	v7 =	vld.idx.msk [tilespmem:v57+s31+$0x0], $0xffff  }
0x331: {  	v63 =	vld.idx.msk [tilespmem:v59+s30+$0x0], $0xffff;
	v2 =	vadd.f32 v3, v2;
	v3 =	vmul.f32 v4, v58  }
0x332: {  	v16 =	vor.u32 $0x23, v1;
	v4 =	vld.idx.msk [tilespmem:v59+s31+$0x0], $0xffff  }
0x333: {  	v17 =	vld.idx.msk [tilespmem:v6+s30+$0x0], $0xffff;
	v2 =	vadd.f32 v3, v2;
	v3 =	vmul.f32 v5, v60  }
0x334: {  	v5 =	vld.idx.msk [tilespmem:v6+s31+$0x0], $0xffff;
	v6 =	vor.u32 $0x24, v1  }
0x335: {  	v18 =	vld.idx.msk [tilespmem:v62+s30+$0x0], $0xffff;
	v2 =	vadd.f32 v3, v2;
	v3 =	vmul.f32 v7, v61  }
0x336: {  	v19 =	vor.u32 $0x25, v1;
	v7 =	vld.idx.msk [tilespmem:v62+s31+$0x0], $0xffff  }
0x337: {  	v20 =	vld.idx.msk [tilespmem:v16+s30+$0x0], $0xffff;
	v2 =	vadd.f32 v3, v2;
	v3 =	vmul.f32 v4, v63  }
0x338: {  	v21 =	vor.u32 $0x26, v1;
	v4 =	vld.idx.msk [tilespmem:v16+s31+$0x0], $0xffff  }
0x339: {  	v22 =	vld.idx.msk [tilespmem:v6+s30+$0x0], $0xffff;
	v2 =	vadd.f32 v3, v2;
	v3 =	vmul.f32 v5, v17  }
0x33a: {  	v5 =	vld.idx.msk [tilespmem:v6+s31+$0x0], $0xffff;
	v6 =	vor.u32 $0x27, v1  }
0x33b: {  	v23 =	vld.idx.msk [tilespmem:v19+s30+$0x0], $0xffff;
	v2 =	vadd.f32 v3, v2;
	v3 =	vmul.f32 v7, v18  }
0x33c: {  	v24 =	vor.u32 $0x28, v1;
	v7 =	vld.idx.msk [tilespmem:v19+s31+$0x0], $0xffff  }
0x33d: {  	v25 =	vld.idx.msk [tilespmem:v21+s30+$0x0], $0xffff;
	v2 =	vadd.f32 v3, v2;
	v3 =	vmul.f32 v4, v20  }
0x33e: {  	v26 =	vor.u32 $0x29, v1;
	v4 =	vld.idx.msk [tilespmem:v21+s31+$0x0], $0xffff  }
0x33f: {  	v27 =	vld.idx.msk [tilespmem:v6+s30+$0x0], $0xffff;
	v2 =	vadd.f32 v3, v2;
	v3 =	vmul.f32 v5, v22  }
0x340: {  	v5 =	vld.idx.msk [tilespmem:v6+s31+$0x0], $0xffff;
	v6 =	vor.u32 $0x2A, v1  }
0x341: {  	v28 =	vld.idx.msk [tilespmem:v24+s30+$0x0], $0xffff;
	v2 =	vadd.f32 v3, v2;
	v3 =	vmul.f32 v7, v23  }
0x342: {  	v29 =	vor.u32 $0x2B, v1;
	v7 =	vld.idx.msk [tilespmem:v24+s31+$0x0], $0xffff  }
0x343: {  	v30 =	vld.idx.msk [tilespmem:v26+s30+$0x0], $0xffff;
	v2 =	vadd.f32 v3, v2;
	v3 =	vmul.f32 v4, v25  }
0x344: {  	v31 =	vor.u32 $0x2C, v1;
	v4 =	vld.idx.msk [tilespmem:v26+s31+$0x0], $0xffff  }
0x345: {  	v32 =	vld.idx.msk [tilespmem:v6+s30+$0x0], $0xffff;
	v2 =	vadd.f32 v3, v2;
	v3 =	vmul.f32 v5, v27  }
0x346: {  	v5 =	vld.idx.msk [tilespmem:v6+s31+$0x0], $0xffff;
	v6 =	vor.u32 $0x2D, v1  }
0x347: {  	v33 =	vld.idx.msk [tilespmem:v29+s30+$0x0], $0xffff;
	v2 =	vadd.f32 v3, v2;
	v3 =	vmul.f32 v7, v28  }
0x348: {  	v34 =	vor.u32 $0x2E, v1;
	v7 =	vld.idx.msk [tilespmem:v29+s31+$0x0], $0xffff  }
0x349: {  	v35 =	vld.idx.msk [tilespmem:v31+s30+$0x0], $0xffff;
	v2 =	vadd.f32 v3, v2;
	v3 =	vmul.f32 v4, v30  }
0x34a: {  	v36 =	vor.u32 $0x2F, v1;
	v4 =	vld.idx.msk [tilespmem:v31+s31+$0x0], $0xffff  }
0x34b: {  	v37 =	vld.idx.msk [tilespmem:v6+s30+$0x0], $0xffff;
	v2 =	vadd.f32 v3, v2;
	v3 =	vmul.f32 v5, v32  }
0x34c: {  	v5 =	vld.idx.msk [tilespmem:v6+s31+$0x0], $0xffff;
	v6 =	vor.u32 $0x30, v1  }
0x34d: {  	v38 =	vld.idx.msk [tilespmem:v34+s30+$0x0], $0xffff;
	v2 =	vadd.f32 v3, v2;
	v3 =	vmul.f32 v7, v33  }
0x34e: {  	v39 =	vor.u32 $0x31, v1;
	v7 =	vld.idx.msk [tilespmem:v34+s31+$0x0], $0xffff  }
0x34f: {  	v40 =	vld.idx.msk [tilespmem:v36+s30+$0x0], $0xffff;
	v2 =	vadd.f32 v3, v2;
	v3 =	vmul.f32 v4, v35  }
0x350: {  	v41 =	vor.u32 $0x32, v1;
	v4 =	vld.idx.msk [tilespmem:v36+s31+$0x0], $0xffff  }
0x351: {  	v42 =	vld.idx.msk [tilespmem:v6+s30+$0x0], $0xffff;
	v2 =	vadd.f32 v3, v2;
	v3 =	vmul.f32 v5, v37  }
0x352: {  	v5 =	vld.idx.msk [tilespmem:v6+s31+$0x0], $0xffff;
	v6 =	vor.u32 $0x33, v1  }
0x353: {  	v43 =	vld.idx.msk [tilespmem:v39+s30+$0x0], $0xffff;
	v2 =	vadd.f32 v3, v2;
	v3 =	vmul.f32 v7, v38  }
0x354: {  	v44 =	vor.u32 $0x34, v1;
	v7 =	vld.idx.msk [tilespmem:v39+s31+$0x0], $0xffff  }
0x355: {  	v45 =	vld.idx.msk [tilespmem:v41+s30+$0x0], $0xffff;
	v2 =	vadd.f32 v3, v2;
	v3 =	vmul.f32 v4, v40  }
0x356: {  	v46 =	vor.u32 $0x35, v1;
	v4 =	vld.idx.msk [tilespmem:v41+s31+$0x0], $0xffff  }
0x357: {  	v47 =	vld.idx.msk [tilespmem:v6+s30+$0x0], $0xffff;
	v2 =	vadd.f32 v3, v2;
	v3 =	vmul.f32 v5, v42  }
0x358: {  	v5 =	vld.idx.msk [tilespmem:v6+s31+$0x0], $0xffff;
	v6 =	vor.u32 $0x36, v1  }
0x359: {  	v48 =	vld.idx.msk [tilespmem:v44+s30+$0x0], $0xffff;
	v2 =	vadd.f32 v3, v2;
	v3 =	vmul.f32 v7, v43  }
0x35a: {  	v49 =	vor.u32 $0x37, v1;
	v7 =	vld.idx.msk [tilespmem:v44+s31+$0x0], $0xffff  }
0x35b: {  	v50 =	vld.idx.msk [tilespmem:v46+s30+$0x0], $0xffff;
	v2 =	vadd.f32 v3, v2;
	v3 =	vmul.f32 v4, v45  }
0x35c: {  	v51 =	vor.u32 $0x38, v1;
	v4 =	vld.idx.msk [tilespmem:v46+s31+$0x0], $0xffff  }
0x35d: {  	v52 =	vld.idx.msk [tilespmem:v6+s30+$0x0], $0xffff;
	v2 =	vadd.f32 v3, v2;
	v3 =	vmul.f32 v5, v47  }
0x35e: {  	v5 =	vld.idx.msk [tilespmem:v6+s31+$0x0], $0xffff;
	v6 =	vor.u32 $0x39, v1  }
0x35f: {  	v53 =	vld.idx.msk [tilespmem:v49+s30+$0x0], $0xffff;
	v2 =	vadd.f32 v3, v2;
	v3 =	vmul.f32 v7, v48  }
0x360: {  	v54 =	vor.u32 $0x3A, v1;
	v7 =	vld.idx.msk [tilespmem:v49+s31+$0x0], $0xffff  }
0x361: {  	v55 =	vld.idx.msk [tilespmem:v51+s30+$0x0], $0xffff;
	v2 =	vadd.f32 v3, v2;
	v3 =	vmul.f32 v4, v50  }
0x362: {  	v56 =	vor.u32 $0x3B, v1;
	v4 =	vld.idx.msk [tilespmem:v51+s31+$0x0], $0xffff  }
0x363: {  	v57 =	vld.idx.msk [tilespmem:v6+s30+$0x0], $0xffff;
	v2 =	vadd.f32 v3, v2;
	v3 =	vmul.f32 v5, v52  }
0x364: {  	v5 =	vld.idx.msk [tilespmem:v6+s31+$0x0], $0xffff;
	v6 =	vor.u32 $0x3C, v1  }
0x365: {  	v58 =	vld.idx.msk [tilespmem:v54+s30+$0x0], $0xffff;
	v2 =	vadd.f32 v3, v2;
	v3 =	vmul.f32 v7, v53  }
0x366: {  	v7 =	vld.idx.msk [tilespmem:v54+s31+$0x0], $0xffff  }
0x367: {  	v60 =	vld.idx.msk [tilespmem:v56+s30+$0x0], $0xffff;
	v2 =	vadd.f32 v3, v2;
	v3 =	vmul.f32 v4, v55  }
0x368: {  	v59 =	vor.u32 $0x3D, v1;
	v4 =	vld.idx.msk [tilespmem:v56+s31+$0x0], $0xffff  }
0x369: {  	v62 =	vld.idx.msk [tilespmem:v6+s30+$0x0], $0xffff;
	v2 =	vadd.f32 v3, v2;
	v3 =	vmul.f32 v5, v57  }
0x36a: {  	v61 =	vor.u32 $0x3E, v1;
	v5 =	vld.idx.msk [tilespmem:v6+s31+$0x0], $0xffff  }
0x36b: {  	v2 =	vadd.f32 v3, v2;
	v3 =	vmul.f32 v7, v58  }
0x36c: {  	v1 =	vor.u32 $0x3F, v1  }
0x36d: {  	v6 =	vld.idx.msk [tilespmem:v59+s30+$0x0], $0xffff;
	v2 =	vadd.f32 v3, v2;
	v3 =	vmul.f32 v4, v60  }
0x36e: {  	v7 =	vld.idx.msk [tilespmem:v59+s31+$0x0], $0xffff  }
0x36f: {  	v63 =	vld.idx.msk [tilespmem:v61+s30+$0x0], $0xffff;
	v2 =	vadd.f32 v3, v2;
	v3 =	vmul.f32 v5, v62  }
0x370: {  	v9 =	vld.idx.msk [tilespmem:v61+s31+$0x0], $0xffff  }
0x371: {  	v4 =	vadd.f32 v3, v2;
	v2 =	vld.idx.msk [tilespmem:v1+s30+$0x0], $0xffff  }
0x372: {  	v3 =	vld.idx.msk [tilespmem:v1+s31+$0x0], $0xffff  }
0x373: {  	v5 =	vmul.f32 v7, v6  }
0x374: {  	s6 =	simm.s32 $0x10  }
0x375: {  	v6 =	vmov s6;
	v4 =	vadd.f32 v5, v4;
	v5 =	vmul.f32 v9, v63  }
0x376: {  	s9 =	simm.s32 $0x20;
	v1 =	vshll.u32 v6, $0x7  }
.LBB2_8:
0x377: {  	p0 =	sne.s32 s9, $0xF0;
	v1 =	vor.u32 v0, v1;
	v4 =	vadd.f32 v5, v4;
	v2 =	vmul.f32 v3, v2;
	_ =	sdelay $0x1  }
0x378: {  	v3 =	vor.u32 $0x1, v1;
	v2 =	vadd.f32 v2, v4  }
0x379: {  	s10 =	sand.u32 $0xF0, s21;
	s21 =	smov.u32 s6;
	s6 =	smov.u32 s9  }
0x37a: {  	v4 =	vor.u32 $0x2, v1;
	[tilespmem:s10+$0x10900] =	vst v2  }
0x37b: {  	v2 =	vld.idx.msk [tilespmem:v1+s31+$0x0], $0xffff  }
0x37c: {  	v6 =	vor.u32 $0x3, v1;
	v5 =	vld.idx.msk [tilespmem:v1+s30+$0x0], $0xffff  }
0x37d: {  	v7 =	vld.idx.msk [tilespmem:v3+s30+$0x0], $0xffff  }
0x37e: {  	v8 =	vor.u32 $0x4, v1;
	v3 =	vld.idx.msk [tilespmem:v3+s31+$0x0], $0xffff  }
0x37f: {  	v9 =	vld.idx.msk [tilespmem:v4+s30+$0x0], $0xffff  }
0x380: {  	v10 =	vor.u32 $0x5, v1;
	v4 =	vld.idx.msk [tilespmem:v4+s31+$0x0], $0xffff  }
0x381: {  	v11 =	vld.idx.msk [tilespmem:v6+s30+$0x0], $0xffff  }
0x382: {  	v2 =	vmul.f32 v2, v5;
	v5 =	vld.idx.msk [tilespmem:v6+s31+$0x0], $0xffff;
	v6 =	vor.u32 $0x6, v1  }
0x383: {  	v12 =	vld.idx.msk [tilespmem:v8+s30+$0x0], $0xffff  }
0x384: {  	v2 =	vadd.f32 $0.0e+00, v2;
	v3 =	vmul.f32 v3, v7;
	v7 =	vld.idx.msk [tilespmem:v8+s31+$0x0], $0xffff;
	v8 =	vor.u32 $0x7, v1  }
0x385: {  	v13 =	vld.idx.msk [tilespmem:v10+s30+$0x0], $0xffff  }
0x386: {  	v2 =	vadd.f32 v3, v2;
	v3 =	vmul.f32 v4, v9;
	v9 =	vor.u32 $0x8, v1;
	v4 =	vld.idx.msk [tilespmem:v10+s31+$0x0], $0xffff  }
0x387: {  	v10 =	vld.idx.msk [tilespmem:v6+s30+$0x0], $0xffff  }
0x388: {  	v2 =	vadd.f32 v3, v2;
	v3 =	vmul.f32 v5, v11;
	v5 =	vld.idx.msk [tilespmem:v6+s31+$0x0], $0xffff;
	v6 =	vor.u32 $0x9, v1  }
0x389: {  	v11 =	vld.idx.msk [tilespmem:v8+s30+$0x0], $0xffff  }
0x38a: {  	v2 =	vadd.f32 v3, v2;
	v3 =	vmul.f32 v7, v12;
	v7 =	vld.idx.msk [tilespmem:v8+s31+$0x0], $0xffff;
	v8 =	vor.u32 $0xA, v1  }
0x38b: {  	v12 =	vld.idx.msk [tilespmem:v9+s30+$0x0], $0xffff  }
0x38c: {  	v2 =	vadd.f32 v3, v2;
	v3 =	vmul.f32 v4, v13;
	v4 =	vld.idx.msk [tilespmem:v9+s31+$0x0], $0xffff;
	v9 =	vor.u32 $0xB, v1  }
0x38d: {  	v13 =	vld.idx.msk [tilespmem:v6+s30+$0x0], $0xffff  }
0x38e: {  	v2 =	vadd.f32 v3, v2;
	v3 =	vmul.f32 v5, v10;
	v5 =	vld.idx.msk [tilespmem:v6+s31+$0x0], $0xffff;
	v6 =	vor.u32 $0xC, v1  }
0x38f: {  	v10 =	vld.idx.msk [tilespmem:v8+s30+$0x0], $0xffff  }
0x390: {  	v2 =	vadd.f32 v3, v2;
	v3 =	vmul.f32 v7, v11;
	v7 =	vld.idx.msk [tilespmem:v8+s31+$0x0], $0xffff;
	v8 =	vor.u32 $0xD, v1  }
0x391: {  	v11 =	vld.idx.msk [tilespmem:v9+s30+$0x0], $0xffff  }
0x392: {  	v2 =	vadd.f32 v3, v2;
	v3 =	vmul.f32 v4, v12;
	v4 =	vld.idx.msk [tilespmem:v9+s31+$0x0], $0xffff;
	v9 =	vor.u32 $0xE, v1  }
0x393: {  	v12 =	vld.idx.msk [tilespmem:v6+s30+$0x0], $0xffff  }
0x394: {  	v2 =	vadd.f32 v3, v2;
	v3 =	vmul.f32 v5, v13;
	v5 =	vld.idx.msk [tilespmem:v6+s31+$0x0], $0xffff;
	v6 =	vor.u32 $0xF, v1  }
0x395: {  	v13 =	vld.idx.msk [tilespmem:v8+s30+$0x0], $0xffff  }
0x396: {  	v2 =	vadd.f32 v3, v2;
	v3 =	vmul.f32 v7, v10;
	v7 =	vld.idx.msk [tilespmem:v8+s31+$0x0], $0xffff;
	v8 =	vor.u32 $0x10, v1  }
0x397: {  	v10 =	vld.idx.msk [tilespmem:v9+s30+$0x0], $0xffff  }
0x398: {  	v2 =	vadd.f32 v3, v2;
	v3 =	vmul.f32 v4, v11;
	v4 =	vld.idx.msk [tilespmem:v9+s31+$0x0], $0xffff;
	v9 =	vor.u32 $0x11, v1  }
0x399: {  	v11 =	vld.idx.msk [tilespmem:v6+s30+$0x0], $0xffff  }
0x39a: {  	v2 =	vadd.f32 v3, v2;
	v3 =	vmul.f32 v5, v12;
	v5 =	vld.idx.msk [tilespmem:v6+s31+$0x0], $0xffff;
	v6 =	vor.u32 $0x12, v1  }
0x39b: {  	v12 =	vld.idx.msk [tilespmem:v8+s30+$0x0], $0xffff  }
0x39c: {  	v2 =	vadd.f32 v3, v2;
	v3 =	vmul.f32 v7, v13;
	v7 =	vld.idx.msk [tilespmem:v8+s31+$0x0], $0xffff;
	v8 =	vor.u32 $0x13, v1  }
0x39d: {  	v13 =	vld.idx.msk [tilespmem:v9+s30+$0x0], $0xffff  }
0x39e: {  	v2 =	vadd.f32 v3, v2;
	v3 =	vmul.f32 v4, v10;
	v4 =	vld.idx.msk [tilespmem:v9+s31+$0x0], $0xffff;
	v9 =	vor.u32 $0x14, v1  }
0x39f: {  	v10 =	vld.idx.msk [tilespmem:v6+s30+$0x0], $0xffff  }
0x3a0: {  	v2 =	vadd.f32 v3, v2;
	v3 =	vmul.f32 v5, v11;
	v5 =	vld.idx.msk [tilespmem:v6+s31+$0x0], $0xffff;
	v6 =	vor.u32 $0x15, v1  }
0x3a1: {  	v11 =	vld.idx.msk [tilespmem:v8+s30+$0x0], $0xffff  }
0x3a2: {  	v2 =	vadd.f32 v3, v2;
	v3 =	vmul.f32 v7, v12;
	v7 =	vld.idx.msk [tilespmem:v8+s31+$0x0], $0xffff;
	v8 =	vor.u32 $0x16, v1  }
0x3a3: {  	v12 =	vld.idx.msk [tilespmem:v9+s30+$0x0], $0xffff  }
0x3a4: {  	v2 =	vadd.f32 v3, v2;
	v3 =	vmul.f32 v4, v13;
	v4 =	vld.idx.msk [tilespmem:v9+s31+$0x0], $0xffff;
	v9 =	vor.u32 $0x17, v1  }
0x3a5: {  	v13 =	vld.idx.msk [tilespmem:v6+s30+$0x0], $0xffff  }
0x3a6: {  	v2 =	vadd.f32 v3, v2;
	v3 =	vmul.f32 v5, v10;
	v5 =	vld.idx.msk [tilespmem:v6+s31+$0x0], $0xffff;
	v6 =	vor.u32 $0x18, v1  }
0x3a7: {  	v10 =	vld.idx.msk [tilespmem:v8+s30+$0x0], $0xffff  }
0x3a8: {  	v2 =	vadd.f32 v3, v2;
	v3 =	vmul.f32 v7, v11;
	v7 =	vld.idx.msk [tilespmem:v8+s31+$0x0], $0xffff;
	v8 =	vor.u32 $0x19, v1  }
0x3a9: {  	v11 =	vld.idx.msk [tilespmem:v9+s30+$0x0], $0xffff  }
0x3aa: {  	v2 =	vadd.f32 v3, v2;
	v3 =	vmul.f32 v4, v12;
	v4 =	vld.idx.msk [tilespmem:v9+s31+$0x0], $0xffff;
	v9 =	vor.u32 $0x1A, v1  }
0x3ab: {  	v12 =	vld.idx.msk [tilespmem:v6+s30+$0x0], $0xffff  }
0x3ac: {  	v2 =	vadd.f32 v3, v2;
	v3 =	vmul.f32 v5, v13;
	v5 =	vld.idx.msk [tilespmem:v6+s31+$0x0], $0xffff;
	v6 =	vor.u32 $0x1B, v1  }
0x3ad: {  	v13 =	vld.idx.msk [tilespmem:v8+s30+$0x0], $0xffff  }
0x3ae: {  	v2 =	vadd.f32 v3, v2;
	v3 =	vmul.f32 v7, v10;
	v7 =	vld.idx.msk [tilespmem:v8+s31+$0x0], $0xffff;
	v8 =	vor.u32 $0x1C, v1  }
0x3af: {  	v10 =	vld.idx.msk [tilespmem:v9+s30+$0x0], $0xffff  }
0x3b0: {  	v2 =	vadd.f32 v3, v2;
	v3 =	vmul.f32 v4, v11;
	v4 =	vld.idx.msk [tilespmem:v9+s31+$0x0], $0xffff;
	v9 =	vor.u32 $0x1D, v1  }
0x3b1: {  	v11 =	vld.idx.msk [tilespmem:v6+s30+$0x0], $0xffff  }
0x3b2: {  	v2 =	vadd.f32 v3, v2;
	v3 =	vmul.f32 v5, v12;
	v5 =	vld.idx.msk [tilespmem:v6+s31+$0x0], $0xffff;
	v6 =	vor.u32 $0x1E, v1  }
0x3b3: {  	v12 =	vld.idx.msk [tilespmem:v8+s30+$0x0], $0xffff  }
0x3b4: {  	v2 =	vadd.f32 v3, v2;
	v3 =	vmul.f32 v7, v13;
	v7 =	vld.idx.msk [tilespmem:v8+s31+$0x0], $0xffff;
	v8 =	vor.u32 $0x1F, v1  }
0x3b5: {  	v13 =	vld.idx.msk [tilespmem:v9+s30+$0x0], $0xffff  }
0x3b6: {  	v2 =	vadd.f32 v3, v2;
	v3 =	vmul.f32 v4, v10;
	v4 =	vld.idx.msk [tilespmem:v9+s31+$0x0], $0xffff;
	v9 =	vor.u32 $0x20, v1  }
0x3b7: {  	v10 =	vld.idx.msk [tilespmem:v6+s30+$0x0], $0xffff  }
0x3b8: {  	v2 =	vadd.f32 v3, v2;
	v3 =	vmul.f32 v5, v11;
	v5 =	vld.idx.msk [tilespmem:v6+s31+$0x0], $0xffff;
	v6 =	vor.u32 $0x21, v1  }
0x3b9: {  	v11 =	vld.idx.msk [tilespmem:v8+s30+$0x0], $0xffff  }
0x3ba: {  	v2 =	vadd.f32 v3, v2;
	v3 =	vmul.f32 v7, v12;
	v7 =	vld.idx.msk [tilespmem:v8+s31+$0x0], $0xffff;
	v8 =	vor.u32 $0x22, v1  }
0x3bb: {  	v12 =	vld.idx.msk [tilespmem:v9+s30+$0x0], $0xffff  }
0x3bc: {  	v2 =	vadd.f32 v3, v2;
	v3 =	vmul.f32 v4, v13;
	v4 =	vld.idx.msk [tilespmem:v9+s31+$0x0], $0xffff;
	v9 =	vor.u32 $0x23, v1  }
0x3bd: {  	v13 =	vld.idx.msk [tilespmem:v6+s30+$0x0], $0xffff  }
0x3be: {  	v2 =	vadd.f32 v3, v2;
	v3 =	vmul.f32 v5, v10;
	v5 =	vld.idx.msk [tilespmem:v6+s31+$0x0], $0xffff;
	v6 =	vor.u32 $0x24, v1  }
0x3bf: {  	v10 =	vld.idx.msk [tilespmem:v8+s30+$0x0], $0xffff  }
0x3c0: {  	v2 =	vadd.f32 v3, v2;
	v3 =	vmul.f32 v7, v11;
	v7 =	vld.idx.msk [tilespmem:v8+s31+$0x0], $0xffff;
	v8 =	vor.u32 $0x25, v1  }
0x3c1: {  	v11 =	vld.idx.msk [tilespmem:v9+s30+$0x0], $0xffff  }
0x3c2: {  	v2 =	vadd.f32 v3, v2;
	v3 =	vmul.f32 v4, v12;
	v4 =	vld.idx.msk [tilespmem:v9+s31+$0x0], $0xffff;
	v9 =	vor.u32 $0x26, v1  }
0x3c3: {  	v12 =	vld.idx.msk [tilespmem:v6+s30+$0x0], $0xffff  }
0x3c4: {  	v2 =	vadd.f32 v3, v2;
	v3 =	vmul.f32 v5, v13;
	v5 =	vld.idx.msk [tilespmem:v6+s31+$0x0], $0xffff;
	v6 =	vor.u32 $0x27, v1  }
0x3c5: {  	v13 =	vld.idx.msk [tilespmem:v8+s30+$0x0], $0xffff  }
0x3c6: {  	v2 =	vadd.f32 v3, v2;
	v3 =	vmul.f32 v7, v10;
	v7 =	vld.idx.msk [tilespmem:v8+s31+$0x0], $0xffff;
	v8 =	vor.u32 $0x28, v1  }
0x3c7: {  	v10 =	vld.idx.msk [tilespmem:v9+s30+$0x0], $0xffff  }
0x3c8: {  	v2 =	vadd.f32 v3, v2;
	v3 =	vmul.f32 v4, v11;
	v4 =	vld.idx.msk [tilespmem:v9+s31+$0x0], $0xffff;
	v9 =	vor.u32 $0x29, v1  }
0x3c9: {  	v11 =	vld.idx.msk [tilespmem:v6+s30+$0x0], $0xffff  }
0x3ca: {  	v2 =	vadd.f32 v3, v2;
	v3 =	vmul.f32 v5, v12;
	v5 =	vld.idx.msk [tilespmem:v6+s31+$0x0], $0xffff;
	v6 =	vor.u32 $0x2A, v1  }
0x3cb: {  	v12 =	vld.idx.msk [tilespmem:v8+s30+$0x0], $0xffff  }
0x3cc: {  	v2 =	vadd.f32 v3, v2;
	v3 =	vmul.f32 v7, v13;
	v7 =	vld.idx.msk [tilespmem:v8+s31+$0x0], $0xffff;
	v8 =	vor.u32 $0x2B, v1  }
0x3cd: {  	v13 =	vld.idx.msk [tilespmem:v9+s30+$0x0], $0xffff  }
0x3ce: {  	v2 =	vadd.f32 v3, v2;
	v3 =	vmul.f32 v4, v10;
	v4 =	vld.idx.msk [tilespmem:v9+s31+$0x0], $0xffff;
	v9 =	vor.u32 $0x2C, v1  }
0x3cf: {  	v10 =	vld.idx.msk [tilespmem:v6+s30+$0x0], $0xffff  }
0x3d0: {  	v2 =	vadd.f32 v3, v2;
	v3 =	vmul.f32 v5, v11;
	v5 =	vld.idx.msk [tilespmem:v6+s31+$0x0], $0xffff;
	v6 =	vor.u32 $0x2D, v1  }
0x3d1: {  	v11 =	vld.idx.msk [tilespmem:v8+s30+$0x0], $0xffff  }
0x3d2: {  	v2 =	vadd.f32 v3, v2;
	v3 =	vmul.f32 v7, v12;
	v7 =	vld.idx.msk [tilespmem:v8+s31+$0x0], $0xffff;
	v8 =	vor.u32 $0x2E, v1  }
0x3d3: {  	v12 =	vld.idx.msk [tilespmem:v9+s30+$0x0], $0xffff  }
0x3d4: {  	v2 =	vadd.f32 v3, v2;
	v3 =	vmul.f32 v4, v13;
	v4 =	vld.idx.msk [tilespmem:v9+s31+$0x0], $0xffff;
	v9 =	vor.u32 $0x2F, v1  }
0x3d5: {  	v13 =	vld.idx.msk [tilespmem:v6+s30+$0x0], $0xffff  }
0x3d6: {  	v2 =	vadd.f32 v3, v2;
	v3 =	vmul.f32 v5, v10;
	v5 =	vld.idx.msk [tilespmem:v6+s31+$0x0], $0xffff;
	v6 =	vor.u32 $0x30, v1  }
0x3d7: {  	v10 =	vld.idx.msk [tilespmem:v8+s30+$0x0], $0xffff  }
0x3d8: {  	v2 =	vadd.f32 v3, v2;
	v3 =	vmul.f32 v7, v11;
	v7 =	vld.idx.msk [tilespmem:v8+s31+$0x0], $0xffff;
	v8 =	vor.u32 $0x31, v1  }
0x3d9: {  	v11 =	vld.idx.msk [tilespmem:v9+s30+$0x0], $0xffff  }
0x3da: {  	v2 =	vadd.f32 v3, v2;
	v3 =	vmul.f32 v4, v12;
	v4 =	vld.idx.msk [tilespmem:v9+s31+$0x0], $0xffff;
	v9 =	vor.u32 $0x32, v1  }
0x3db: {  	v12 =	vld.idx.msk [tilespmem:v6+s30+$0x0], $0xffff  }
0x3dc: {  	v2 =	vadd.f32 v3, v2;
	v3 =	vmul.f32 v5, v13;
	v5 =	vld.idx.msk [tilespmem:v6+s31+$0x0], $0xffff;
	v6 =	vor.u32 $0x33, v1  }
0x3dd: {  	v13 =	vld.idx.msk [tilespmem:v8+s30+$0x0], $0xffff  }
0x3de: {  	v2 =	vadd.f32 v3, v2;
	v3 =	vmul.f32 v7, v10;
	v7 =	vld.idx.msk [tilespmem:v8+s31+$0x0], $0xffff;
	v8 =	vor.u32 $0x34, v1  }
0x3df: {  	v10 =	vld.idx.msk [tilespmem:v9+s30+$0x0], $0xffff  }
0x3e0: {  	v2 =	vadd.f32 v3, v2;
	v3 =	vmul.f32 v4, v11;
	v4 =	vld.idx.msk [tilespmem:v9+s31+$0x0], $0xffff;
	v9 =	vor.u32 $0x35, v1  }
0x3e1: {  	v11 =	vld.idx.msk [tilespmem:v6+s30+$0x0], $0xffff  }
0x3e2: {  	v2 =	vadd.f32 v3, v2;
	v3 =	vmul.f32 v5, v12;
	v5 =	vld.idx.msk [tilespmem:v6+s31+$0x0], $0xffff;
	v6 =	vor.u32 $0x36, v1  }
0x3e3: {  	v12 =	vld.idx.msk [tilespmem:v8+s30+$0x0], $0xffff  }
0x3e4: {  	v2 =	vadd.f32 v3, v2;
	v3 =	vmul.f32 v7, v13;
	v7 =	vld.idx.msk [tilespmem:v8+s31+$0x0], $0xffff;
	v8 =	vor.u32 $0x37, v1  }
0x3e5: {  	v13 =	vld.idx.msk [tilespmem:v9+s30+$0x0], $0xffff  }
0x3e6: {  	v2 =	vadd.f32 v3, v2;
	v3 =	vmul.f32 v4, v10;
	v4 =	vld.idx.msk [tilespmem:v9+s31+$0x0], $0xffff;
	v9 =	vor.u32 $0x38, v1  }
0x3e7: {  	v10 =	vld.idx.msk [tilespmem:v6+s30+$0x0], $0xffff  }
0x3e8: {  	v2 =	vadd.f32 v3, v2;
	v3 =	vmul.f32 v5, v11;
	v5 =	vld.idx.msk [tilespmem:v6+s31+$0x0], $0xffff;
	v6 =	vor.u32 $0x39, v1  }
0x3e9: {  	v11 =	vld.idx.msk [tilespmem:v8+s30+$0x0], $0xffff  }
0x3ea: {  	v2 =	vadd.f32 v3, v2;
	v3 =	vmul.f32 v7, v12;
	v7 =	vld.idx.msk [tilespmem:v8+s31+$0x0], $0xffff;
	v8 =	vor.u32 $0x3A, v1  }
0x3eb: {  	v12 =	vld.idx.msk [tilespmem:v9+s30+$0x0], $0xffff  }
0x3ec: {  	v2 =	vadd.f32 v3, v2;
	v3 =	vmul.f32 v4, v13;
	v4 =	vld.idx.msk [tilespmem:v9+s31+$0x0], $0xffff;
	v9 =	vor.u32 $0x3B, v1  }
0x3ed: {  	v13 =	vld.idx.msk [tilespmem:v6+s30+$0x0], $0xffff  }
0x3ee: {  	v2 =	vadd.f32 v3, v2;
	v3 =	vmul.f32 v5, v10;
	v5 =	vld.idx.msk [tilespmem:v6+s31+$0x0], $0xffff;
	v6 =	vor.u32 $0x3C, v1  }
0x3ef: {  	v10 =	vld.idx.msk [tilespmem:v8+s30+$0x0], $0xffff  }
0x3f0: {  	v2 =	vadd.f32 v3, v2;
	v3 =	vmul.f32 v7, v11;
	v7 =	vld.idx.msk [tilespmem:v8+s31+$0x0], $0xffff;
	v8 =	vor.u32 $0x3D, v1  }
0x3f1: {  	v11 =	vld.idx.msk [tilespmem:v9+s30+$0x0], $0xffff  }
0x3f2: {  	v2 =	vadd.f32 v3, v2;
	v3 =	vmul.f32 v4, v12;
	v4 =	vld.idx.msk [tilespmem:v9+s31+$0x0], $0xffff;
	v9 =	vor.u32 $0x3E, v1  }
0x3f3: {  	v12 =	vld.idx.msk [tilespmem:v6+s30+$0x0], $0xffff  }
0x3f4: {  	v1 =	vor.u32 $0x3F, v1;
	v2 =	vadd.f32 v3, v2;
	v3 =	vmul.f32 v5, v13;
	v5 =	vld.idx.msk [tilespmem:v6+s31+$0x0], $0xffff  }
0x3f5: {  	v6 =	vld.idx.msk [tilespmem:v8+s30+$0x0], $0xffff  }
0x3f6: {  	v2 =	vadd.f32 v3, v2;
	v3 =	vmul.f32 v7, v10;
	v7 =	vld.idx.msk [tilespmem:v8+s31+$0x0], $0xffff  }
0x3f7: {  	v8 =	vld.idx.msk [tilespmem:v9+s30+$0x0], $0xffff  }
0x3f8: {  	v3 =	vadd.f32 v3, v2;
	v4 =	vmul.f32 v4, v11;
	v9 =	vld.idx.msk [tilespmem:v9+s31+$0x0], $0xffff  }
0x3f9: {  	v2 =	vld.idx.msk [tilespmem:v1+s30+$0x0], $0xffff  }
0x3fa: {  	v4 =	vadd.f32 v4, v3;
	v5 =	vmul.f32 v5, v12;
	v3 =	vld.idx.msk [tilespmem:v1+s31+$0x0], $0xffff  }
.Ltmp3:
0x3fb: {  	(pc) =	sbr.rel @p0 .LBB2_8-.Ltmp3, $3  }
0x3fc: {  	v1 =	vadd.f32 v5, v4;
	v4 =	vmul.f32 v7, v6;
	_ =	sdelay $0x1  }
0x3fd: {  	v6 =	vmov s9;
	v4 =	vadd.f32 v4, v1;
	v5 =	vmul.f32 v9, v8  }
0x3fe: {  	s9 =	sadd.s32 $0x10, s9;
	v1 =	vshll.u32 v6, $0x7  }
0x3ff: {  	v1 =	vor.u32 v0, v1;
	v4 =	vadd.f32 v5, v4;
	v2 =	vmul.f32 v3, v2;
	_ =	sdelay $0x1  }
0x400: {  	v3 =	vor.u32 $0x1, v1;
	v2 =	vadd.f32 v2, v4  }
0x401: {  	s9 =	sand.u32 $0xF0, s21  }
0x402: {  	v31 =	vor.u32 $0x2, v1;
	[tilespmem:s9+$0x10900] =	vst v2  }
0x403: {  	v2 =	vld.idx.msk [tilespmem:v1+s31+$0x0], $0xffff  }
0x404: {  	v6 =	vor.u32 $0x3, v1;
	v32 =	vld.idx.msk [tilespmem:v1+s30+$0x0], $0xffff  }
0x405: {  	v7 =	vld.idx.msk [tilespmem:v3+s30+$0x0], $0xffff  }
0x406: {  	v8 =	vor.u32 $0x4, v1;
	v3 =	vld.idx.msk [tilespmem:v3+s31+$0x0], $0xffff  }
0x407: {  	v9 =	vld.idx.msk [tilespmem:v31+s30+$0x0], $0xffff  }
0x408: {  	v10 =	vor.u32 $0x5, v1;
	v4 =	vld.idx.msk [tilespmem:v31+s31+$0x0], $0xffff  }
0x409: {  	v11 =	vld.idx.msk [tilespmem:v6+s30+$0x0], $0xffff;
	v2 =	vmul.f32 v2, v32  }
0x40a: {  	v34 =	vor.u32 $0x6, v1;
	v33 =	vld.idx.msk [tilespmem:v6+s31+$0x0], $0xffff  }
0x40b: {  	v12 =	vld.idx.msk [tilespmem:v8+s30+$0x0], $0xffff;
	v3 =	vmul.f32 v3, v7;
	v2 =	vadd.f32 $0.0e+00, v2  }
0x40c: {  	v36 =	vor.u32 $0x7, v1;
	v35 =	vld.idx.msk [tilespmem:v8+s31+$0x0], $0xffff  }
0x40d: {  	v13 =	vld.idx.msk [tilespmem:v10+s30+$0x0], $0xffff;
	v2 =	vadd.f32 v3, v2;
	v3 =	vmul.f32 v4, v9  }
0x40e: {  	v38 =	vor.u32 $0x8, v1;
	v37 =	vld.idx.msk [tilespmem:v10+s31+$0x0], $0xffff  }
0x40f: {  	v39 =	vld.idx.msk [tilespmem:v34+s30+$0x0], $0xffff;
	v2 =	vadd.f32 v3, v2;
	v3 =	vmul.f32 v33, v11  }
0x410: {  	v41 =	vor.u32 $0x9, v1;
	v40 =	vld.idx.msk [tilespmem:v34+s31+$0x0], $0xffff  }
0x411: {  	v42 =	vld.idx.msk [tilespmem:v36+s30+$0x0], $0xffff;
	v2 =	vadd.f32 v3, v2;
	v3 =	vmul.f32 v35, v12  }
0x412: {  	v44 =	vor.u32 $0xA, v1;
	v43 =	vld.idx.msk [tilespmem:v36+s31+$0x0], $0xffff  }
0x413: {  	v45 =	vld.idx.msk [tilespmem:v38+s30+$0x0], $0xffff;
	v2 =	vadd.f32 v3, v2;
	v3 =	vmul.f32 v37, v13  }
0x414: {  	v47 =	vor.u32 $0xB, v1;
	v46 =	vld.idx.msk [tilespmem:v38+s31+$0x0], $0xffff  }
0x415: {  	v48 =	vld.idx.msk [tilespmem:v41+s30+$0x0], $0xffff;
	v2 =	vadd.f32 v3, v2;
	v3 =	vmul.f32 v40, v39  }
0x416: {  	v50 =	vor.u32 $0xC, v1;
	v49 =	vld.idx.msk [tilespmem:v41+s31+$0x0], $0xffff  }
0x417: {  	v51 =	vld.idx.msk [tilespmem:v44+s30+$0x0], $0xffff;
	v2 =	vadd.f32 v3, v2;
	v3 =	vmul.f32 v43, v42  }
0x418: {  	v53 =	vor.u32 $0xD, v1;
	v52 =	vld.idx.msk [tilespmem:v44+s31+$0x0], $0xffff  }
0x419: {  	v54 =	vld.idx.msk [tilespmem:v47+s30+$0x0], $0xffff;
	v2 =	vadd.f32 v3, v2;
	v3 =	vmul.f32 v46, v45  }
0x41a: {  	v56 =	vor.u32 $0xE, v1;
	v55 =	vld.idx.msk [tilespmem:v47+s31+$0x0], $0xffff  }
0x41b: {  	v57 =	vld.idx.msk [tilespmem:v50+s30+$0x0], $0xffff;
	v2 =	vadd.f32 v3, v2;
	v3 =	vmul.f32 v49, v48  }
0x41c: {  	v59 =	vor.u32 $0xF, v1;
	v58 =	vld.idx.msk [tilespmem:v50+s31+$0x0], $0xffff  }
0x41d: {  	v60 =	vld.idx.msk [tilespmem:v53+s30+$0x0], $0xffff;
	v2 =	vadd.f32 v3, v2;
	v3 =	vmul.f32 v52, v51  }
0x41e: {  	v62 =	vor.u32 $0x10, v1;
	v61 =	vld.idx.msk [tilespmem:v53+s31+$0x0], $0xffff  }
0x41f: {  	v63 =	vld.idx.msk [tilespmem:v56+s30+$0x0], $0xffff;
	v2 =	vadd.f32 v3, v2;
	v3 =	vmul.f32 v55, v54  }
0x420: {  	v17 =	vor.u32 $0x11, v1;
	v16 =	vld.idx.msk [tilespmem:v56+s31+$0x0], $0xffff  }
0x421: {  	v18 =	vld.idx.msk [tilespmem:v59+s30+$0x0], $0xffff;
	v2 =	vadd.f32 v3, v2;
	v3 =	vmul.f32 v58, v57  }
0x422: {  	v20 =	vor.u32 $0x12, v1;
	v19 =	vld.idx.msk [tilespmem:v59+s31+$0x0], $0xffff  }
0x423: {  	v21 =	vld.idx.msk [tilespmem:v62+s30+$0x0], $0xffff;
	v2 =	vadd.f32 v3, v2;
	v3 =	vmul.f32 v61, v60  }
0x424: {  	v23 =	vor.u32 $0x13, v1;
	v22 =	vld.idx.msk [tilespmem:v62+s31+$0x0], $0xffff  }
0x425: {  	v24 =	vld.idx.msk [tilespmem:v17+s30+$0x0], $0xffff;
	v2 =	vadd.f32 v3, v2;
	v3 =	vmul.f32 v16, v63  }
0x426: {  	v26 =	vor.u32 $0x14, v1;
	v25 =	vld.idx.msk [tilespmem:v17+s31+$0x0], $0xffff  }
0x427: {  	v27 =	vld.idx.msk [tilespmem:v20+s30+$0x0], $0xffff;
	v2 =	vadd.f32 v3, v2;
	v3 =	vmul.f32 v19, v18  }
0x428: {  	v29 =	vor.u32 $0x15, v1;
	v28 =	vld.idx.msk [tilespmem:v20+s31+$0x0], $0xffff  }
0x429: {  	v30 =	vld.idx.msk [tilespmem:v23+s30+$0x0], $0xffff;
	v2 =	vadd.f32 v3, v2;
	v3 =	vmul.f32 v22, v21  }
0x42a: {  	v31 =	vld.idx.msk [tilespmem:v23+s31+$0x0], $0xffff;
	v32 =	vor.u32 $0x16, v1  }
0x42b: {  	v34 =	vld.idx.msk [tilespmem:v26+s31+$0x0], $0xffff;
	v2 =	vadd.f32 v3, v2;
	v3 =	vmul.f32 v25, v24  }
0x42c: {  	v33 =	vld.idx.msk [tilespmem:v26+s30+$0x0], $0xffff;
	v35 =	vor.u32 $0x17, v1  }
0x42d: {  	v36 =	vld.idx.msk [tilespmem:v29+s30+$0x0], $0xffff;
	v2 =	vadd.f32 v3, v2;
	v3 =	vmul.f32 v28, v27  }
0x42e: {  	v38 =	vor.u32 $0x18, v1;
	v37 =	vld.idx.msk [tilespmem:v29+s31+$0x0], $0xffff  }
0x42f: {  	v39 =	vld.idx.msk [tilespmem:v32+s30+$0x0], $0xffff;
	v2 =	vadd.f32 v3, v2;
	v3 =	vmul.f32 v31, v30  }
0x430: {  	v41 =	vor.u32 $0x19, v1;
	v40 =	vld.idx.msk [tilespmem:v32+s31+$0x0], $0xffff  }
0x431: {  	v42 =	vld.idx.msk [tilespmem:v35+s30+$0x0], $0xffff;
	v2 =	vadd.f32 v3, v2;
	v3 =	vmul.f32 v34, v33  }
0x432: {  	v44 =	vor.u32 $0x1A, v1;
	v43 =	vld.idx.msk [tilespmem:v35+s31+$0x0], $0xffff  }
0x433: {  	v45 =	vld.idx.msk [tilespmem:v38+s30+$0x0], $0xffff;
	v2 =	vadd.f32 v3, v2;
	v3 =	vmul.f32 v37, v36  }
0x434: {  	v47 =	vor.u32 $0x1B, v1;
	v46 =	vld.idx.msk [tilespmem:v38+s31+$0x0], $0xffff  }
0x435: {  	v48 =	vld.idx.msk [tilespmem:v41+s30+$0x0], $0xffff;
	v2 =	vadd.f32 v3, v2;
	v3 =	vmul.f32 v40, v39  }
0x436: {  	v50 =	vor.u32 $0x1C, v1;
	v49 =	vld.idx.msk [tilespmem:v41+s31+$0x0], $0xffff  }
0x437: {  	v51 =	vld.idx.msk [tilespmem:v44+s30+$0x0], $0xffff;
	v2 =	vadd.f32 v3, v2;
	v3 =	vmul.f32 v43, v42  }
0x438: {  	v53 =	vor.u32 $0x1D, v1;
	v52 =	vld.idx.msk [tilespmem:v44+s31+$0x0], $0xffff  }
0x439: {  	v54 =	vld.idx.msk [tilespmem:v47+s30+$0x0], $0xffff;
	v2 =	vadd.f32 v3, v2;
	v3 =	vmul.f32 v46, v45  }
0x43a: {  	v56 =	vor.u32 $0x1E, v1;
	v55 =	vld.idx.msk [tilespmem:v47+s31+$0x0], $0xffff  }
0x43b: {  	v57 =	vld.idx.msk [tilespmem:v50+s30+$0x0], $0xffff;
	v2 =	vadd.f32 v3, v2;
	v3 =	vmul.f32 v49, v48  }
0x43c: {  	v59 =	vor.u32 $0x1F, v1;
	v58 =	vld.idx.msk [tilespmem:v50+s31+$0x0], $0xffff  }
0x43d: {  	v60 =	vld.idx.msk [tilespmem:v53+s30+$0x0], $0xffff;
	v2 =	vadd.f32 v3, v2;
	v3 =	vmul.f32 v52, v51  }
0x43e: {  	v62 =	vor.u32 $0x20, v1;
	v61 =	vld.idx.msk [tilespmem:v53+s31+$0x0], $0xffff  }
0x43f: {  	v63 =	vld.idx.msk [tilespmem:v56+s30+$0x0], $0xffff;
	v2 =	vadd.f32 v3, v2;
	v3 =	vmul.f32 v55, v54  }
0x440: {  	v17 =	vor.u32 $0x21, v1;
	v16 =	vld.idx.msk [tilespmem:v56+s31+$0x0], $0xffff  }
0x441: {  	v18 =	vld.idx.msk [tilespmem:v59+s30+$0x0], $0xffff;
	v2 =	vadd.f32 v3, v2;
	v3 =	vmul.f32 v58, v57  }
0x442: {  	v20 =	vor.u32 $0x22, v1;
	v19 =	vld.idx.msk [tilespmem:v59+s31+$0x0], $0xffff  }
0x443: {  	v21 =	vld.idx.msk [tilespmem:v62+s30+$0x0], $0xffff;
	v2 =	vadd.f32 v3, v2;
	v3 =	vmul.f32 v61, v60  }
0x444: {  	v23 =	vor.u32 $0x23, v1;
	v22 =	vld.idx.msk [tilespmem:v62+s31+$0x0], $0xffff  }
0x445: {  	v24 =	vld.idx.msk [tilespmem:v17+s30+$0x0], $0xffff;
	v2 =	vadd.f32 v3, v2;
	v3 =	vmul.f32 v16, v63  }
0x446: {  	v26 =	vor.u32 $0x24, v1;
	v25 =	vld.idx.msk [tilespmem:v17+s31+$0x0], $0xffff  }
0x447: {  	v27 =	vld.idx.msk [tilespmem:v20+s30+$0x0], $0xffff;
	v2 =	vadd.f32 v3, v2;
	v3 =	vmul.f32 v19, v18  }
0x448: {  	v29 =	vor.u32 $0x25, v1;
	v28 =	vld.idx.msk [tilespmem:v20+s31+$0x0], $0xffff  }
0x449: {  	v30 =	vld.idx.msk [tilespmem:v23+s30+$0x0], $0xffff;
	v2 =	vadd.f32 v3, v2;
	v3 =	vmul.f32 v22, v21  }
0x44a: {  	v32 =	vor.u32 $0x26, v1;
	v31 =	vld.idx.msk [tilespmem:v23+s31+$0x0], $0xffff  }
0x44b: {  	v33 =	vld.idx.msk [tilespmem:v26+s30+$0x0], $0xffff;
	v2 =	vadd.f32 v3, v2;
	v3 =	vmul.f32 v25, v24  }
0x44c: {  	v35 =	vor.u32 $0x27, v1;
	v34 =	vld.idx.msk [tilespmem:v26+s31+$0x0], $0xffff  }
0x44d: {  	v36 =	vld.idx.msk [tilespmem:v29+s30+$0x0], $0xffff;
	v2 =	vadd.f32 v3, v2;
	v3 =	vmul.f32 v28, v27  }
0x44e: {  	v38 =	vor.u32 $0x28, v1;
	v37 =	vld.idx.msk [tilespmem:v29+s31+$0x0], $0xffff  }
0x44f: {  	v39 =	vld.idx.msk [tilespmem:v32+s30+$0x0], $0xffff;
	v2 =	vadd.f32 v3, v2;
	v3 =	vmul.f32 v31, v30  }
0x450: {  	v41 =	vor.u32 $0x29, v1;
	v40 =	vld.idx.msk [tilespmem:v32+s31+$0x0], $0xffff  }
0x451: {  	v42 =	vld.idx.msk [tilespmem:v35+s30+$0x0], $0xffff;
	v2 =	vadd.f32 v3, v2;
	v3 =	vmul.f32 v34, v33  }
0x452: {  	v44 =	vor.u32 $0x2A, v1;
	v43 =	vld.idx.msk [tilespmem:v35+s31+$0x0], $0xffff  }
0x453: {  	v45 =	vld.idx.msk [tilespmem:v38+s30+$0x0], $0xffff;
	v2 =	vadd.f32 v3, v2;
	v3 =	vmul.f32 v37, v36  }
0x454: {  	v47 =	vor.u32 $0x2B, v1;
	v46 =	vld.idx.msk [tilespmem:v38+s31+$0x0], $0xffff  }
0x455: {  	v48 =	vld.idx.msk [tilespmem:v41+s30+$0x0], $0xffff;
	v2 =	vadd.f32 v3, v2;
	v3 =	vmul.f32 v40, v39  }
0x456: {  	v50 =	vor.u32 $0x2C, v1;
	v49 =	vld.idx.msk [tilespmem:v41+s31+$0x0], $0xffff  }
0x457: {  	v51 =	vld.idx.msk [tilespmem:v44+s30+$0x0], $0xffff;
	v2 =	vadd.f32 v3, v2;
	v3 =	vmul.f32 v43, v42  }
0x458: {  	v53 =	vor.u32 $0x2D, v1;
	v52 =	vld.idx.msk [tilespmem:v44+s31+$0x0], $0xffff  }
0x459: {  	v54 =	vld.idx.msk [tilespmem:v47+s30+$0x0], $0xffff;
	v2 =	vadd.f32 v3, v2;
	v3 =	vmul.f32 v46, v45  }
0x45a: {  	v56 =	vor.u32 $0x2E, v1;
	v55 =	vld.idx.msk [tilespmem:v47+s31+$0x0], $0xffff  }
0x45b: {  	v57 =	vld.idx.msk [tilespmem:v50+s30+$0x0], $0xffff;
	v2 =	vadd.f32 v3, v2;
	v3 =	vmul.f32 v49, v48  }
0x45c: {  	v59 =	vor.u32 $0x2F, v1;
	v58 =	vld.idx.msk [tilespmem:v50+s31+$0x0], $0xffff  }
0x45d: {  	v60 =	vld.idx.msk [tilespmem:v53+s30+$0x0], $0xffff;
	v2 =	vadd.f32 v3, v2;
	v3 =	vmul.f32 v52, v51  }
0x45e: {  	v62 =	vor.u32 $0x30, v1;
	v61 =	vld.idx.msk [tilespmem:v53+s31+$0x0], $0xffff  }
0x45f: {  	v63 =	vld.idx.msk [tilespmem:v56+s30+$0x0], $0xffff;
	v2 =	vadd.f32 v3, v2;
	v3 =	vmul.f32 v55, v54  }
0x460: {  	v17 =	vor.u32 $0x31, v1;
	v16 =	vld.idx.msk [tilespmem:v56+s31+$0x0], $0xffff  }
0x461: {  	v18 =	vld.idx.msk [tilespmem:v59+s30+$0x0], $0xffff;
	v2 =	vadd.f32 v3, v2;
	v3 =	vmul.f32 v58, v57  }
0x462: {  	v20 =	vor.u32 $0x32, v1;
	v19 =	vld.idx.msk [tilespmem:v59+s31+$0x0], $0xffff  }
0x463: {  	v21 =	vld.idx.msk [tilespmem:v62+s30+$0x0], $0xffff;
	v2 =	vadd.f32 v3, v2;
	v3 =	vmul.f32 v61, v60  }
0x464: {  	v23 =	vor.u32 $0x33, v1;
	v22 =	vld.idx.msk [tilespmem:v62+s31+$0x0], $0xffff  }
0x465: {  	v24 =	vld.idx.msk [tilespmem:v17+s30+$0x0], $0xffff;
	v2 =	vadd.f32 v3, v2;
	v3 =	vmul.f32 v16, v63  }
0x466: {  	v26 =	vor.u32 $0x34, v1;
	v25 =	vld.idx.msk [tilespmem:v17+s31+$0x0], $0xffff  }
0x467: {  	v27 =	vld.idx.msk [tilespmem:v20+s30+$0x0], $0xffff;
	v2 =	vadd.f32 v3, v2;
	v3 =	vmul.f32 v19, v18  }
0x468: {  	v29 =	vor.u32 $0x35, v1;
	v28 =	vld.idx.msk [tilespmem:v20+s31+$0x0], $0xffff  }
0x469: {  	v30 =	vld.idx.msk [tilespmem:v23+s30+$0x0], $0xffff;
	v2 =	vadd.f32 v3, v2;
	v3 =	vmul.f32 v22, v21  }
0x46a: {  	v32 =	vor.u32 $0x36, v1;
	v31 =	vld.idx.msk [tilespmem:v23+s31+$0x0], $0xffff  }
0x46b: {  	v33 =	vld.idx.msk [tilespmem:v26+s30+$0x0], $0xffff;
	v2 =	vadd.f32 v3, v2;
	v3 =	vmul.f32 v25, v24  }
0x46c: {  	v35 =	vor.u32 $0x37, v1;
	v34 =	vld.idx.msk [tilespmem:v26+s31+$0x0], $0xffff  }
0x46d: {  	v36 =	vld.idx.msk [tilespmem:v29+s30+$0x0], $0xffff;
	v2 =	vadd.f32 v3, v2;
	v3 =	vmul.f32 v28, v27  }
0x46e: {  	v38 =	vor.u32 $0x38, v1;
	v37 =	vld.idx.msk [tilespmem:v29+s31+$0x0], $0xffff  }
0x46f: {  	v39 =	vld.idx.msk [tilespmem:v32+s30+$0x0], $0xffff;
	v2 =	vadd.f32 v3, v2;
	v3 =	vmul.f32 v31, v30  }
0x470: {  	v41 =	vor.u32 $0x39, v1;
	v40 =	vld.idx.msk [tilespmem:v32+s31+$0x0], $0xffff  }
0x471: {  	v42 =	vld.idx.msk [tilespmem:v35+s30+$0x0], $0xffff;
	v2 =	vadd.f32 v3, v2;
	v3 =	vmul.f32 v34, v33  }
0x472: {  	v44 =	vor.u32 $0x3A, v1;
	v43 =	vld.idx.msk [tilespmem:v35+s31+$0x0], $0xffff  }
0x473: {  	v45 =	vld.idx.msk [tilespmem:v38+s30+$0x0], $0xffff;
	v2 =	vadd.f32 v3, v2;
	v3 =	vmul.f32 v37, v36  }
0x474: {  	v47 =	vor.u32 $0x3B, v1;
	v46 =	vld.idx.msk [tilespmem:v38+s31+$0x0], $0xffff  }
0x475: {  	v48 =	vld.idx.msk [tilespmem:v41+s30+$0x0], $0xffff;
	v2 =	vadd.f32 v3, v2;
	v3 =	vmul.f32 v40, v39  }
0x476: {  	v50 =	vor.u32 $0x3C, v1;
	v49 =	vld.idx.msk [tilespmem:v41+s31+$0x0], $0xffff  }
0x477: {  	v51 =	vld.idx.msk [tilespmem:v44+s30+$0x0], $0xffff;
	v2 =	vadd.f32 v3, v2;
	v3 =	vmul.f32 v43, v42  }
0x478: {  	v53 =	vor.u32 $0x3D, v1;
	v52 =	vld.idx.msk [tilespmem:v44+s31+$0x0], $0xffff  }
0x479: {  	v54 =	vld.idx.msk [tilespmem:v47+s30+$0x0], $0xffff;
	v2 =	vadd.f32 v3, v2;
	v3 =	vmul.f32 v46, v45  }
0x47a: {  	v56 =	vor.u32 $0x3E, v1;
	v55 =	vld.idx.msk [tilespmem:v47+s31+$0x0], $0xffff  }
0x47b: {  	v57 =	vld.idx.msk [tilespmem:v50+s30+$0x0], $0xffff;
	v2 =	vadd.f32 v3, v2;
	v3 =	vmul.f32 v49, v48  }
0x47c: {  	v1 =	vor.u32 $0x3F, v1;
	v58 =	vld.idx.msk [tilespmem:v50+s31+$0x0], $0xffff  }
0x47d: {  	v59 =	vld.idx.msk [tilespmem:v53+s30+$0x0], $0xffff;
	v2 =	vadd.f32 v3, v2;
	v3 =	vmul.f32 v52, v51  }
0x47e: {  	v60 =	vld.idx.msk [tilespmem:v53+s31+$0x0], $0xffff  }
0x47f: {  	v62 =	vld.idx.msk [tilespmem:v56+s31+$0x0], $0xffff;
	v2 =	vadd.f32 v3, v2;
	v3 =	vmul.f32 v55, v54  }
0x480: {  	v61 =	vld.idx.msk [tilespmem:v56+s30+$0x0], $0xffff  }
0x481: {  	v63 =	vld.idx.msk [tilespmem:v1+s30+$0x0], $0xffff;
	v2 =	vadd.f32 v3, v2;
	v3 =	vmul.f32 v58, v57  }
0x482: {  	v1 =	vld.idx.msk [tilespmem:v1+s31+$0x0], $0xffff  }
0x483: {  	v2 =	vadd.f32 v3, v2;
	v3 =	vmul.f32 v60, v59;
	_ =	sdelay $0x1  }
0x484: {  	v2 =	vadd.f32 v3, v2;
	v3 =	vmul.f32 v62, v61;
	_ =	sdelay $0x1  }
0x485: {  	v1 =	vmul.f32 v1, v63;
	v2 =	vadd.f32 v3, v2;
	_ =	sdelay $0x1  }
0x486: {  	v1 =	vadd.f32 v1, v2  }
0x487: {  	s6 =	sand.u32 $0xF0, s6  }
0x488: {  	s18 =	rddreg [dreg:$0x8];
	s21 =	simm.s32 $0x10800;
	[tilespmem:s6+$0x10900] =	vst v1  }
0x489: {  	[hbm4b:s18+s2] =	stream.linear.scatter [tilespmem:s21], [sflag:$0x9], $0x200, $0x38;
	[tilespmem:$0x10A00] =	vst v63  }
0x48a: {  	_ =	swait.ge [sflag:s22], $0x200  }
0x48b: {  	s20 =	sadd.s32 $0x1, s20;
	s23 =	rddreg [dreg:$0x9]  }
0x48c: {  	p0 =	sne.s32 s20, s23  }
.Ltmp4:
0x48d: {  	_ = 	snop;
	(pc) =	sbr.rel @p0 .LBB2_1-.Ltmp4, $3  }
0x48e: {  	_ =	sdelay $0x1  }
0x48f: {  	[sflag:s22] =	ssyncset.done $0x0  }
0x490: {  	[sflag:s22] =	ssyncadd.s32 $0xFFFFFE00  }
0x491: {  	_ =	sfence.sel $0x180000  }
0x492: {  	[bflag:$0x0] =	sbarrier.arrive $0xFFFF  }
0x493: {  	_ =	strace $0x90000047  }
0x494: {  	s0 =	stileid.u32;
	[bflag:$0x2] =	sbarrier.arrive $0xFFFF  }
0x495: {  	p0 =	sne.s32 s0, $0x0;
	s0 =	rddreg [dreg:$0x5]  }
0x496: {  	s0 =	sadd.s32 @!p0 $0x100000, s0  }
0x497: {  	[sflag:s0] =	ssyncadd.tile.s32 @!p0 $0x1;
	_ =	shalt  }
.Lfunc_end2:
_tile_overlayer_lowered:
.L_overlay_start_2:
0x498: {  	(tag) =	ssettag $0x2  }
0x499: {  	s0 =	rddreg [dreg:$0x0];
	s2 =	stileid.u32  }
0x49a: {  	s1 =	rddreg [dreg:$0x1];
	p0 =	sne.s32 s2, $0x0  }
0x49b: {  	s3 =	rddreg [dreg:$0x2];
	[bflag:$0x3] =	sbarrier.arrive $0xFFFF;
	s2 =	simm.s32 @!p0 $0x1C09  }
0x49c: {  	[timem:s3], [sflag:s2] =	dma.local @!p0 [hbm:s0], s1  }
0x49d: {  	s0 =	simm.s32 @!p0 $0x9  }
0x49e: {  	_ =	swait.ge @!p0 [sflag:s0], s1  }
0x49f: {  	s1 =	ssub.s32 @!p0 $0x0, s1;
	[sflag:s0] =	ssyncset.done @!p0 $0x0  }
0x4a0: {  	[sflag:s0] =	ssyncadd.s32 @!p0 s1  }
0x4a1: {  	[bflag:$0x3] =	sbarrier.arrive $0xFFFF  }
0x4a2: {  	_ =	shalt  }

</sc_bundles>
